<compile_context>
chip_gen: v7x
topology: tpu7x:2x2x1
jax: 0.10.2.dev20260603
libtpu: 0.0.44.dev20260713+nightly
codegen_flags: <defaults>
</compile_context>

<pallas_src>
import functools

import jax
import jax.numpy as jnp
from jax import lax
from jax.experimental import pallas as pl
from jax.experimental.pallas import tpu as pltpu
from jax.experimental.pallas import tpu_sc as plsc

_NT = 7
_N = 50000
_D = 128
_E = 80000
_BLK = 2000

_NSUB = 16
_EPS = _E // _NSUB
_EPS_PAD = _EPS + 24
_NVREG2 = (_EPS + 31) // 32
_NPASS = 3
_RSEG = 8448
_CORE_ROWS = _NPASS * _RSEG
_NPAD = 2 * _CORE_ROWS
_GCH = 128
_LROWS = 42
_RPS = _RSEG // _NSUB


def _row(pos):
    return lax.shift_right_arithmetic(pos, 7)


def _col(pos):
    return lax.bitwise_and(pos, _GCH - 1)


def _seg_sums(x, src, dst, zeros):
    mesh = plsc.VectorSubcoreMesh(core_axis_name="c", subcore_axis_name="s")

    @functools.partial(
        pl.kernel,
        mesh=mesh,
        compiler_params=pltpu.CompilerParams(needs_layout_passes=False),
        out_type=jax.ShapeDtypeStruct((_NT, _NPAD, _D), jnp.float32),
        scratch_types=[
            pltpu.VMEM((_EPS_PAD,), jnp.int32),
            pltpu.VMEM((_EPS_PAD,), jnp.int32),
            pltpu.VMEM((_LROWS, _GCH), jnp.int32),
            pltpu.VMEM((_LROWS, _GCH), jnp.int32),
            pltpu.VMEM((_GCH, _D), jnp.float32),
            pltpu.VMEM((_GCH, _D), jnp.float32),
            pltpu.VMEM_SHARED((_RSEG + 16, _D), jnp.float32),
            pltpu.SemaphoreType.DMA,
            pltpu.SemaphoreType.DMA,
            pltpu.SemaphoreType.DMA,
            pltpu.SemaphoreType.DMA,
            pltpu.SemaphoreType.DMA,
            pltpu.SemaphoreType.DMA,
        ],
    )
    def body(src_hbm, dst_hbm, x_hbm, z_hbm, g_hbm,
             src_st, dst_st, ssrc, sdst, rowbuf0, rowbuf1, acc,
             sem0, sem1, sems0, sems1, semw, semz):
        c = lax.axis_index("c")
        s = lax.axis_index("s")
        clo = c * _CORE_ROWS
        ebase = s * _EPS
        lanes = lax.iota(jnp.int32, 16)
        zb = s * _RPS

        pltpu.async_copy(z_hbm.at[pl.ds(zb, _RPS)],
                         acc.at[pl.ds(zb, _RPS)], semz).wait()
        plsc.subcore_barrier()

        def scan(plo):
            def scan_body(i, cnt):
                off = i * 32
                da = dst_st[pl.ds(off, 16)]
                sa = src_st[pl.ds(off, 16)]
                db = dst_st[pl.ds(off + 16, 16)]
                sb = src_st[pl.ds(off + 16, 16)]
                va = (off + lanes) < _EPS
                vb = (off + 16 + lanes) < _EPS
                dla = da - plo
                dlb = db - plo
                ma = (dla >= 0) & (dla < _RSEG) & va
                mb = (dlb >= 0) & (dlb < _RSEG) & vb
                ia = plsc.cumsum(ma.astype(jnp.int32))
                ib = plsc.cumsum(mb.astype(jnp.int32))
                pa = cnt + ia - 1
                plsc.store_scatter(ssrc, [_row(pa), _col(pa)],
                                   sa, mask=ma)
                plsc.store_scatter(sdst, [_row(pa), _col(pa)],
                                   dla, mask=ma)
                cmid = cnt + ia[15]
                pb = cmid + ib - 1
                plsc.store_scatter(ssrc, [_row(pb), _col(pb)],
                                   sb, mask=mb)
                plsc.store_scatter(sdst, [_row(pb), _col(pb)],
                                   dlb, mask=mb)
                return cmid + ib[15]

            cnt = lax.fori_loop(0, _NVREG2, scan_body,
                                jnp.zeros((), jnp.int32))

            for k in range(_GCH // 16):
                pp = cnt + k * 16 + lanes
                plsc.store_scatter(ssrc, [_row(pp), _col(pp)], lanes)
                plsc.store_scatter(sdst, [_row(pp), _col(pp)],
                                   _RSEG + lanes)
            return cnt

        def chunks(cnt):
            nch = (cnt + _GCH - 1) // _GCH

            @pl.when(nch > 0)
            def _():
                pltpu.async_copy(x_hbm.at[ssrc.at[0]], rowbuf0, sem0)

            def pair_body(jj, _):
                for b, bufc, semc, bufn, semn in (
                        (0, rowbuf0, sem0, rowbuf1, sem1),
                        (1, rowbuf1, sem1, rowbuf0, sem0)):
                    j = jj * 2 + b

                    @pl.when(j < nch)
                    def _():
                        pltpu.make_async_copy(
                            x_hbm.at[ssrc.at[j]], bufc, semc).wait()

                        @pl.when(j + 1 < nch)
                        def _():
                            pltpu.async_copy(
                                x_hbm.at[ssrc.at[j + 1]], bufn, semn)

                        pltpu.sync_copy(bufc, acc.at[sdst.at[j]],
                                        add=True)
                return 0

            lax.fori_loop(0, (nch + 1) // 2, pair_body, 0)

        def type_body(t, _):
            pltpu.sync_copy(src_hbm.at[pl.ds(t * _E + ebase, _EPS)],
                            src_st.at[pl.ds(0, _EPS)])
            pltpu.sync_copy(dst_hbm.at[pl.ds(t * _E + ebase, _EPS)],
                            dst_st.at[pl.ds(0, _EPS)])

            cnt = scan(clo)
            for p in range(_NPASS):
                chunks(cnt)
                plsc.subcore_barrier()
                w = pltpu.async_copy(
                    acc.at[pl.ds(zb, _RPS)],
                    g_hbm.at[t, pl.ds(clo + p * _RSEG + zb, _RPS)], semw)
                if p + 1 < _NPASS:
                    cnt = scan(clo + (p + 1) * _RSEG)
                w.wait()
                pltpu.async_copy(z_hbm.at[pl.ds(zb, _RPS)],
                                 acc.at[pl.ds(zb, _RPS)], semz).wait()
                plsc.subcore_barrier()
            return 0

        lax.fori_loop(0, _NT, type_body, 0)

    return body(src, dst, x, zeros)


def _combine_body(x_ref, g_ref, ws_ref, wn_ref, b_ref, o_ref):
    x = x_ref[...]
    acc = jnp.dot(x, jnp.sum(ws_ref[...], axis=0),
                  preferred_element_type=jnp.float32)
    g = g_ref[...]
    for t in range(_NT):
        acc = acc + jnp.dot(g[t], wn_ref[t],
                            preferred_element_type=jnp.float32)
    o_ref[...] = (acc + jnp.sum(b_ref[...], axis=0)) * (1.0 / _NT)


def _combine(x, G, Wself, Wnbr, B):
    grid = (_N // _BLK,)
    return pl.pallas_call(
        _combine_body,
        grid=grid,
        in_specs=[
            pl.BlockSpec((_BLK, _D), lambda i: (i, 0)),
            pl.BlockSpec((_NT, _BLK, _D), lambda i: (0, i, 0)),
            pl.BlockSpec((_NT, _D, _D), lambda i: (0, 0, 0)),
            pl.BlockSpec((_NT, _D, _D), lambda i: (0, 0, 0)),
            pl.BlockSpec((_NT, _D), lambda i: (0, 0)),
        ],
        out_specs=pl.BlockSpec((_BLK, _D), lambda i: (i, 0)),
        out_shape=jax.ShapeDtypeStruct((_N, _D), jnp.float32),
    )(x, G, Wself, Wnbr, B)


def kernel(x, edge_index_candidate2candidate, W_self_candidate2candidate, W_nbr_candidate2candidate, b_candidate2candidate, edge_index_candidate2document, W_self_candidate2document, W_nbr_candidate2document, b_candidate2document, edge_index_candidate2entity, W_self_candidate2entity, W_nbr_candidate2entity, b_candidate2entity, edge_index_codocument, W_self_codocument, W_nbr_codocument, b_codocument, edge_index_comention, W_self_comention, W_nbr_comention, b_comention, edge_index_document2entity, W_self_document2entity, W_nbr_document2entity, b_document2entity, edge_index_entity, W_self_entity, W_nbr_entity, b_entity):
    edges = [edge_index_candidate2candidate, edge_index_candidate2document,
             edge_index_candidate2entity, edge_index_codocument,
             edge_index_comention, edge_index_document2entity,
             edge_index_entity]
    Wself = jnp.stack([W_self_candidate2candidate, W_self_candidate2document,
                       W_self_candidate2entity, W_self_codocument,
                       W_self_comention, W_self_document2entity,
                       W_self_entity])
    Wnbr = jnp.stack([W_nbr_candidate2candidate, W_nbr_candidate2document,
                      W_nbr_candidate2entity, W_nbr_codocument,
                      W_nbr_comention, W_nbr_document2entity,
                      W_nbr_entity])
    B = jnp.stack([b_candidate2candidate, b_candidate2document,
                   b_candidate2entity, b_codocument, b_comention,
                   b_document2entity, b_entity])
    SRC = jnp.concatenate([e[0] for e in edges])
    DST = jnp.concatenate([e[1] for e in edges])
    zeros = jnp.zeros((_RSEG, _D), jnp.float32)

    G = _seg_sums(x, SRC, DST, zeros)
    return _combine(x, G, Wself, Wnbr, B)

# --- scband reference (transcript-rebuilt; emitter-appended) ---
"""Pipeline reference for scband-switch-gnn-20942260535353 (READ-ONLY COPY).

The authoritative reference and input builder live on the scoring server;
editing this copy changes nothing except your own understanding.
"""

import jax, jax.numpy as jnp
import numpy as np

EDGE_TYPES = ['candidate2candidate', 'candidate2document', 'candidate2entity', 'codocument', 'comention', 'document2entity', 'entity']
N_NODES = 50000
D = 128
E_PER_TYPE = 80000


def setup_inputs(seed: int = 0) -> dict:
    key = jax.random.key(seed)
    inp = {}
    k, key = jax.random.split(key)
    inp['x'] = jax.random.normal(k, (N_NODES, D), dtype=jnp.float32)
    for t in EDGE_TYPES:
        k1, k2, k3, key = jax.random.split(key, 4)
        inp[f'edge_index_{t}'] = jax.random.randint(k1, (2, E_PER_TYPE), 0, N_NODES, dtype=jnp.int32)
        inp[f'W_self_{t}'] = jax.random.normal(k2, (D, D), dtype=jnp.float32) * (1.0 / np.sqrt(D))
        inp[f'W_nbr_{t}'] = jax.random.normal(k3, (D, D), dtype=jnp.float32) * (1.0 / np.sqrt(D))
        inp[f'b_{t}'] = jnp.zeros((D,), dtype=jnp.float32)
    return inp


def _gnn(x, edge_index, W_self, W_nbr, b):
    # One GraphConv-style message passing layer (the wrapped gnn instance,
    # specialized per edge type by SwitchModule).
    src = edge_index[0]
    dst = edge_index[1]
    h = x @ W_nbr                      # node-level transform
    msg = jnp.take(h, src, axis=0)     # gather over edges (memory bound)
    agg = jax.ops.segment_sum(msg, dst, num_segments=x.shape[0])  # scatter-add
    return x @ W_self + agg + b


def reference(x,
              edge_index_candidate2candidate, W_self_candidate2candidate, W_nbr_candidate2candidate, b_candidate2candidate,
              edge_index_candidate2document, W_self_candidate2document, W_nbr_candidate2document, b_candidate2document,
              edge_index_candidate2entity, W_self_candidate2entity, W_nbr_candidate2entity, b_candidate2entity,
              edge_index_codocument, W_self_codocument, W_nbr_codocument, b_codocument,
              edge_index_comention, W_self_comention, W_nbr_comention, b_comention,
              edge_index_document2entity, W_self_document2entity, W_nbr_document2entity, b_document2entity,
              edge_index_entity, W_self_entity, W_nbr_entity, b_entity):
    kw = dict(locals())
    # SwitchGNN.forward: run each edge type through its own gnn, then average.
    x = kw['x']
    type_messages = []
    for t in EDGE_TYPES:
        out_t = _gnn(x, kw[f'edge_index_{t}'], kw[f'W_self_{t}'], kw[f'W_nbr_{t}'], kw[f'b_{t}'])
        type_messages.append(out_t)
    x_agg = type_messages[0]
    for m in type_messages[1:]:
        x_agg = x_agg + m
    x_agg = x_agg / len(type_messages)
    return x_agg

if __name__ == "__main__":
    import jax
    _d = setup_inputs()
    print(jax.jit(kernel)(*tuple(_d.values())))

</pallas_src>

<mosaic_0001>
#map = affine_map<(d0, d1) -> (0)>
#map1 = affine_map<(d0, d1) -> (0, 0)>
#map2 = affine_map<(d0, d1) -> (0, 0, 0)>
module attributes {stable_mosaic.version = 14 : i64} {
  func.func @body(%arg0: i32, %arg1: i32, %arg2: memref<560000xi32, #tpu.memory_space<hbm>>, %arg3: memref<560000xi32, #tpu.memory_space<hbm>>, %arg4: memref<50000x128xf32, #tpu.memory_space<hbm>>, %arg5: memref<8448x128xf32, #tpu.memory_space<hbm>>, %arg6: memref<7x50688x128xf32, #tpu.memory_space<hbm>>, %arg7: memref<5024xi32, #tpu.memory_space<vmem>>, %arg8: memref<5024xi32, #tpu.memory_space<vmem>>, %arg9: memref<42x128xi32, #tpu.memory_space<vmem>>, %arg10: memref<42x128xi32, #tpu.memory_space<vmem>>, %arg11: memref<128x128xf32, #tpu.memory_space<vmem>>, %arg12: memref<128x128xf32, #tpu.memory_space<vmem>>, %arg13: memref<8464x128xf32, #tpu.memory_space<vmem_shared>>, %arg14: memref<!tpu.dma_semaphore, #tpu.memory_space<semaphore_mem>>, %arg15: memref<!tpu.dma_semaphore, #tpu.memory_space<semaphore_mem>>, %arg16: memref<!tpu.dma_semaphore, #tpu.memory_space<semaphore_mem>>, %arg17: memref<!tpu.dma_semaphore, #tpu.memory_space<semaphore_mem>>, %arg18: memref<!tpu.dma_semaphore, #tpu.memory_space<semaphore_mem>>, %arg19: memref<!tpu.dma_semaphore, #tpu.memory_space<semaphore_mem>>) attributes {dimension_semantics = [#tpu.dimension_semantics<core_parallel>, #tpu.dimension_semantics<subcore_parallel>], iteration_bounds = array<i64: 2, 16>, scalar_prefetch = 0 : i64, scratch_operands = 13 : i64, tpu.core_type = #tpu.core_type<sc_vector_subcore>, window_params = [{transform_indices = #map}, {transform_indices = #map}, {transform_indices = #map1}, {transform_indices = #map1}, {transform_indices = #map2}]} {
    %mul3A = arith.constant 25344 : i32
    %mul3A_0 = arith.muli %arg0, %mul3A : i32
    %mul3A_1 = arith.constant 5000 : i32
    %mul3A_2 = arith.muli %arg1, %mul3A_1 : i32
    %iota3A = tpu.iota {dimensions = array<i32: 0>} : vector<16xi32>
    %mul3A_3 = arith.constant 528 : i32
    %mul3A_4 = arith.muli %arg1, %mul3A_3 : i32
    %dma_start3A = arith.constant 0 : i32
    %dma_start3A_5 = tpu.memref_slice %arg13[%mul3A_4, %dma_start3A] : memref<8464x128xf32, #tpu.memory_space<vmem_shared>> -> memref<528x128xf32, #tpu.memory_space<vmem_shared>>
    %dma_start3A_6 = arith.constant 0 : i32
    %dma_start3A_7 = tpu.memref_slice %arg5[%mul3A_4, %dma_start3A_6] : memref<8448x128xf32, #tpu.memory_space<hbm>> -> memref<528x128xf32, #tpu.memory_space<hbm>>
    tpu.enqueue_dma source(%dma_start3A_7 : memref<528x128xf32, #tpu.memory_space<hbm>>) target(%dma_start3A_5 : memref<528x128xf32, #tpu.memory_space<vmem_shared>>) target_semaphore(%arg19 : memref<!tpu.dma_semaphore, #tpu.memory_space<semaphore_mem>>)
    %dma_wait3A = arith.constant 0 : i32
    %dma_wait3A_8 = tpu.memref_slice %arg13[%mul3A_4, %dma_wait3A] : memref<8464x128xf32, #tpu.memory_space<vmem_shared>> -> memref<528x128xf32, #tpu.memory_space<vmem_shared>>
    %dma_wait3A_9 = arith.constant 0 : i32
    %dma_wait3A_10 = tpu.memref_slice %arg5[%mul3A_4, %dma_wait3A_9] : memref<8448x128xf32, #tpu.memory_space<hbm>> -> memref<528x128xf32, #tpu.memory_space<hbm>>
    tpu.wait_dma2 semaphore(%arg19 : memref<!tpu.dma_semaphore, #tpu.memory_space<semaphore_mem>>) src(%dma_wait3A_10 : memref<528x128xf32, #tpu.memory_space<hbm>>) dst(%dma_wait3A_8 : memref<528x128xf32, #tpu.memory_space<vmem_shared>>)
    %barrier3A = arith.constant 0 : index
    tpu.barrier barrier_id(%barrier3A)
    %scan3A = arith.constant 0 : i32
    %scan3A_11 = arith.constant 0 : i32
    %scan3A_12 = arith.constant 7 : i32
    %scan3A_13 = arith.addi %scan3A_11, %scan3A_12 : i32
    %scan3A_14 = arith.constant 1 : i32
    %scan3A_15 = scf.for %scan3A_17 = %scan3A_11 to %scan3A_13 step %scan3A_14 iter_args(%scan3A_18 = %scan3A) -> (i32)  : i32 {
      %mul3A_19 = arith.constant 80000 : i32
      %mul3A_20 = arith.muli %scan3A_17, %mul3A_19 : i32
      %add3A = arith.addi %mul3A_20, %mul3A_2 : i32
      "tpu.region"() ({
        %run_scoped3A = tpu.sem_alloc : memref<!tpu.dma_semaphore, #tpu.memory_space<semaphore_mem>>
        %dma_start3A_775 = arith.constant 0 : i32
        %dma_start3A_776 = tpu.memref_slice %arg7[%dma_start3A_775] : memref<5024xi32, #tpu.memory_space<vmem>> -> memref<5000xi32, #tpu.memory_space<vmem>>
        %dma_start3A_777 = tpu.memref_slice %arg2[%add3A] : memref<560000xi32, #tpu.memory_space<hbm>> -> memref<5000xi32, #tpu.memory_space<hbm>>
        %dma_start3A_778 = arith.constant 0 : i32
        %dma_start3A_779 = tpu.memref_slice %arg7[%dma_start3A_778] : memref<5024xi32, #tpu.memory_space<vmem>> -> memref<5000xi32, #tpu.memory_space<vmem>>
        %dma_start3A_780 = tpu.memref_slice %arg2[%add3A] : memref<560000xi32, #tpu.memory_space<hbm>> -> memref<5000xi32, #tpu.memory_space<hbm>>
        tpu.enqueue_dma source(%dma_start3A_780 : memref<5000xi32, #tpu.memory_space<hbm>>) target(%dma_start3A_779 : memref<5000xi32, #tpu.memory_space<vmem>>) target_semaphore(%run_scoped3A : memref<!tpu.dma_semaphore, #tpu.memory_space<semaphore_mem>>)
        %dma_wait3A_781 = arith.constant 0 : i32
        %dma_wait3A_782 = tpu.memref_slice %arg7[%dma_wait3A_781] : memref<5024xi32, #tpu.memory_space<vmem>> -> memref<5000xi32, #tpu.memory_space<vmem>>
        %dma_wait3A_783 = tpu.memref_slice %arg2[%add3A] : memref<560000xi32, #tpu.memory_space<hbm>> -> memref<5000xi32, #tpu.memory_space<hbm>>
        %dma_wait3A_784 = arith.constant 0 : i32
        %dma_wait3A_785 = tpu.memref_slice %arg7[%dma_wait3A_784] : memref<5024xi32, #tpu.memory_space<vmem>> -> memref<5000xi32, #tpu.memory_space<vmem>>
        %dma_wait3A_786 = tpu.memref_slice %arg2[%add3A] : memref<560000xi32, #tpu.memory_space<hbm>> -> memref<5000xi32, #tpu.memory_space<hbm>>
        tpu.wait_dma2 semaphore(%run_scoped3A : memref<!tpu.dma_semaphore, #tpu.memory_space<semaphore_mem>>) src(%dma_wait3A_786 : memref<5000xi32, #tpu.memory_space<hbm>>) dst(%dma_wait3A_785 : memref<5000xi32, #tpu.memory_space<vmem>>)
        tpu.yield
      }) : () -> ()
      %mul3A_21 = arith.constant 80000 : i32
      %mul3A_22 = arith.muli %scan3A_17, %mul3A_21 : i32
      %add3A_23 = arith.addi %mul3A_22, %mul3A_2 : i32
      "tpu.region"() ({
        %run_scoped3A = tpu.sem_alloc : memref<!tpu.dma_semaphore, #tpu.memory_space<semaphore_mem>>
        %dma_start3A_775 = arith.constant 0 : i32
        %dma_start3A_776 = tpu.memref_slice %arg8[%dma_start3A_775] : memref<5024xi32, #tpu.memory_space<vmem>> -> memref<5000xi32, #tpu.memory_space<vmem>>
        %dma_start3A_777 = tpu.memref_slice %arg3[%add3A_23] : memref<560000xi32, #tpu.memory_space<hbm>> -> memref<5000xi32, #tpu.memory_space<hbm>>
        %dma_start3A_778 = arith.constant 0 : i32
        %dma_start3A_779 = tpu.memref_slice %arg8[%dma_start3A_778] : memref<5024xi32, #tpu.memory_space<vmem>> -> memref<5000xi32, #tpu.memory_space<vmem>>
        %dma_start3A_780 = tpu.memref_slice %arg3[%add3A_23] : memref<560000xi32, #tpu.memory_space<hbm>> -> memref<5000xi32, #tpu.memory_space<hbm>>
        tpu.enqueue_dma source(%dma_start3A_780 : memref<5000xi32, #tpu.memory_space<hbm>>) target(%dma_start3A_779 : memref<5000xi32, #tpu.memory_space<vmem>>) target_semaphore(%run_scoped3A : memref<!tpu.dma_semaphore, #tpu.memory_space<semaphore_mem>>)
        %dma_wait3A_781 = arith.constant 0 : i32
        %dma_wait3A_782 = tpu.memref_slice %arg8[%dma_wait3A_781] : memref<5024xi32, #tpu.memory_space<vmem>> -> memref<5000xi32, #tpu.memory_space<vmem>>
        %dma_wait3A_783 = tpu.memref_slice %arg3[%add3A_23] : memref<560000xi32, #tpu.memory_space<hbm>> -> memref<5000xi32, #tpu.memory_space<hbm>>
        %dma_wait3A_784 = arith.constant 0 : i32
        %dma_wait3A_785 = tpu.memref_slice %arg8[%dma_wait3A_784] : memref<5024xi32, #tpu.memory_space<vmem>> -> memref<5000xi32, #tpu.memory_space<vmem>>
        %dma_wait3A_786 = tpu.memref_slice %arg3[%add3A_23] : memref<560000xi32, #tpu.memory_space<hbm>> -> memref<5000xi32, #tpu.memory_space<hbm>>
        tpu.wait_dma2 semaphore(%run_scoped3A : memref<!tpu.dma_semaphore, #tpu.memory_space<semaphore_mem>>) src(%dma_wait3A_786 : memref<5000xi32, #tpu.memory_space<hbm>>) dst(%dma_wait3A_785 : memref<5000xi32, #tpu.memory_space<vmem>>)
        tpu.yield
      }) : () -> ()
      %scan3A_24 = arith.constant 0 : i32
      %scan3A_25 = arith.constant 0 : i32
      %scan3A_26 = arith.constant 157 : i32
      %scan3A_27 = arith.addi %scan3A_25, %scan3A_26 : i32
      %scan3A_28 = arith.constant 1 : i32
      %scan3A_29 = scf.for %scan3A_775 = %scan3A_25 to %scan3A_27 step %scan3A_28 iter_args(%scan3A_776 = %scan3A_24) -> (i32)  : i32 {
        %mul3A_777 = arith.constant 32 : i32
        %mul3A_778 = arith.muli %scan3A_775, %mul3A_777 : i32
        %get3A = arith.index_cast %mul3A_778 : i32 to index
        %get3A_779 = tpu.vector_load %arg8[%get3A] {strides = array<i32>} : memref<5024xi32, #tpu.memory_space<vmem>>, vector<16xi32>,
        %get3A_780 = arith.index_cast %mul3A_778 : i32 to index
        %get3A_781 = tpu.vector_load %arg7[%get3A_780] {strides = array<i32>} : memref<5024xi32, #tpu.memory_space<vmem>>, vector<16xi32>,
        %add3A_782 = arith.constant 16 : i32
        %add3A_783 = arith.addi %mul3A_778, %add3A_782 : i32
        %get3A_784 = arith.index_cast %add3A_783 : i32 to index
        %get3A_785 = tpu.vector_load %arg8[%get3A_784] {strides = array<i32>} : memref<5024xi32, #tpu.memory_space<vmem>>, vector<16xi32>,
        %add3A_786 = arith.constant 16 : i32
        %add3A_787 = arith.addi %mul3A_778, %add3A_786 : i32
        %get3A_788 = arith.index_cast %add3A_787 : i32 to index
        %get3A_789 = tpu.vector_load %arg7[%get3A_788] {strides = array<i32>} : memref<5024xi32, #tpu.memory_space<vmem>>, vector<16xi32>,
        %add3A_790 = vector.broadcast %mul3A_778 : i32 to vector<16xi32>
        %add3A_791 = arith.addi %add3A_790, %iota3A : vector<16xi32>
        %lt3A = arith.constant 5000 : i32
        %lt3A_792 = vector.broadcast %lt3A : i32 to vector<16xi32>
        %lt3A_793 = arith.cmpi slt, %add3A_791, %lt3A_792 : vector<16xi32>
        %add3A_794 = arith.constant 16 : i32
        %add3A_795 = arith.addi %mul3A_778, %add3A_794 : i32
        %add3A_796 = vector.broadcast %add3A_795 : i32 to vector<16xi32>
        %add3A_797 = arith.addi %add3A_796, %iota3A : vector<16xi32>
        %lt3A_798 = arith.constant 5000 : i32
        %lt3A_799 = vector.broadcast %lt3A_798 : i32 to vector<16xi32>
        %lt3A_800 = arith.cmpi slt, %add3A_797, %lt3A_799 : vector<16xi32>
        %sub3A_801 = vector.broadcast %mul3A_0 : i32 to vector<16xi32>
        %sub3A_802 = arith.subi %get3A_779, %sub3A_801 : vector<16xi32>
        %sub3A_803 = vector.broadcast %mul3A_0 : i32 to vector<16xi32>
        %sub3A_804 = arith.subi %get3A_785, %sub3A_803 : vector<16xi32>
        %ge3A = arith.constant 0 : i32
        %ge3A_805 = vector.broadcast %ge3A : i32 to vector<16xi32>
        %ge3A_806 = arith.cmpi sge, %sub3A_802, %ge3A_805 : vector<16xi32>
        %lt3A_807 = arith.constant 8448 : i32
        %lt3A_808 = vector.broadcast %lt3A_807 : i32 to vector<16xi32>
        %lt3A_809 = arith.cmpi slt, %sub3A_802, %lt3A_808 : vector<16xi32>
        %and3A_810 = arith.andi %ge3A_806, %lt3A_809 : vector<16xi1>
        %and3A_811 = arith.andi %and3A_810, %lt3A_793 : vector<16xi1>
        %ge3A_812 = arith.constant 0 : i32
        %ge3A_813 = vector.broadcast %ge3A_812 : i32 to vector<16xi32>
        %ge3A_814 = arith.cmpi sge, %sub3A_804, %ge3A_813 : vector<16xi32>
        %lt3A_815 = arith.constant 8448 : i32
        %lt3A_816 = vector.broadcast %lt3A_815 : i32 to vector<16xi32>
        %lt3A_817 = arith.cmpi slt, %sub3A_804, %lt3A_816 : vector<16xi32>
        %and3A_818 = arith.andi %ge3A_814, %lt3A_817 : vector<16xi1>
        %and3A_819 = arith.andi %and3A_818, %lt3A_800 : vector<16xi1>
        %convert_element_type3A_820 = arith.extui %and3A_811 : vector<16xi1> to vector<16xi32>
        %broadcast_in_dim3A = arith.constant true
        %broadcast_in_dim3A_821 = vector.broadcast %broadcast_in_dim3A : i1 to vector<16xi1>
        %masked_cumsum3A = tpu.scan <sum>, %convert_element_type3A_820 masked %broadcast_in_dim3A_821 : vector<16xi32>, vector<16xi1> -> vector<16xi32>
        %convert_element_type3A_822 = arith.extui %and3A_819 : vector<16xi1> to vector<16xi32>
        %broadcast_in_dim3A_823 = arith.constant true
        %broadcast_in_dim3A_824 = vector.broadcast %broadcast_in_dim3A_823 : i1 to vector<16xi1>
        %masked_cumsum3A_825 = tpu.scan <sum>, %convert_element_type3A_822 masked %broadcast_in_dim3A_824 : vector<16xi32>, vector<16xi1> -> vector<16xi32>
        %add3A_826 = vector.broadcast %scan3A_776 : i32 to vector<16xi32>
        %add3A_827 = arith.addi %add3A_826, %masked_cumsum3A : vector<16xi32>
        %sub3A_828 = arith.constant 1 : i32
        %sub3A_829 = vector.broadcast %sub3A_828 : i32 to vector<16xi32>
        %sub3A_830 = arith.subi %add3A_827, %sub3A_829 : vector<16xi32>
        %shift_right_arithmetic3A_831 = arith.constant 7 : i32
        %shift_right_arithmetic3A_832 = vector.broadcast %shift_right_arithmetic3A_831 : i32 to vector<16xi32>
        %shift_right_arithmetic3A_833 = arith.shrsi %sub3A_830, %shift_right_arithmetic3A_832 : vector<16xi32>
        %and3A_834 = arith.constant 127 : i32
        %and3A_835 = vector.broadcast %and3A_834 : i32 to vector<16xi32>
        %and3A_836 = arith.andi %sub3A_830, %and3A_835 : vector<16xi32>
        tpu.vector_store_idx %arg9[%shift_right_arithmetic3A_833, %and3A_836], %get3A_781 masked %and3A_811 : memref<42x128xi32, #tpu.memory_space<vmem>>[vector<16xi32>, vector<16xi32>], vector<16xi32>, vector<16xi1>
        %shift_right_arithmetic3A_837 = arith.constant 7 : i32
        %shift_right_arithmetic3A_838 = vector.broadcast %shift_right_arithmetic3A_837 : i32 to vector<16xi32>
        %shift_right_arithmetic3A_839 = arith.shrsi %sub3A_830, %shift_right_arithmetic3A_838 : vector<16xi32>
        %and3A_840 = arith.constant 127 : i32
        %and3A_841 = vector.broadcast %and3A_840 : i32 to vector<16xi32>
        %and3A_842 = arith.andi %sub3A_830, %and3A_841 : vector<16xi32>
        tpu.vector_store_idx %arg10[%shift_right_arithmetic3A_839, %and3A_842], %sub3A_802 masked %and3A_811 : memref<42x128xi32, #tpu.memory_space<vmem>>[vector<16xi32>, vector<16xi32>], vector<16xi32>, vector<16xi1>
        %slice3A = vector.extract_strided_slice %masked_cumsum3A {offsets = [15], sizes = [1], strides = [1]} : vector<16xi32> to vector<1xi32>
        %squeeze3A = vector.extract %slice3A[0] : i32 from vector<1xi32>
        %add3A_843 = arith.addi %scan3A_776, %squeeze3A : i32
        %add3A_844 = vector.broadcast %add3A_843 : i32 to vector<16xi32>
        %add3A_845 = arith.addi %add3A_844, %masked_cumsum3A_825 : vector<16xi32>
        %sub3A_846 = arith.constant 1 : i32
        %sub3A_847 = vector.broadcast %sub3A_846 : i32 to vector<16xi32>
        %sub3A_848 = arith.subi %add3A_845, %sub3A_847 : vector<16xi32>
        %shift_right_arithmetic3A_849 = arith.constant 7 : i32
        %shift_right_arithmetic3A_850 = vector.broadcast %shift_right_arithmetic3A_849 : i32 to vector<16xi32>
        %shift_right_arithmetic3A_851 = arith.shrsi %sub3A_848, %shift_right_arithmetic3A_850 : vector<16xi32>
        %and3A_852 = arith.constant 127 : i32
        %and3A_853 = vector.broadcast %and3A_852 : i32 to vector<16xi32>
        %and3A_854 = arith.andi %sub3A_848, %and3A_853 : vector<16xi32>
        tpu.vector_store_idx %arg9[%shift_right_arithmetic3A_851, %and3A_854], %get3A_789 masked %and3A_819 : memref<42x128xi32, #tpu.memory_space<vmem>>[vector<16xi32>, vector<16xi32>], vector<16xi32>, vector<16xi1>
        %shift_right_arithmetic3A_855 = arith.constant 7 : i32
        %shift_right_arithmetic3A_856 = vector.broadcast %shift_right_arithmetic3A_855 : i32 to vector<16xi32>
        %shift_right_arithmetic3A_857 = arith.shrsi %sub3A_848, %shift_right_arithmetic3A_856 : vector<16xi32>
        %and3A_858 = arith.constant 127 : i32
        %and3A_859 = vector.broadcast %and3A_858 : i32 to vector<16xi32>
        %and3A_860 = arith.andi %sub3A_848, %and3A_859 : vector<16xi32>
        tpu.vector_store_idx %arg10[%shift_right_arithmetic3A_857, %and3A_860], %sub3A_804 masked %and3A_819 : memref<42x128xi32, #tpu.memory_space<vmem>>[vector<16xi32>, vector<16xi32>], vector<16xi32>, vector<16xi1>
        %slice3A_861 = vector.extract_strided_slice %masked_cumsum3A_825 {offsets = [15], sizes = [1], strides = [1]} : vector<16xi32> to vector<1xi32>
        %squeeze3A_862 = vector.extract %slice3A_861[0] : i32 from vector<1xi32>
        %add3A_863 = arith.addi %add3A_843, %squeeze3A_862 : i32
        scf.yield %add3A_863 : i32
      }
      %scan3A_30 = arith.constant 157 : i32
      %add3A_31 = arith.constant 0 : i32
      %add3A_32 = arith.addi %scan3A_29, %add3A_31 : i32
      %add3A_33 = vector.broadcast %add3A_32 : i32 to vector<16xi32>
      %add3A_34 = arith.addi %add3A_33, %iota3A : vector<16xi32>
      %shift_right_arithmetic3A = arith.constant 7 : i32
      %shift_right_arithmetic3A_35 = vector.broadcast %shift_right_arithmetic3A : i32 to vector<16xi32>
      %shift_right_arithmetic3A_36 = arith.shrsi %add3A_34, %shift_right_arithmetic3A_35 : vector<16xi32>
      %and3A = arith.constant 127 : i32
      %and3A_37 = vector.broadcast %and3A : i32 to vector<16xi32>
      %and3A_38 = arith.andi %add3A_34, %and3A_37 : vector<16xi32>
      tpu.vector_store_idx %arg9[%shift_right_arithmetic3A_36, %and3A_38], %iota3A : memref<42x128xi32, #tpu.memory_space<vmem>>[vector<16xi32>, vector<16xi32>], vector<16xi32>,
      %shift_right_arithmetic3A_39 = arith.constant 7 : i32
      %shift_right_arithmetic3A_40 = vector.broadcast %shift_right_arithmetic3A_39 : i32 to vector<16xi32>
      %shift_right_arithmetic3A_41 = arith.shrsi %add3A_34, %shift_right_arithmetic3A_40 : vector<16xi32>
      %and3A_42 = arith.constant 127 : i32
      %and3A_43 = vector.broadcast %and3A_42 : i32 to vector<16xi32>
      %and3A_44 = arith.andi %add3A_34, %and3A_43 : vector<16xi32>
      %add3A_45 = arith.constant 8448 : i32
      %add3A_46 = vector.broadcast %add3A_45 : i32 to vector<16xi32>
      %add3A_47 = arith.addi %add3A_46, %iota3A : vector<16xi32>
      tpu.vector_store_idx %arg10[%shift_right_arithmetic3A_41, %and3A_44], %add3A_47 : memref<42x128xi32, #tpu.memory_space<vmem>>[vector<16xi32>, vector<16xi32>], vector<16xi32>,
      %add3A_48 = arith.constant 16 : i32
      %add3A_49 = arith.addi %scan3A_29, %add3A_48 : i32
      %add3A_50 = vector.broadcast %add3A_49 : i32 to vector<16xi32>
      %add3A_51 = arith.addi %add3A_50, %iota3A : vector<16xi32>
      %shift_right_arithmetic3A_52 = arith.constant 7 : i32
      %shift_right_arithmetic3A_53 = vector.broadcast %shift_right_arithmetic3A_52 : i32 to vector<16xi32>
      %shift_right_arithmetic3A_54 = arith.shrsi %add3A_51, %shift_right_arithmetic3A_53 : vector<16xi32>
      %and3A_55 = arith.constant 127 : i32
      %and3A_56 = vector.broadcast %and3A_55 : i32 to vector<16xi32>
      %and3A_57 = arith.andi %add3A_51, %and3A_56 : vector<16xi32>
      tpu.vector_store_idx %arg9[%shift_right_arithmetic3A_54, %and3A_57], %iota3A : memref<42x128xi32, #tpu.memory_space<vmem>>[vector<16xi32>, vector<16xi32>], vector<16xi32>,
      %shift_right_arithmetic3A_58 = arith.constant 7 : i32
      %shift_right_arithmetic3A_59 = vector.broadcast %shift_right_arithmetic3A_58 : i32 to vector<16xi32>
      %shift_right_arithmetic3A_60 = arith.shrsi %add3A_51, %shift_right_arithmetic3A_59 : vector<16xi32>
      %and3A_61 = arith.constant 127 : i32
      %and3A_62 = vector.broadcast %and3A_61 : i32 to vector<16xi32>
      %and3A_63 = arith.andi %add3A_51, %and3A_62 : vector<16xi32>
      %add3A_64 = arith.constant 8448 : i32
      %add3A_65 = vector.broadcast %add3A_64 : i32 to vector<16xi32>
      %add3A_66 = arith.addi %add3A_65, %iota3A : vector<16xi32>
      tpu.vector_store_idx %arg10[%shift_right_arithmetic3A_60, %and3A_63], %add3A_66 : memref<42x128xi32, #tpu.memory_space<vmem>>[vector<16xi32>, vector<16xi32>], vector<16xi32>,
      %add3A_67 = arith.constant 32 : i32
      %add3A_68 = arith.addi %scan3A_29, %add3A_67 : i32
      %add3A_69 = vector.broadcast %add3A_68 : i32 to vector<16xi32>
      %add3A_70 = arith.addi %add3A_69, %iota3A : vector<16xi32>
      %shift_right_arithmetic3A_71 = arith.constant 7 : i32
      %shift_right_arithmetic3A_72 = vector.broadcast %shift_right_arithmetic3A_71 : i32 to vector<16xi32>
      %shift_right_arithmetic3A_73 = arith.shrsi %add3A_70, %shift_right_arithmetic3A_72 : vector<16xi32>
      %and3A_74 = arith.constant 127 : i32
      %and3A_75 = vector.broadcast %and3A_74 : i32 to vector<16xi32>
      %and3A_76 = arith.andi %add3A_70, %and3A_75 : vector<16xi32>
      tpu.vector_store_idx %arg9[%shift_right_arithmetic3A_73, %and3A_76], %iota3A : memref<42x128xi32, #tpu.memory_space<vmem>>[vector<16xi32>, vector<16xi32>], vector<16xi32>,
      %shift_right_arithmetic3A_77 = arith.constant 7 : i32
      %shift_right_arithmetic3A_78 = vector.broadcast %shift_right_arithmetic3A_77 : i32 to vector<16xi32>
      %shift_right_arithmetic3A_79 = arith.shrsi %add3A_70, %shift_right_arithmetic3A_78 : vector<16xi32>
      %and3A_80 = arith.constant 127 : i32
      %and3A_81 = vector.broadcast %and3A_80 : i32 to vector<16xi32>
      %and3A_82 = arith.andi %add3A_70, %and3A_81 : vector<16xi32>
      %add3A_83 = arith.constant 8448 : i32
      %add3A_84 = vector.broadcast %add3A_83 : i32 to vector<16xi32>
      %add3A_85 = arith.addi %add3A_84, %iota3A : vector<16xi32>
      tpu.vector_store_idx %arg10[%shift_right_arithmetic3A_79, %and3A_82], %add3A_85 : memref<42x128xi32, #tpu.memory_space<vmem>>[vector<16xi32>, vector<16xi32>], vector<16xi32>,
      %add3A_86 = arith.constant 48 : i32
      %add3A_87 = arith.addi %scan3A_29, %add3A_86 : i32
      %add3A_88 = vector.broadcast %add3A_87 : i32 to vector<16xi32>
      %add3A_89 = arith.addi %add3A_88, %iota3A : vector<16xi32>
      %shift_right_arithmetic3A_90 = arith.constant 7 : i32
      %shift_right_arithmetic3A_91 = vector.broadcast %shift_right_arithmetic3A_90 : i32 to vector<16xi32>
      %shift_right_arithmetic3A_92 = arith.shrsi %add3A_89, %shift_right_arithmetic3A_91 : vector<16xi32>
      %and3A_93 = arith.constant 127 : i32
      %and3A_94 = vector.broadcast %and3A_93 : i32 to vector<16xi32>
      %and3A_95 = arith.andi %add3A_89, %and3A_94 : vector<16xi32>
      tpu.vector_store_idx %arg9[%shift_right_arithmetic3A_92, %and3A_95], %iota3A : memref<42x128xi32, #tpu.memory_space<vmem>>[vector<16xi32>, vector<16xi32>], vector<16xi32>,
      %shift_right_arithmetic3A_96 = arith.constant 7 : i32
      %shift_right_arithmetic3A_97 = vector.broadcast %shift_right_arithmetic3A_96 : i32 to vector<16xi32>
      %shift_right_arithmetic3A_98 = arith.shrsi %add3A_89, %shift_right_arithmetic3A_97 : vector<16xi32>
      %and3A_99 = arith.constant 127 : i32
      %and3A_100 = vector.broadcast %and3A_99 : i32 to vector<16xi32>
      %and3A_101 = arith.andi %add3A_89, %and3A_100 : vector<16xi32>
      %add3A_102 = arith.constant 8448 : i32
      %add3A_103 = vector.broadcast %add3A_102 : i32 to vector<16xi32>
      %add3A_104 = arith.addi %add3A_103, %iota3A : vector<16xi32>
      tpu.vector_store_idx %arg10[%shift_right_arithmetic3A_98, %and3A_101], %add3A_104 : memref<42x128xi32, #tpu.memory_space<vmem>>[vector<16xi32>, vector<16xi32>], vector<16xi32>,
      %add3A_105 = arith.constant 64 : i32
      %add3A_106 = arith.addi %scan3A_29, %add3A_105 : i32
      %add3A_107 = vector.broadcast %add3A_106 : i32 to vector<16xi32>
      %add3A_108 = arith.addi %add3A_107, %iota3A : vector<16xi32>
      %shift_right_arithmetic3A_109 = arith.constant 7 : i32
      %shift_right_arithmetic3A_110 = vector.broadcast %shift_right_arithmetic3A_109 : i32 to vector<16xi32>
      %shift_right_arithmetic3A_111 = arith.shrsi %add3A_108, %shift_right_arithmetic3A_110 : vector<16xi32>
      %and3A_112 = arith.constant 127 : i32
      %and3A_113 = vector.broadcast %and3A_112 : i32 to vector<16xi32>
      %and3A_114 = arith.andi %add3A_108, %and3A_113 : vector<16xi32>
      tpu.vector_store_idx %arg9[%shift_right_arithmetic3A_111, %and3A_114], %iota3A : memref<42x128xi32, #tpu.memory_space<vmem>>[vector<16xi32>, vector<16xi32>], vector<16xi32>,
      %shift_right_arithmetic3A_115 = arith.constant 7 : i32
      %shift_right_arithmetic3A_116 = vector.broadcast %shift_right_arithmetic3A_115 : i32 to vector<16xi32>
      %shift_right_arithmetic3A_117 = arith.shrsi %add3A_108, %shift_right_arithmetic3A_116 : vector<16xi32>
      %and3A_118 = arith.constant 127 : i32
      %and3A_119 = vector.broadcast %and3A_118 : i32 to vector<16xi32>
      %and3A_120 = arith.andi %add3A_108, %and3A_119 : vector<16xi32>
      %add3A_121 = arith.constant 8448 : i32
      %add3A_122 = vector.broadcast %add3A_121 : i32 to vector<16xi32>
      %add3A_123 = arith.addi %add3A_122, %iota3A : vector<16xi32>
      tpu.vector_store_idx %arg10[%shift_right_arithmetic3A_117, %and3A_120], %add3A_123 : memref<42x128xi32, #tpu.memory_space<vmem>>[vector<16xi32>, vector<16xi32>], vector<16xi32>,
      %add3A_124 = arith.constant 80 : i32
      %add3A_125 = arith.addi %scan3A_29, %add3A_124 : i32
      %add3A_126 = vector.broadcast %add3A_125 : i32 to vector<16xi32>
      %add3A_127 = arith.addi %add3A_126, %iota3A : vector<16xi32>
      %shift_right_arithmetic3A_128 = arith.constant 7 : i32
      %shift_right_arithmetic3A_129 = vector.broadcast %shift_right_arithmetic3A_128 : i32 to vector<16xi32>
      %shift_right_arithmetic3A_130 = arith.shrsi %add3A_127, %shift_right_arithmetic3A_129 : vector<16xi32>
      %and3A_131 = arith.constant 127 : i32
      %and3A_132 = vector.broadcast %and3A_131 : i32 to vector<16xi32>
      %and3A_133 = arith.andi %add3A_127, %and3A_132 : vector<16xi32>
      tpu.vector_store_idx %arg9[%shift_right_arithmetic3A_130, %and3A_133], %iota3A : memref<42x128xi32, #tpu.memory_space<vmem>>[vector<16xi32>, vector<16xi32>], vector<16xi32>,
      %shift_right_arithmetic3A_134 = arith.constant 7 : i32
      %shift_right_arithmetic3A_135 = vector.broadcast %shift_right_arithmetic3A_134 : i32 to vector<16xi32>
      %shift_right_arithmetic3A_136 = arith.shrsi %add3A_127, %shift_right_arithmetic3A_135 : vector<16xi32>
      %and3A_137 = arith.constant 127 : i32
      %and3A_138 = vector.broadcast %and3A_137 : i32 to vector<16xi32>
      %and3A_139 = arith.andi %add3A_127, %and3A_138 : vector<16xi32>
      %add3A_140 = arith.constant 8448 : i32
      %add3A_141 = vector.broadcast %add3A_140 : i32 to vector<16xi32>
      %add3A_142 = arith.addi %add3A_141, %iota3A : vector<16xi32>
      tpu.vector_store_idx %arg10[%shift_right_arithmetic3A_136, %and3A_139], %add3A_142 : memref<42x128xi32, #tpu.memory_space<vmem>>[vector<16xi32>, vector<16xi32>], vector<16xi32>,
      %add3A_143 = arith.constant 96 : i32
      %add3A_144 = arith.addi %scan3A_29, %add3A_143 : i32
      %add3A_145 = vector.broadcast %add3A_144 : i32 to vector<16xi32>
      %add3A_146 = arith.addi %add3A_145, %iota3A : vector<16xi32>
      %shift_right_arithmetic3A_147 = arith.constant 7 : i32
      %shift_right_arithmetic3A_148 = vector.broadcast %shift_right_arithmetic3A_147 : i32 to vector<16xi32>
      %shift_right_arithmetic3A_149 = arith.shrsi %add3A_146, %shift_right_arithmetic3A_148 : vector<16xi32>
      %and3A_150 = arith.constant 127 : i32
      %and3A_151 = vector.broadcast %and3A_150 : i32 to vector<16xi32>
      %and3A_152 = arith.andi %add3A_146, %and3A_151 : vector<16xi32>
      tpu.vector_store_idx %arg9[%shift_right_arithmetic3A_149, %and3A_152], %iota3A : memref<42x128xi32, #tpu.memory_space<vmem>>[vector<16xi32>, vector<16xi32>], vector<16xi32>,
      %shift_right_arithmetic3A_153 = arith.constant 7 : i32
      %shift_right_arithmetic3A_154 = vector.broadcast %shift_right_arithmetic3A_153 : i32 to vector<16xi32>
      %shift_right_arithmetic3A_155 = arith.shrsi %add3A_146, %shift_right_arithmetic3A_154 : vector<16xi32>
      %and3A_156 = arith.constant 127 : i32
      %and3A_157 = vector.broadcast %and3A_156 : i32 to vector<16xi32>
      %and3A_158 = arith.andi %add3A_146, %and3A_157 : vector<16xi32>
      %add3A_159 = arith.constant 8448 : i32
      %add3A_160 = vector.broadcast %add3A_159 : i32 to vector<16xi32>
      %add3A_161 = arith.addi %add3A_160, %iota3A : vector<16xi32>
      tpu.vector_store_idx %arg10[%shift_right_arithmetic3A_155, %and3A_158], %add3A_161 : memref<42x128xi32, #tpu.memory_space<vmem>>[vector<16xi32>, vector<16xi32>], vector<16xi32>,
      %add3A_162 = arith.constant 112 : i32
      %add3A_163 = arith.addi %scan3A_29, %add3A_162 : i32
      %add3A_164 = vector.broadcast %add3A_163 : i32 to vector<16xi32>
      %add3A_165 = arith.addi %add3A_164, %iota3A : vector<16xi32>
      %shift_right_arithmetic3A_166 = arith.constant 7 : i32
      %shift_right_arithmetic3A_167 = vector.broadcast %shift_right_arithmetic3A_166 : i32 to vector<16xi32>
      %shift_right_arithmetic3A_168 = arith.shrsi %add3A_165, %shift_right_arithmetic3A_167 : vector<16xi32>
      %and3A_169 = arith.constant 127 : i32
      %and3A_170 = vector.broadcast %and3A_169 : i32 to vector<16xi32>
      %and3A_171 = arith.andi %add3A_165, %and3A_170 : vector<16xi32>
      tpu.vector_store_idx %arg9[%shift_right_arithmetic3A_168, %and3A_171], %iota3A : memref<42x128xi32, #tpu.memory_space<vmem>>[vector<16xi32>, vector<16xi32>], vector<16xi32>,
      %shift_right_arithmetic3A_172 = arith.constant 7 : i32
      %shift_right_arithmetic3A_173 = vector.broadcast %shift_right_arithmetic3A_172 : i32 to vector<16xi32>
      %shift_right_arithmetic3A_174 = arith.shrsi %add3A_165, %shift_right_arithmetic3A_173 : vector<16xi32>
      %and3A_175 = arith.constant 127 : i32
      %and3A_176 = vector.broadcast %and3A_175 : i32 to vector<16xi32>
      %and3A_177 = arith.andi %add3A_165, %and3A_176 : vector<16xi32>
      %add3A_178 = arith.constant 8448 : i32
      %add3A_179 = vector.broadcast %add3A_178 : i32 to vector<16xi32>
      %add3A_180 = arith.addi %add3A_179, %iota3A : vector<16xi32>
      tpu.vector_store_idx %arg10[%shift_right_arithmetic3A_174, %and3A_177], %add3A_180 : memref<42x128xi32, #tpu.memory_space<vmem>>[vector<16xi32>, vector<16xi32>], vector<16xi32>,
      %add3A_181 = arith.constant 128 : i32
      %add3A_182 = arith.addi %scan3A_29, %add3A_181 : i32
      %sub3A = arith.constant 1 : i32
      %sub3A_183 = arith.subi %add3A_182, %sub3A : i32
      %jit3A = arith.constant 128 : i32
      %div3A = arith.divsi %sub3A_183, %jit3A : i32
      %sign3A = arith.constant 0 : i32
      %sign3A_184 = arith.cmpi sgt, %sub3A_183, %sign3A : i32
      %sign3A_185 = arith.extui %sign3A_184 : i1 to i32
      %sign3A_186 = arith.constant 0 : i32
      %sign3A_187 = arith.cmpi slt, %sub3A_183, %sign3A_186 : i32
      %sign3A_188 = arith.extui %sign3A_187 : i1 to i32
      %sign3A_189 = arith.subi %sign3A_185, %sign3A_188 : i32
      %sign3A_190 = arith.constant 0 : i32
      %sign3A_191 = arith.cmpi sgt, %jit3A, %sign3A_190 : i32
      %sign3A_192 = arith.extui %sign3A_191 : i1 to i32
      %sign3A_193 = arith.constant 0 : i32
      %sign3A_194 = arith.cmpi slt, %jit3A, %sign3A_193 : i32
      %sign3A_195 = arith.extui %sign3A_194 : i1 to i32
      %sign3A_196 = arith.subi %sign3A_192, %sign3A_195 : i32
      %ne3A = arith.cmpi ne, %sign3A_189, %sign3A_196 : i32
      %rem3A = arith.remsi %sub3A_183, %jit3A : i32
      %ne3A_197 = arith.constant 0 : i32
      %ne3A_198 = arith.cmpi ne, %rem3A, %ne3A_197 : i32
      %and3A_199 = arith.andi %ne3A, %ne3A_198 : i1
      %sub3A_200 = arith.constant 1 : i32
      %sub3A_201 = arith.subi %div3A, %sub3A_200 : i32
      %select_n3A = arith.select %and3A_199, %sub3A_201, %div3A : i32
      %gt3A = arith.constant 0 : i32
      %gt3A_202 = arith.cmpi sgt, %select_n3A, %gt3A : i32
      %convert_element_type3A = arith.extui %gt3A_202 : i1 to i32
      %cond3A = arith.constant 0 : i32
      %cond3A_203 = arith.cmpi ne, %convert_element_type3A, %cond3A : i32
      scf.if %cond3A_203 {
        %dma_start3A_775 = arith.constant 0 : i32
        %dma_start3A_776 = arith.constant 0 : i32
        %dma_start3A_777 = tpu.memref_slice %arg9[%dma_start3A_775, %dma_start3A_776] : memref<42x128xi32, #tpu.memory_space<vmem>> -> memref<1x128xi32, #tpu.memory_space<vmem>>
        %dma_start3A_778 = tpu.memref_squeeze %dma_start3A_777 : memref<1x128xi32, #tpu.memory_space<vmem>> -> memref<128xi32, #tpu.memory_space<vmem>>
        %dma_start3A_779 = arith.constant 0 : i32
        %dma_start3A_780 = arith.constant 0 : i32
        %dma_start3A_781 = tpu.memref_slice %arg4[%dma_start3A_779, %dma_start3A_780] : memref<50000x128xf32, #tpu.memory_space<hbm>> -> memref<50000x128xf32, #tpu.memory_space<hbm>>
        tpu.enqueue_indirect_dma source(%dma_start3A_781 : memref<50000x128xf32, #tpu.memory_space<hbm>>) target(%arg11 : memref<128x128xf32, #tpu.memory_space<vmem>>) offsets(%dma_start3A_778 : memref<128xi32, #tpu.memory_space<vmem>>) semaphore(%arg14 : memref<!tpu.dma_semaphore, #tpu.memory_space<semaphore_mem>>)
      } else {
      }
      %add3A_204 = arith.constant 1 : i32
      %add3A_205 = arith.addi %select_n3A, %add3A_204 : i32
      %jit3A_206 = arith.constant 2 : i32
      %div3A_207 = arith.divsi %add3A_205, %jit3A_206 : i32
      %sign3A_208 = arith.constant 0 : i32
      %sign3A_209 = arith.cmpi sgt, %add3A_205, %sign3A_208 : i32
      %sign3A_210 = arith.extui %sign3A_209 : i1 to i32
      %sign3A_211 = arith.constant 0 : i32
      %sign3A_212 = arith.cmpi slt, %add3A_205, %sign3A_211 : i32
      %sign3A_213 = arith.extui %sign3A_212 : i1 to i32
      %sign3A_214 = arith.subi %sign3A_210, %sign3A_213 : i32
      %sign3A_215 = arith.constant 0 : i32
      %sign3A_216 = arith.cmpi sgt, %jit3A_206, %sign3A_215 : i32
      %sign3A_217 = arith.extui %sign3A_216 : i1 to i32
      %sign3A_218 = arith.constant 0 : i32
      %sign3A_219 = arith.cmpi slt, %jit3A_206, %sign3A_218 : i32
      %sign3A_220 = arith.extui %sign3A_219 : i1 to i32
      %sign3A_221 = arith.subi %sign3A_217, %sign3A_220 : i32
      %ne3A_222 = arith.cmpi ne, %sign3A_214, %sign3A_221 : i32
      %rem3A_223 = arith.remsi %add3A_205, %jit3A_206 : i32
      %ne3A_224 = arith.constant 0 : i32
      %ne3A_225 = arith.cmpi ne, %rem3A_223, %ne3A_224 : i32
      %and3A_226 = arith.andi %ne3A_222, %ne3A_225 : i1
      %sub3A_227 = arith.constant 1 : i32
      %sub3A_228 = arith.subi %div3A_207, %sub3A_227 : i32
      %select_n3A_229 = arith.select %and3A_226, %sub3A_228, %div3A_207 : i32
      %while3A = arith.constant 0 : i32
      %while3A_230 = arith.constant 0 : i32
      %while3A_231 = arith.subi %select_n3A_229, %while3A : i32
      %while3A_232 = arith.addi %while3A, %while3A_231 : i32
      %while3A_233 = arith.constant 1 : i32
      %while3A_234 = arith.divsi %while3A_231, %while3A_233 : i32
      %while3A_235 = arith.muli %while3A_234, %while3A_233 : i32
      %while3A_236 = arith.addi %while3A, %while3A_235 : i32
      %while3A_237 = arith.constant 1 : i32
      %while3A_238 = scf.for %while3A_775 = %while3A to %while3A_236 step %while3A_237 iter_args(%while3A_776 = %while3A_230) -> (i32)  : i32 {
        %mul3A_777 = arith.constant 2 : i32
        %mul3A_778 = arith.muli %while3A_775, %mul3A_777 : i32
        %add3A_779 = arith.constant 0 : i32
        %add3A_780 = arith.addi %mul3A_778, %add3A_779 : i32
        %lt3A = arith.cmpi slt, %add3A_780, %select_n3A : i32
        %convert_element_type3A_781 = arith.extui %lt3A : i1 to i32
        %cond3A_782 = arith.constant 0 : i32
        %cond3A_783 = arith.cmpi ne, %convert_element_type3A_781, %cond3A_782 : i32
        scf.if %cond3A_783 {
          %dma_wait3A_793 = arith.constant 0 : i32
          %dma_wait3A_794 = tpu.memref_slice %arg9[%add3A_780, %dma_wait3A_793] : memref<42x128xi32, #tpu.memory_space<vmem>> -> memref<1x128xi32, #tpu.memory_space<vmem>>
          %dma_wait3A_795 = tpu.memref_squeeze %dma_wait3A_794 : memref<1x128xi32, #tpu.memory_space<vmem>> -> memref<128xi32, #tpu.memory_space<vmem>>
          %dma_wait3A_796 = arith.constant 0 : i32
          %dma_wait3A_797 = arith.constant 0 : i32
          %dma_wait3A_798 = tpu.memref_slice %arg4[%dma_wait3A_796, %dma_wait3A_797] : memref<50000x128xf32, #tpu.memory_space<hbm>> -> memref<50000x128xf32, #tpu.memory_space<hbm>>
          tpu.wait_indirect_dma semaphore(%arg14 : memref<!tpu.dma_semaphore, #tpu.memory_space<semaphore_mem>>) src(%dma_wait3A_798 : memref<50000x128xf32, #tpu.memory_space<hbm>>) dst(%arg11 : memref<128x128xf32, #tpu.memory_space<vmem>>)
          %add3A_799 = arith.constant 1 : i32
          %add3A_800 = arith.addi %add3A_780, %add3A_799 : i32
          %lt3A_801 = arith.cmpi slt, %add3A_800, %select_n3A : i32
          %convert_element_type3A_802 = arith.extui %lt3A_801 : i1 to i32
          %cond3A_803 = arith.constant 0 : i32
          %cond3A_804 = arith.cmpi ne, %convert_element_type3A_802, %cond3A_803 : i32
          scf.if %cond3A_804 {
            %add3A_805 = arith.constant 1 : i32
            %add3A_806 = arith.addi %add3A_780, %add3A_805 : i32
            %dma_start3A_807 = arith.constant 0 : i32
            %dma_start3A_808 = tpu.memref_slice %arg9[%add3A_806, %dma_start3A_807] : memref<42x128xi32, #tpu.memory_space<vmem>> -> memref<1x128xi32, #tpu.memory_space<vmem>>
            %dma_start3A_809 = tpu.memref_squeeze %dma_start3A_808 : memref<1x128xi32, #tpu.memory_space<vmem>> -> memref<128xi32, #tpu.memory_space<vmem>>
            %dma_start3A_810 = arith.constant 0 : i32
            %dma_start3A_811 = arith.constant 0 : i32
            %dma_start3A_812 = tpu.memref_slice %arg4[%dma_start3A_810, %dma_start3A_811] : memref<50000x128xf32, #tpu.memory_space<hbm>> -> memref<50000x128xf32, #tpu.memory_space<hbm>>
            tpu.enqueue_indirect_dma source(%dma_start3A_812 : memref<50000x128xf32, #tpu.memory_space<hbm>>) target(%arg12 : memref<128x128xf32, #tpu.memory_space<vmem>>) offsets(%dma_start3A_809 : memref<128xi32, #tpu.memory_space<vmem>>) semaphore(%arg15 : memref<!tpu.dma_semaphore, #tpu.memory_space<semaphore_mem>>)
          } else {
          }
          "tpu.region"() ({
            %run_scoped3A = tpu.sem_alloc : memref<!tpu.dma_semaphore, #tpu.memory_space<semaphore_mem>>
            %dma_start3A_805 = arith.constant 0 : i32
            %dma_start3A_806 = tpu.memref_slice %arg10[%add3A_780, %dma_start3A_805] : memref<42x128xi32, #tpu.memory_space<vmem>> -> memref<1x128xi32, #tpu.memory_space<vmem>>
            %dma_start3A_807 = tpu.memref_squeeze %dma_start3A_806 : memref<1x128xi32, #tpu.memory_space<vmem>> -> memref<128xi32, #tpu.memory_space<vmem>>
            %dma_start3A_808 = arith.constant 0 : i32
            %dma_start3A_809 = arith.constant 0 : i32
            %dma_start3A_810 = tpu.memref_slice %arg13[%dma_start3A_808, %dma_start3A_809] : memref<8464x128xf32, #tpu.memory_space<vmem_shared>> -> memref<8464x128xf32, #tpu.memory_space<vmem_shared>>
            tpu.enqueue_indirect_dma source(%arg11 : memref<128x128xf32, #tpu.memory_space<vmem>>) target(%dma_start3A_810 : memref<8464x128xf32, #tpu.memory_space<vmem_shared>>) offsets(%dma_start3A_807 : memref<128xi32, #tpu.memory_space<vmem>>) semaphore(%run_scoped3A : memref<!tpu.dma_semaphore, #tpu.memory_space<semaphore_mem>>) {add = true}
            %dma_wait3A_811 = arith.constant 0 : i32
            %dma_wait3A_812 = tpu.memref_slice %arg10[%add3A_780, %dma_wait3A_811] : memref<42x128xi32, #tpu.memory_space<vmem>> -> memref<1x128xi32, #tpu.memory_space<vmem>>
            %dma_wait3A_813 = tpu.memref_squeeze %dma_wait3A_812 : memref<1x128xi32, #tpu.memory_space<vmem>> -> memref<128xi32, #tpu.memory_space<vmem>>
            %dma_wait3A_814 = arith.constant 0 : i32
            %dma_wait3A_815 = arith.constant 0 : i32
            %dma_wait3A_816 = tpu.memref_slice %arg13[%dma_wait3A_814, %dma_wait3A_815] : memref<8464x128xf32, #tpu.memory_space<vmem_shared>> -> memref<8464x128xf32, #tpu.memory_space<vmem_shared>>
            tpu.wait_indirect_dma semaphore(%run_scoped3A : memref<!tpu.dma_semaphore, #tpu.memory_space<semaphore_mem>>) src(%arg11 : memref<128x128xf32, #tpu.memory_space<vmem>>) dst(%dma_wait3A_816 : memref<8464x128xf32, #tpu.memory_space<vmem_shared>>)
            tpu.yield
          }) : () -> ()
        } else {
        }
        %mul3A_784 = arith.constant 2 : i32
        %mul3A_785 = arith.muli %while3A_775, %mul3A_784 : i32
        %add3A_786 = arith.constant 1 : i32
        %add3A_787 = arith.addi %mul3A_785, %add3A_786 : i32
        %lt3A_788 = arith.cmpi slt, %add3A_787, %select_n3A : i32
        %convert_element_type3A_789 = arith.extui %lt3A_788 : i1 to i32
        %cond3A_790 = arith.constant 0 : i32
        %cond3A_791 = arith.cmpi ne, %convert_element_type3A_789, %cond3A_790 : i32
        scf.if %cond3A_791 {
          %dma_wait3A_793 = arith.constant 0 : i32
          %dma_wait3A_794 = tpu.memref_slice %arg9[%add3A_787, %dma_wait3A_793] : memref<42x128xi32, #tpu.memory_space<vmem>> -> memref<1x128xi32, #tpu.memory_space<vmem>>
          %dma_wait3A_795 = tpu.memref_squeeze %dma_wait3A_794 : memref<1x128xi32, #tpu.memory_space<vmem>> -> memref<128xi32, #tpu.memory_space<vmem>>
          %dma_wait3A_796 = arith.constant 0 : i32
          %dma_wait3A_797 = arith.constant 0 : i32
          %dma_wait3A_798 = tpu.memref_slice %arg4[%dma_wait3A_796, %dma_wait3A_797] : memref<50000x128xf32, #tpu.memory_space<hbm>> -> memref<50000x128xf32, #tpu.memory_space<hbm>>
          tpu.wait_indirect_dma semaphore(%arg15 : memref<!tpu.dma_semaphore, #tpu.memory_space<semaphore_mem>>) src(%dma_wait3A_798 : memref<50000x128xf32, #tpu.memory_space<hbm>>) dst(%arg12 : memref<128x128xf32, #tpu.memory_space<vmem>>)
          %add3A_799 = arith.constant 1 : i32
          %add3A_800 = arith.addi %add3A_787, %add3A_799 : i32
          %lt3A_801 = arith.cmpi slt, %add3A_800, %select_n3A : i32
          %convert_element_type3A_802 = arith.extui %lt3A_801 : i1 to i32
          %cond3A_803 = arith.constant 0 : i32
          %cond3A_804 = arith.cmpi ne, %convert_element_type3A_802, %cond3A_803 : i32
          scf.if %cond3A_804 {
            %add3A_805 = arith.constant 1 : i32
            %add3A_806 = arith.addi %add3A_787, %add3A_805 : i32
            %dma_start3A_807 = arith.constant 0 : i32
            %dma_start3A_808 = tpu.memref_slice %arg9[%add3A_806, %dma_start3A_807] : memref<42x128xi32, #tpu.memory_space<vmem>> -> memref<1x128xi32, #tpu.memory_space<vmem>>
            %dma_start3A_809 = tpu.memref_squeeze %dma_start3A_808 : memref<1x128xi32, #tpu.memory_space<vmem>> -> memref<128xi32, #tpu.memory_space<vmem>>
            %dma_start3A_810 = arith.constant 0 : i32
            %dma_start3A_811 = arith.constant 0 : i32
            %dma_start3A_812 = tpu.memref_slice %arg4[%dma_start3A_810, %dma_start3A_811] : memref<50000x128xf32, #tpu.memory_space<hbm>> -> memref<50000x128xf32, #tpu.memory_space<hbm>>
            tpu.enqueue_indirect_dma source(%dma_start3A_812 : memref<50000x128xf32, #tpu.memory_space<hbm>>) target(%arg11 : memref<128x128xf32, #tpu.memory_space<vmem>>) offsets(%dma_start3A_809 : memref<128xi32, #tpu.memory_space<vmem>>) semaphore(%arg14 : memref<!tpu.dma_semaphore, #tpu.memory_space<semaphore_mem>>)
          } else {
          }
          "tpu.region"() ({
            %run_scoped3A = tpu.sem_alloc : memref<!tpu.dma_semaphore, #tpu.memory_space<semaphore_mem>>
            %dma_start3A_805 = arith.constant 0 : i32
            %dma_start3A_806 = tpu.memref_slice %arg10[%add3A_787, %dma_start3A_805] : memref<42x128xi32, #tpu.memory_space<vmem>> -> memref<1x128xi32, #tpu.memory_space<vmem>>
            %dma_start3A_807 = tpu.memref_squeeze %dma_start3A_806 : memref<1x128xi32, #tpu.memory_space<vmem>> -> memref<128xi32, #tpu.memory_space<vmem>>
            %dma_start3A_808 = arith.constant 0 : i32
            %dma_start3A_809 = arith.constant 0 : i32
            %dma_start3A_810 = tpu.memref_slice %arg13[%dma_start3A_808, %dma_start3A_809] : memref<8464x128xf32, #tpu.memory_space<vmem_shared>> -> memref<8464x128xf32, #tpu.memory_space<vmem_shared>>
            tpu.enqueue_indirect_dma source(%arg12 : memref<128x128xf32, #tpu.memory_space<vmem>>) target(%dma_start3A_810 : memref<8464x128xf32, #tpu.memory_space<vmem_shared>>) offsets(%dma_start3A_807 : memref<128xi32, #tpu.memory_space<vmem>>) semaphore(%run_scoped3A : memref<!tpu.dma_semaphore, #tpu.memory_space<semaphore_mem>>) {add = true}
            %dma_wait3A_811 = arith.constant 0 : i32
            %dma_wait3A_812 = tpu.memref_slice %arg10[%add3A_787, %dma_wait3A_811] : memref<42x128xi32, #tpu.memory_space<vmem>> -> memref<1x128xi32, #tpu.memory_space<vmem>>
            %dma_wait3A_813 = tpu.memref_squeeze %dma_wait3A_812 : memref<1x128xi32, #tpu.memory_space<vmem>> -> memref<128xi32, #tpu.memory_space<vmem>>
            %dma_wait3A_814 = arith.constant 0 : i32
            %dma_wait3A_815 = arith.constant 0 : i32
            %dma_wait3A_816 = tpu.memref_slice %arg13[%dma_wait3A_814, %dma_wait3A_815] : memref<8464x128xf32, #tpu.memory_space<vmem_shared>> -> memref<8464x128xf32, #tpu.memory_space<vmem_shared>>
            tpu.wait_indirect_dma semaphore(%run_scoped3A : memref<!tpu.dma_semaphore, #tpu.memory_space<semaphore_mem>>) src(%arg12 : memref<128x128xf32, #tpu.memory_space<vmem>>) dst(%dma_wait3A_816 : memref<8464x128xf32, #tpu.memory_space<vmem_shared>>)
            tpu.yield
          }) : () -> ()
        } else {
        }
        %while3A_792 = arith.constant 0 : i32
        scf.yield %while3A_792 : i32
      }
      %while3A_239 = arith.constant 1 : i32
      %while3A_240 = scf.for %while3A_775 = %while3A_236 to %while3A_232 step %while3A_239 iter_args(%while3A_776 = %while3A_238) -> (i32)  : i32 {
        %mul3A_777 = arith.constant 2 : i32
        %mul3A_778 = arith.muli %while3A_775, %mul3A_777 : i32
        %add3A_779 = arith.constant 0 : i32
        %add3A_780 = arith.addi %mul3A_778, %add3A_779 : i32
        %lt3A = arith.cmpi slt, %add3A_780, %select_n3A : i32
        %convert_element_type3A_781 = arith.extui %lt3A : i1 to i32
        %cond3A_782 = arith.constant 0 : i32
        %cond3A_783 = arith.cmpi ne, %convert_element_type3A_781, %cond3A_782 : i32
        scf.if %cond3A_783 {
          %dma_wait3A_793 = arith.constant 0 : i32
          %dma_wait3A_794 = tpu.memref_slice %arg9[%add3A_780, %dma_wait3A_793] : memref<42x128xi32, #tpu.memory_space<vmem>> -> memref<1x128xi32, #tpu.memory_space<vmem>>
          %dma_wait3A_795 = tpu.memref_squeeze %dma_wait3A_794 : memref<1x128xi32, #tpu.memory_space<vmem>> -> memref<128xi32, #tpu.memory_space<vmem>>
          %dma_wait3A_796 = arith.constant 0 : i32
          %dma_wait3A_797 = arith.constant 0 : i32
          %dma_wait3A_798 = tpu.memref_slice %arg4[%dma_wait3A_796, %dma_wait3A_797] : memref<50000x128xf32, #tpu.memory_space<hbm>> -> memref<50000x128xf32, #tpu.memory_space<hbm>>
          tpu.wait_indirect_dma semaphore(%arg14 : memref<!tpu.dma_semaphore, #tpu.memory_space<semaphore_mem>>) src(%dma_wait3A_798 : memref<50000x128xf32, #tpu.memory_space<hbm>>) dst(%arg11 : memref<128x128xf32, #tpu.memory_space<vmem>>)
          %add3A_799 = arith.constant 1 : i32
          %add3A_800 = arith.addi %add3A_780, %add3A_799 : i32
          %lt3A_801 = arith.cmpi slt, %add3A_800, %select_n3A : i32
          %convert_element_type3A_802 = arith.extui %lt3A_801 : i1 to i32
          %cond3A_803 = arith.constant 0 : i32
          %cond3A_804 = arith.cmpi ne, %convert_element_type3A_802, %cond3A_803 : i32
          scf.if %cond3A_804 {
            %add3A_805 = arith.constant 1 : i32
            %add3A_806 = arith.addi %add3A_780, %add3A_805 : i32
            %dma_start3A_807 = arith.constant 0 : i32
            %dma_start3A_808 = tpu.memref_slice %arg9[%add3A_806, %dma_start3A_807] : memref<42x128xi32, #tpu.memory_space<vmem>> -> memref<1x128xi32, #tpu.memory_space<vmem>>
            %dma_start3A_809 = tpu.memref_squeeze %dma_start3A_808 : memref<1x128xi32, #tpu.memory_space<vmem>> -> memref<128xi32, #tpu.memory_space<vmem>>
            %dma_start3A_810 = arith.constant 0 : i32
            %dma_start3A_811 = arith.constant 0 : i32
            %dma_start3A_812 = tpu.memref_slice %arg4[%dma_start3A_810, %dma_start3A_811] : memref<50000x128xf32, #tpu.memory_space<hbm>> -> memref<50000x128xf32, #tpu.memory_space<hbm>>
            tpu.enqueue_indirect_dma source(%dma_start3A_812 : memref<50000x128xf32, #tpu.memory_space<hbm>>) target(%arg12 : memref<128x128xf32, #tpu.memory_space<vmem>>) offsets(%dma_start3A_809 : memref<128xi32, #tpu.memory_space<vmem>>) semaphore(%arg15 : memref<!tpu.dma_semaphore, #tpu.memory_space<semaphore_mem>>)
          } else {
          }
          "tpu.region"() ({
            %run_scoped3A = tpu.sem_alloc : memref<!tpu.dma_semaphore, #tpu.memory_space<semaphore_mem>>
            %dma_start3A_805 = arith.constant 0 : i32
            %dma_start3A_806 = tpu.memref_slice %arg10[%add3A_780, %dma_start3A_805] : memref<42x128xi32, #tpu.memory_space<vmem>> -> memref<1x128xi32, #tpu.memory_space<vmem>>
            %dma_start3A_807 = tpu.memref_squeeze %dma_start3A_806 : memref<1x128xi32, #tpu.memory_space<vmem>> -> memref<128xi32, #tpu.memory_space<vmem>>
            %dma_start3A_808 = arith.constant 0 : i32
            %dma_start3A_809 = arith.constant 0 : i32
            %dma_start3A_810 = tpu.memref_slice %arg13[%dma_start3A_808, %dma_start3A_809] : memref<8464x128xf32, #tpu.memory_space<vmem_shared>> -> memref<8464x128xf32, #tpu.memory_space<vmem_shared>>
            tpu.enqueue_indirect_dma source(%arg11 : memref<128x128xf32, #tpu.memory_space<vmem>>) target(%dma_start3A_810 : memref<8464x128xf32, #tpu.memory_space<vmem_shared>>) offsets(%dma_start3A_807 : memref<128xi32, #tpu.memory_space<vmem>>) semaphore(%run_scoped3A : memref<!tpu.dma_semaphore, #tpu.memory_space<semaphore_mem>>) {add = true}
            %dma_wait3A_811 = arith.constant 0 : i32
            %dma_wait3A_812 = tpu.memref_slice %arg10[%add3A_780, %dma_wait3A_811] : memref<42x128xi32, #tpu.memory_space<vmem>> -> memref<1x128xi32, #tpu.memory_space<vmem>>
            %dma_wait3A_813 = tpu.memref_squeeze %dma_wait3A_812 : memref<1x128xi32, #tpu.memory_space<vmem>> -> memref<128xi32, #tpu.memory_space<vmem>>
            %dma_wait3A_814 = arith.constant 0 : i32
            %dma_wait3A_815 = arith.constant 0 : i32
            %dma_wait3A_816 = tpu.memref_slice %arg13[%dma_wait3A_814, %dma_wait3A_815] : memref<8464x128xf32, #tpu.memory_space<vmem_shared>> -> memref<8464x128xf32, #tpu.memory_space<vmem_shared>>
            tpu.wait_indirect_dma semaphore(%run_scoped3A : memref<!tpu.dma_semaphore, #tpu.memory_space<semaphore_mem>>) src(%arg11 : memref<128x128xf32, #tpu.memory_space<vmem>>) dst(%dma_wait3A_816 : memref<8464x128xf32, #tpu.memory_space<vmem_shared>>)
            tpu.yield
          }) : () -> ()
        } else {
        }
        %mul3A_784 = arith.constant 2 : i32
        %mul3A_785 = arith.muli %while3A_775, %mul3A_784 : i32
        %add3A_786 = arith.constant 1 : i32
        %add3A_787 = arith.addi %mul3A_785, %add3A_786 : i32
        %lt3A_788 = arith.cmpi slt, %add3A_787, %select_n3A : i32
        %convert_element_type3A_789 = arith.extui %lt3A_788 : i1 to i32
        %cond3A_790 = arith.constant 0 : i32
        %cond3A_791 = arith.cmpi ne, %convert_element_type3A_789, %cond3A_790 : i32
        scf.if %cond3A_791 {
          %dma_wait3A_793 = arith.constant 0 : i32
          %dma_wait3A_794 = tpu.memref_slice %arg9[%add3A_787, %dma_wait3A_793] : memref<42x128xi32, #tpu.memory_space<vmem>> -> memref<1x128xi32, #tpu.memory_space<vmem>>
          %dma_wait3A_795 = tpu.memref_squeeze %dma_wait3A_794 : memref<1x128xi32, #tpu.memory_space<vmem>> -> memref<128xi32, #tpu.memory_space<vmem>>
          %dma_wait3A_796 = arith.constant 0 : i32
          %dma_wait3A_797 = arith.constant 0 : i32
          %dma_wait3A_798 = tpu.memref_slice %arg4[%dma_wait3A_796, %dma_wait3A_797] : memref<50000x128xf32, #tpu.memory_space<hbm>> -> memref<50000x128xf32, #tpu.memory_space<hbm>>
          tpu.wait_indirect_dma semaphore(%arg15 : memref<!tpu.dma_semaphore, #tpu.memory_space<semaphore_mem>>) src(%dma_wait3A_798 : memref<50000x128xf32, #tpu.memory_space<hbm>>) dst(%arg12 : memref<128x128xf32, #tpu.memory_space<vmem>>)
          %add3A_799 = arith.constant 1 : i32
          %add3A_800 = arith.addi %add3A_787, %add3A_799 : i32
          %lt3A_801 = arith.cmpi slt, %add3A_800, %select_n3A : i32
          %convert_element_type3A_802 = arith.extui %lt3A_801 : i1 to i32
          %cond3A_803 = arith.constant 0 : i32
          %cond3A_804 = arith.cmpi ne, %convert_element_type3A_802, %cond3A_803 : i32
          scf.if %cond3A_804 {
            %add3A_805 = arith.constant 1 : i32
            %add3A_806 = arith.addi %add3A_787, %add3A_805 : i32
            %dma_start3A_807 = arith.constant 0 : i32
            %dma_start3A_808 = tpu.memref_slice %arg9[%add3A_806, %dma_start3A_807] : memref<42x128xi32, #tpu.memory_space<vmem>> -> memref<1x128xi32, #tpu.memory_space<vmem>>
            %dma_start3A_809 = tpu.memref_squeeze %dma_start3A_808 : memref<1x128xi32, #tpu.memory_space<vmem>> -> memref<128xi32, #tpu.memory_space<vmem>>
            %dma_start3A_810 = arith.constant 0 : i32
            %dma_start3A_811 = arith.constant 0 : i32
            %dma_start3A_812 = tpu.memref_slice %arg4[%dma_start3A_810, %dma_start3A_811] : memref<50000x128xf32, #tpu.memory_space<hbm>> -> memref<50000x128xf32, #tpu.memory_space<hbm>>
            tpu.enqueue_indirect_dma source(%dma_start3A_812 : memref<50000x128xf32, #tpu.memory_space<hbm>>) target(%arg11 : memref<128x128xf32, #tpu.memory_space<vmem>>) offsets(%dma_start3A_809 : memref<128xi32, #tpu.memory_space<vmem>>) semaphore(%arg14 : memref<!tpu.dma_semaphore, #tpu.memory_space<semaphore_mem>>)
          } else {
          }
          "tpu.region"() ({
            %run_scoped3A = tpu.sem_alloc : memref<!tpu.dma_semaphore, #tpu.memory_space<semaphore_mem>>
            %dma_start3A_805 = arith.constant 0 : i32
            %dma_start3A_806 = tpu.memref_slice %arg10[%add3A_787, %dma_start3A_805] : memref<42x128xi32, #tpu.memory_space<vmem>> -> memref<1x128xi32, #tpu.memory_space<vmem>>
            %dma_start3A_807 = tpu.memref_squeeze %dma_start3A_806 : memref<1x128xi32, #tpu.memory_space<vmem>> -> memref<128xi32, #tpu.memory_space<vmem>>
            %dma_start3A_808 = arith.constant 0 : i32
            %dma_start3A_809 = arith.constant 0 : i32
            %dma_start3A_810 = tpu.memref_slice %arg13[%dma_start3A_808, %dma_start3A_809] : memref<8464x128xf32, #tpu.memory_space<vmem_shared>> -> memref<8464x128xf32, #tpu.memory_space<vmem_shared>>
            tpu.enqueue_indirect_dma source(%arg12 : memref<128x128xf32, #tpu.memory_space<vmem>>) target(%dma_start3A_810 : memref<8464x128xf32, #tpu.memory_space<vmem_shared>>) offsets(%dma_start3A_807 : memref<128xi32, #tpu.memory_space<vmem>>) semaphore(%run_scoped3A : memref<!tpu.dma_semaphore, #tpu.memory_space<semaphore_mem>>) {add = true}
            %dma_wait3A_811 = arith.constant 0 : i32
            %dma_wait3A_812 = tpu.memref_slice %arg10[%add3A_787, %dma_wait3A_811] : memref<42x128xi32, #tpu.memory_space<vmem>> -> memref<1x128xi32, #tpu.memory_space<vmem>>
            %dma_wait3A_813 = tpu.memref_squeeze %dma_wait3A_812 : memref<1x128xi32, #tpu.memory_space<vmem>> -> memref<128xi32, #tpu.memory_space<vmem>>
            %dma_wait3A_814 = arith.constant 0 : i32
            %dma_wait3A_815 = arith.constant 0 : i32
            %dma_wait3A_816 = tpu.memref_slice %arg13[%dma_wait3A_814, %dma_wait3A_815] : memref<8464x128xf32, #tpu.memory_space<vmem_shared>> -> memref<8464x128xf32, #tpu.memory_space<vmem_shared>>
            tpu.wait_indirect_dma semaphore(%run_scoped3A : memref<!tpu.dma_semaphore, #tpu.memory_space<semaphore_mem>>) src(%arg12 : memref<128x128xf32, #tpu.memory_space<vmem>>) dst(%dma_wait3A_816 : memref<8464x128xf32, #tpu.memory_space<vmem_shared>>)
            tpu.yield
          }) : () -> ()
        } else {
        }
        %while3A_792 = arith.constant 0 : i32
        scf.yield %while3A_792 : i32
      }
      %barrier3A_241 = arith.constant 0 : index
      tpu.barrier barrier_id(%barrier3A_241)
      %add3A_242 = arith.constant 0 : i32
      %add3A_243 = arith.addi %mul3A_0, %add3A_242 : i32
      %add3A_244 = arith.addi %add3A_243, %mul3A_4 : i32
      %dma_start3A_245 = arith.constant 0 : i32
      %dma_start3A_246 = tpu.memref_slice %arg6[%scan3A_17, %add3A_244, %dma_start3A_245] : memref<7x50688x128xf32, #tpu.memory_space<hbm>> -> memref<1x528x128xf32, #tpu.memory_space<hbm>>
      %dma_start3A_247 = tpu.memref_squeeze %dma_start3A_246 : memref<1x528x128xf32, #tpu.memory_space<hbm>> -> memref<528x128xf32, #tpu.memory_space<hbm>>
      %dma_start3A_248 = arith.constant 0 : i32
      %dma_start3A_249 = tpu.memref_slice %arg13[%mul3A_4, %dma_start3A_248] : memref<8464x128xf32, #tpu.memory_space<vmem_shared>> -> memref<528x128xf32, #tpu.memory_space<vmem_shared>>
      tpu.enqueue_dma source(%dma_start3A_249 : memref<528x128xf32, #tpu.memory_space<vmem_shared>>) target(%dma_start3A_247 : memref<528x128xf32, #tpu.memory_space<hbm>>) target_semaphore(%arg18 : memref<!tpu.dma_semaphore, #tpu.memory_space<semaphore_mem>>)
      %add3A_250 = arith.constant 8448 : i32
      %add3A_251 = arith.addi %mul3A_0, %add3A_250 : i32
      %scan3A_252 = arith.constant 0 : i32
      %scan3A_253 = arith.constant 0 : i32
      %scan3A_254 = arith.constant 157 : i32
      %scan3A_255 = arith.addi %scan3A_253, %scan3A_254 : i32
      %scan3A_256 = arith.constant 1 : i32
      %scan3A_257 = scf.for %scan3A_775 = %scan3A_253 to %scan3A_255 step %scan3A_256 iter_args(%scan3A_776 = %scan3A_252) -> (i32)  : i32 {
        %mul3A_777 = arith.constant 32 : i32
        %mul3A_778 = arith.muli %scan3A_775, %mul3A_777 : i32
        %get3A = arith.index_cast %mul3A_778 : i32 to index
        %get3A_779 = tpu.vector_load %arg8[%get3A] {strides = array<i32>} : memref<5024xi32, #tpu.memory_space<vmem>>, vector<16xi32>,
        %get3A_780 = arith.index_cast %mul3A_778 : i32 to index
        %get3A_781 = tpu.vector_load %arg7[%get3A_780] {strides = array<i32>} : memref<5024xi32, #tpu.memory_space<vmem>>, vector<16xi32>,
        %add3A_782 = arith.constant 16 : i32
        %add3A_783 = arith.addi %mul3A_778, %add3A_782 : i32
        %get3A_784 = arith.index_cast %add3A_783 : i32 to index
        %get3A_785 = tpu.vector_load %arg8[%get3A_784] {strides = array<i32>} : memref<5024xi32, #tpu.memory_space<vmem>>, vector<16xi32>,
        %add3A_786 = arith.constant 16 : i32
        %add3A_787 = arith.addi %mul3A_778, %add3A_786 : i32
        %get3A_788 = arith.index_cast %add3A_787 : i32 to index
        %get3A_789 = tpu.vector_load %arg7[%get3A_788] {strides = array<i32>} : memref<5024xi32, #tpu.memory_space<vmem>>, vector<16xi32>,
        %add3A_790 = vector.broadcast %mul3A_778 : i32 to vector<16xi32>
        %add3A_791 = arith.addi %add3A_790, %iota3A : vector<16xi32>
        %lt3A = arith.constant 5000 : i32
        %lt3A_792 = vector.broadcast %lt3A : i32 to vector<16xi32>
        %lt3A_793 = arith.cmpi slt, %add3A_791, %lt3A_792 : vector<16xi32>
        %add3A_794 = arith.constant 16 : i32
        %add3A_795 = arith.addi %mul3A_778, %add3A_794 : i32
        %add3A_796 = vector.broadcast %add3A_795 : i32 to vector<16xi32>
        %add3A_797 = arith.addi %add3A_796, %iota3A : vector<16xi32>
        %lt3A_798 = arith.constant 5000 : i32
        %lt3A_799 = vector.broadcast %lt3A_798 : i32 to vector<16xi32>
        %lt3A_800 = arith.cmpi slt, %add3A_797, %lt3A_799 : vector<16xi32>
        %sub3A_801 = vector.broadcast %add3A_251 : i32 to vector<16xi32>
        %sub3A_802 = arith.subi %get3A_779, %sub3A_801 : vector<16xi32>
        %sub3A_803 = vector.broadcast %add3A_251 : i32 to vector<16xi32>
        %sub3A_804 = arith.subi %get3A_785, %sub3A_803 : vector<16xi32>
        %ge3A = arith.constant 0 : i32
        %ge3A_805 = vector.broadcast %ge3A : i32 to vector<16xi32>
        %ge3A_806 = arith.cmpi sge, %sub3A_802, %ge3A_805 : vector<16xi32>
        %lt3A_807 = arith.constant 8448 : i32
        %lt3A_808 = vector.broadcast %lt3A_807 : i32 to vector<16xi32>
        %lt3A_809 = arith.cmpi slt, %sub3A_802, %lt3A_808 : vector<16xi32>
        %and3A_810 = arith.andi %ge3A_806, %lt3A_809 : vector<16xi1>
        %and3A_811 = arith.andi %and3A_810, %lt3A_793 : vector<16xi1>
        %ge3A_812 = arith.constant 0 : i32
        %ge3A_813 = vector.broadcast %ge3A_812 : i32 to vector<16xi32>
        %ge3A_814 = arith.cmpi sge, %sub3A_804, %ge3A_813 : vector<16xi32>
        %lt3A_815 = arith.constant 8448 : i32
        %lt3A_816 = vector.broadcast %lt3A_815 : i32 to vector<16xi32>
        %lt3A_817 = arith.cmpi slt, %sub3A_804, %lt3A_816 : vector<16xi32>
        %and3A_818 = arith.andi %ge3A_814, %lt3A_817 : vector<16xi1>
        %and3A_819 = arith.andi %and3A_818, %lt3A_800 : vector<16xi1>
        %convert_element_type3A_820 = arith.extui %and3A_811 : vector<16xi1> to vector<16xi32>
        %broadcast_in_dim3A = arith.constant true
        %broadcast_in_dim3A_821 = vector.broadcast %broadcast_in_dim3A : i1 to vector<16xi1>
        %masked_cumsum3A = tpu.scan <sum>, %convert_element_type3A_820 masked %broadcast_in_dim3A_821 : vector<16xi32>, vector<16xi1> -> vector<16xi32>
        %convert_element_type3A_822 = arith.extui %and3A_819 : vector<16xi1> to vector<16xi32>
        %broadcast_in_dim3A_823 = arith.constant true
        %broadcast_in_dim3A_824 = vector.broadcast %broadcast_in_dim3A_823 : i1 to vector<16xi1>
        %masked_cumsum3A_825 = tpu.scan <sum>, %convert_element_type3A_822 masked %broadcast_in_dim3A_824 : vector<16xi32>, vector<16xi1> -> vector<16xi32>
        %add3A_826 = vector.broadcast %scan3A_776 : i32 to vector<16xi32>
        %add3A_827 = arith.addi %add3A_826, %masked_cumsum3A : vector<16xi32>
        %sub3A_828 = arith.constant 1 : i32
        %sub3A_829 = vector.broadcast %sub3A_828 : i32 to vector<16xi32>
        %sub3A_830 = arith.subi %add3A_827, %sub3A_829 : vector<16xi32>
        %shift_right_arithmetic3A_831 = arith.constant 7 : i32
        %shift_right_arithmetic3A_832 = vector.broadcast %shift_right_arithmetic3A_831 : i32 to vector<16xi32>
        %shift_right_arithmetic3A_833 = arith.shrsi %sub3A_830, %shift_right_arithmetic3A_832 : vector<16xi32>
        %and3A_834 = arith.constant 127 : i32
        %and3A_835 = vector.broadcast %and3A_834 : i32 to vector<16xi32>
        %and3A_836 = arith.andi %sub3A_830, %and3A_835 : vector<16xi32>
        tpu.vector_store_idx %arg9[%shift_right_arithmetic3A_833, %and3A_836], %get3A_781 masked %and3A_811 : memref<42x128xi32, #tpu.memory_space<vmem>>[vector<16xi32>, vector<16xi32>], vector<16xi32>, vector<16xi1>
        %shift_right_arithmetic3A_837 = arith.constant 7 : i32
        %shift_right_arithmetic3A_838 = vector.broadcast %shift_right_arithmetic3A_837 : i32 to vector<16xi32>
        %shift_right_arithmetic3A_839 = arith.shrsi %sub3A_830, %shift_right_arithmetic3A_838 : vector<16xi32>
        %and3A_840 = arith.constant 127 : i32
        %and3A_841 = vector.broadcast %and3A_840 : i32 to vector<16xi32>
        %and3A_842 = arith.andi %sub3A_830, %and3A_841 : vector<16xi32>
        tpu.vector_store_idx %arg10[%shift_right_arithmetic3A_839, %and3A_842], %sub3A_802 masked %and3A_811 : memref<42x128xi32, #tpu.memory_space<vmem>>[vector<16xi32>, vector<16xi32>], vector<16xi32>, vector<16xi1>
        %slice3A = vector.extract_strided_slice %masked_cumsum3A {offsets = [15], sizes = [1], strides = [1]} : vector<16xi32> to vector<1xi32>
        %squeeze3A = vector.extract %slice3A[0] : i32 from vector<1xi32>
        %add3A_843 = arith.addi %scan3A_776, %squeeze3A : i32
        %add3A_844 = vector.broadcast %add3A_843 : i32 to vector<16xi32>
        %add3A_845 = arith.addi %add3A_844, %masked_cumsum3A_825 : vector<16xi32>
        %sub3A_846 = arith.constant 1 : i32
        %sub3A_847 = vector.broadcast %sub3A_846 : i32 to vector<16xi32>
        %sub3A_848 = arith.subi %add3A_845, %sub3A_847 : vector<16xi32>
        %shift_right_arithmetic3A_849 = arith.constant 7 : i32
        %shift_right_arithmetic3A_850 = vector.broadcast %shift_right_arithmetic3A_849 : i32 to vector<16xi32>
        %shift_right_arithmetic3A_851 = arith.shrsi %sub3A_848, %shift_right_arithmetic3A_850 : vector<16xi32>
        %and3A_852 = arith.constant 127 : i32
        %and3A_853 = vector.broadcast %and3A_852 : i32 to vector<16xi32>
        %and3A_854 = arith.andi %sub3A_848, %and3A_853 : vector<16xi32>
        tpu.vector_store_idx %arg9[%shift_right_arithmetic3A_851, %and3A_854], %get3A_789 masked %and3A_819 : memref<42x128xi32, #tpu.memory_space<vmem>>[vector<16xi32>, vector<16xi32>], vector<16xi32>, vector<16xi1>
        %shift_right_arithmetic3A_855 = arith.constant 7 : i32
        %shift_right_arithmetic3A_856 = vector.broadcast %shift_right_arithmetic3A_855 : i32 to vector<16xi32>
        %shift_right_arithmetic3A_857 = arith.shrsi %sub3A_848, %shift_right_arithmetic3A_856 : vector<16xi32>
        %and3A_858 = arith.constant 127 : i32
        %and3A_859 = vector.broadcast %and3A_858 : i32 to vector<16xi32>
        %and3A_860 = arith.andi %sub3A_848, %and3A_859 : vector<16xi32>
        tpu.vector_store_idx %arg10[%shift_right_arithmetic3A_857, %and3A_860], %sub3A_804 masked %and3A_819 : memref<42x128xi32, #tpu.memory_space<vmem>>[vector<16xi32>, vector<16xi32>], vector<16xi32>, vector<16xi1>
        %slice3A_861 = vector.extract_strided_slice %masked_cumsum3A_825 {offsets = [15], sizes = [1], strides = [1]} : vector<16xi32> to vector<1xi32>
        %squeeze3A_862 = vector.extract %slice3A_861[0] : i32 from vector<1xi32>
        %add3A_863 = arith.addi %add3A_843, %squeeze3A_862 : i32
        scf.yield %add3A_863 : i32
      }
      %scan3A_258 = arith.constant 157 : i32
      %add3A_259 = arith.constant 0 : i32
      %add3A_260 = arith.addi %scan3A_257, %add3A_259 : i32
      %add3A_261 = vector.broadcast %add3A_260 : i32 to vector<16xi32>
      %add3A_262 = arith.addi %add3A_261, %iota3A : vector<16xi32>
      %shift_right_arithmetic3A_263 = arith.constant 7 : i32
      %shift_right_arithmetic3A_264 = vector.broadcast %shift_right_arithmetic3A_263 : i32 to vector<16xi32>
      %shift_right_arithmetic3A_265 = arith.shrsi %add3A_262, %shift_right_arithmetic3A_264 : vector<16xi32>
      %and3A_266 = arith.constant 127 : i32
      %and3A_267 = vector.broadcast %and3A_266 : i32 to vector<16xi32>
      %and3A_268 = arith.andi %add3A_262, %and3A_267 : vector<16xi32>
      tpu.vector_store_idx %arg9[%shift_right_arithmetic3A_265, %and3A_268], %iota3A : memref<42x128xi32, #tpu.memory_space<vmem>>[vector<16xi32>, vector<16xi32>], vector<16xi32>,
      %shift_right_arithmetic3A_269 = arith.constant 7 : i32
      %shift_right_arithmetic3A_270 = vector.broadcast %shift_right_arithmetic3A_269 : i32 to vector<16xi32>
      %shift_right_arithmetic3A_271 = arith.shrsi %add3A_262, %shift_right_arithmetic3A_270 : vector<16xi32>
      %and3A_272 = arith.constant 127 : i32
      %and3A_273 = vector.broadcast %and3A_272 : i32 to vector<16xi32>
      %and3A_274 = arith.andi %add3A_262, %and3A_273 : vector<16xi32>
      %add3A_275 = arith.constant 8448 : i32
      %add3A_276 = vector.broadcast %add3A_275 : i32 to vector<16xi32>
      %add3A_277 = arith.addi %add3A_276, %iota3A : vector<16xi32>
      tpu.vector_store_idx %arg10[%shift_right_arithmetic3A_271, %and3A_274], %add3A_277 : memref<42x128xi32, #tpu.memory_space<vmem>>[vector<16xi32>, vector<16xi32>], vector<16xi32>,
      %add3A_278 = arith.constant 16 : i32
      %add3A_279 = arith.addi %scan3A_257, %add3A_278 : i32
      %add3A_280 = vector.broadcast %add3A_279 : i32 to vector<16xi32>
      %add3A_281 = arith.addi %add3A_280, %iota3A : vector<16xi32>
      %shift_right_arithmetic3A_282 = arith.constant 7 : i32
      %shift_right_arithmetic3A_283 = vector.broadcast %shift_right_arithmetic3A_282 : i32 to vector<16xi32>
      %shift_right_arithmetic3A_284 = arith.shrsi %add3A_281, %shift_right_arithmetic3A_283 : vector<16xi32>
      %and3A_285 = arith.constant 127 : i32
      %and3A_286 = vector.broadcast %and3A_285 : i32 to vector<16xi32>
      %and3A_287 = arith.andi %add3A_281, %and3A_286 : vector<16xi32>
      tpu.vector_store_idx %arg9[%shift_right_arithmetic3A_284, %and3A_287], %iota3A : memref<42x128xi32, #tpu.memory_space<vmem>>[vector<16xi32>, vector<16xi32>], vector<16xi32>,
      %shift_right_arithmetic3A_288 = arith.constant 7 : i32
      %shift_right_arithmetic3A_289 = vector.broadcast %shift_right_arithmetic3A_288 : i32 to vector<16xi32>
      %shift_right_arithmetic3A_290 = arith.shrsi %add3A_281, %shift_right_arithmetic3A_289 : vector<16xi32>
      %and3A_291 = arith.constant 127 : i32
      %and3A_292 = vector.broadcast %and3A_291 : i32 to vector<16xi32>
      %and3A_293 = arith.andi %add3A_281, %and3A_292 : vector<16xi32>
      %add3A_294 = arith.constant 8448 : i32
      %add3A_295 = vector.broadcast %add3A_294 : i32 to vector<16xi32>
      %add3A_296 = arith.addi %add3A_295, %iota3A : vector<16xi32>
      tpu.vector_store_idx %arg10[%shift_right_arithmetic3A_290, %and3A_293], %add3A_296 : memref<42x128xi32, #tpu.memory_space<vmem>>[vector<16xi32>, vector<16xi32>], vector<16xi32>,
      %add3A_297 = arith.constant 32 : i32
      %add3A_298 = arith.addi %scan3A_257, %add3A_297 : i32
      %add3A_299 = vector.broadcast %add3A_298 : i32 to vector<16xi32>
      %add3A_300 = arith.addi %add3A_299, %iota3A : vector<16xi32>
      %shift_right_arithmetic3A_301 = arith.constant 7 : i32
      %shift_right_arithmetic3A_302 = vector.broadcast %shift_right_arithmetic3A_301 : i32 to vector<16xi32>
      %shift_right_arithmetic3A_303 = arith.shrsi %add3A_300, %shift_right_arithmetic3A_302 : vector<16xi32>
      %and3A_304 = arith.constant 127 : i32
      %and3A_305 = vector.broadcast %and3A_304 : i32 to vector<16xi32>
      %and3A_306 = arith.andi %add3A_300, %and3A_305 : vector<16xi32>
      tpu.vector_store_idx %arg9[%shift_right_arithmetic3A_303, %and3A_306], %iota3A : memref<42x128xi32, #tpu.memory_space<vmem>>[vector<16xi32>, vector<16xi32>], vector<16xi32>,
      %shift_right_arithmetic3A_307 = arith.constant 7 : i32
      %shift_right_arithmetic3A_308 = vector.broadcast %shift_right_arithmetic3A_307 : i32 to vector<16xi32>
      %shift_right_arithmetic3A_309 = arith.shrsi %add3A_300, %shift_right_arithmetic3A_308 : vector<16xi32>
      %and3A_310 = arith.constant 127 : i32
      %and3A_311 = vector.broadcast %and3A_310 : i32 to vector<16xi32>
      %and3A_312 = arith.andi %add3A_300, %and3A_311 : vector<16xi32>
      %add3A_313 = arith.constant 8448 : i32
      %add3A_314 = vector.broadcast %add3A_313 : i32 to vector<16xi32>
      %add3A_315 = arith.addi %add3A_314, %iota3A : vector<16xi32>
      tpu.vector_store_idx %arg10[%shift_right_arithmetic3A_309, %and3A_312], %add3A_315 : memref<42x128xi32, #tpu.memory_space<vmem>>[vector<16xi32>, vector<16xi32>], vector<16xi32>,
      %add3A_316 = arith.constant 48 : i32
      %add3A_317 = arith.addi %scan3A_257, %add3A_316 : i32
      %add3A_318 = vector.broadcast %add3A_317 : i32 to vector<16xi32>
      %add3A_319 = arith.addi %add3A_318, %iota3A : vector<16xi32>
      %shift_right_arithmetic3A_320 = arith.constant 7 : i32
      %shift_right_arithmetic3A_321 = vector.broadcast %shift_right_arithmetic3A_320 : i32 to vector<16xi32>
      %shift_right_arithmetic3A_322 = arith.shrsi %add3A_319, %shift_right_arithmetic3A_321 : vector<16xi32>
      %and3A_323 = arith.constant 127 : i32
      %and3A_324 = vector.broadcast %and3A_323 : i32 to vector<16xi32>
      %and3A_325 = arith.andi %add3A_319, %and3A_324 : vector<16xi32>
      tpu.vector_store_idx %arg9[%shift_right_arithmetic3A_322, %and3A_325], %iota3A : memref<42x128xi32, #tpu.memory_space<vmem>>[vector<16xi32>, vector<16xi32>], vector<16xi32>,
      %shift_right_arithmetic3A_326 = arith.constant 7 : i32
      %shift_right_arithmetic3A_327 = vector.broadcast %shift_right_arithmetic3A_326 : i32 to vector<16xi32>
      %shift_right_arithmetic3A_328 = arith.shrsi %add3A_319, %shift_right_arithmetic3A_327 : vector<16xi32>
      %and3A_329 = arith.constant 127 : i32
      %and3A_330 = vector.broadcast %and3A_329 : i32 to vector<16xi32>
      %and3A_331 = arith.andi %add3A_319, %and3A_330 : vector<16xi32>
      %add3A_332 = arith.constant 8448 : i32
      %add3A_333 = vector.broadcast %add3A_332 : i32 to vector<16xi32>
      %add3A_334 = arith.addi %add3A_333, %iota3A : vector<16xi32>
      tpu.vector_store_idx %arg10[%shift_right_arithmetic3A_328, %and3A_331], %add3A_334 : memref<42x128xi32, #tpu.memory_space<vmem>>[vector<16xi32>, vector<16xi32>], vector<16xi32>,
      %add3A_335 = arith.constant 64 : i32
      %add3A_336 = arith.addi %scan3A_257, %add3A_335 : i32
      %add3A_337 = vector.broadcast %add3A_336 : i32 to vector<16xi32>
      %add3A_338 = arith.addi %add3A_337, %iota3A : vector<16xi32>
      %shift_right_arithmetic3A_339 = arith.constant 7 : i32
      %shift_right_arithmetic3A_340 = vector.broadcast %shift_right_arithmetic3A_339 : i32 to vector<16xi32>
      %shift_right_arithmetic3A_341 = arith.shrsi %add3A_338, %shift_right_arithmetic3A_340 : vector<16xi32>
      %and3A_342 = arith.constant 127 : i32
      %and3A_343 = vector.broadcast %and3A_342 : i32 to vector<16xi32>
      %and3A_344 = arith.andi %add3A_338, %and3A_343 : vector<16xi32>
      tpu.vector_store_idx %arg9[%shift_right_arithmetic3A_341, %and3A_344], %iota3A : memref<42x128xi32, #tpu.memory_space<vmem>>[vector<16xi32>, vector<16xi32>], vector<16xi32>,
      %shift_right_arithmetic3A_345 = arith.constant 7 : i32
      %shift_right_arithmetic3A_346 = vector.broadcast %shift_right_arithmetic3A_345 : i32 to vector<16xi32>
      %shift_right_arithmetic3A_347 = arith.shrsi %add3A_338, %shift_right_arithmetic3A_346 : vector<16xi32>
      %and3A_348 = arith.constant 127 : i32
      %and3A_349 = vector.broadcast %and3A_348 : i32 to vector<16xi32>
      %and3A_350 = arith.andi %add3A_338, %and3A_349 : vector<16xi32>
      %add3A_351 = arith.constant 8448 : i32
      %add3A_352 = vector.broadcast %add3A_351 : i32 to vector<16xi32>
      %add3A_353 = arith.addi %add3A_352, %iota3A : vector<16xi32>
      tpu.vector_store_idx %arg10[%shift_right_arithmetic3A_347, %and3A_350], %add3A_353 : memref<42x128xi32, #tpu.memory_space<vmem>>[vector<16xi32>, vector<16xi32>], vector<16xi32>,
      %add3A_354 = arith.constant 80 : i32
      %add3A_355 = arith.addi %scan3A_257, %add3A_354 : i32
      %add3A_356 = vector.broadcast %add3A_355 : i32 to vector<16xi32>
      %add3A_357 = arith.addi %add3A_356, %iota3A : vector<16xi32>
      %shift_right_arithmetic3A_358 = arith.constant 7 : i32
      %shift_right_arithmetic3A_359 = vector.broadcast %shift_right_arithmetic3A_358 : i32 to vector<16xi32>
      %shift_right_arithmetic3A_360 = arith.shrsi %add3A_357, %shift_right_arithmetic3A_359 : vector<16xi32>
      %and3A_361 = arith.constant 127 : i32
      %and3A_362 = vector.broadcast %and3A_361 : i32 to vector<16xi32>
      %and3A_363 = arith.andi %add3A_357, %and3A_362 : vector<16xi32>
      tpu.vector_store_idx %arg9[%shift_right_arithmetic3A_360, %and3A_363], %iota3A : memref<42x128xi32, #tpu.memory_space<vmem>>[vector<16xi32>, vector<16xi32>], vector<16xi32>,
      %shift_right_arithmetic3A_364 = arith.constant 7 : i32
      %shift_right_arithmetic3A_365 = vector.broadcast %shift_right_arithmetic3A_364 : i32 to vector<16xi32>
      %shift_right_arithmetic3A_366 = arith.shrsi %add3A_357, %shift_right_arithmetic3A_365 : vector<16xi32>
      %and3A_367 = arith.constant 127 : i32
      %and3A_368 = vector.broadcast %and3A_367 : i32 to vector<16xi32>
      %and3A_369 = arith.andi %add3A_357, %and3A_368 : vector<16xi32>
      %add3A_370 = arith.constant 8448 : i32
      %add3A_371 = vector.broadcast %add3A_370 : i32 to vector<16xi32>
      %add3A_372 = arith.addi %add3A_371, %iota3A : vector<16xi32>
      tpu.vector_store_idx %arg10[%shift_right_arithmetic3A_366, %and3A_369], %add3A_372 : memref<42x128xi32, #tpu.memory_space<vmem>>[vector<16xi32>, vector<16xi32>], vector<16xi32>,
      %add3A_373 = arith.constant 96 : i32
      %add3A_374 = arith.addi %scan3A_257, %add3A_373 : i32
      %add3A_375 = vector.broadcast %add3A_374 : i32 to vector<16xi32>
      %add3A_376 = arith.addi %add3A_375, %iota3A : vector<16xi32>
      %shift_right_arithmetic3A_377 = arith.constant 7 : i32
      %shift_right_arithmetic3A_378 = vector.broadcast %shift_right_arithmetic3A_377 : i32 to vector<16xi32>
      %shift_right_arithmetic3A_379 = arith.shrsi %add3A_376, %shift_right_arithmetic3A_378 : vector<16xi32>
      %and3A_380 = arith.constant 127 : i32
      %and3A_381 = vector.broadcast %and3A_380 : i32 to vector<16xi32>
      %and3A_382 = arith.andi %add3A_376, %and3A_381 : vector<16xi32>
      tpu.vector_store_idx %arg9[%shift_right_arithmetic3A_379, %and3A_382], %iota3A : memref<42x128xi32, #tpu.memory_space<vmem>>[vector<16xi32>, vector<16xi32>], vector<16xi32>,
      %shift_right_arithmetic3A_383 = arith.constant 7 : i32
      %shift_right_arithmetic3A_384 = vector.broadcast %shift_right_arithmetic3A_383 : i32 to vector<16xi32>
      %shift_right_arithmetic3A_385 = arith.shrsi %add3A_376, %shift_right_arithmetic3A_384 : vector<16xi32>
      %and3A_386 = arith.constant 127 : i32
      %and3A_387 = vector.broadcast %and3A_386 : i32 to vector<16xi32>
      %and3A_388 = arith.andi %add3A_376, %and3A_387 : vector<16xi32>
      %add3A_389 = arith.constant 8448 : i32
      %add3A_390 = vector.broadcast %add3A_389 : i32 to vector<16xi32>
      %add3A_391 = arith.addi %add3A_390, %iota3A : vector<16xi32>
      tpu.vector_store_idx %arg10[%shift_right_arithmetic3A_385, %and3A_388], %add3A_391 : memref<42x128xi32, #tpu.memory_space<vmem>>[vector<16xi32>, vector<16xi32>], vector<16xi32>,
      %add3A_392 = arith.constant 112 : i32
      %add3A_393 = arith.addi %scan3A_257, %add3A_392 : i32
      %add3A_394 = vector.broadcast %add3A_393 : i32 to vector<16xi32>
      %add3A_395 = arith.addi %add3A_394, %iota3A : vector<16xi32>
      %shift_right_arithmetic3A_396 = arith.constant 7 : i32
      %shift_right_arithmetic3A_397 = vector.broadcast %shift_right_arithmetic3A_396 : i32 to vector<16xi32>
      %shift_right_arithmetic3A_398 = arith.shrsi %add3A_395, %shift_right_arithmetic3A_397 : vector<16xi32>
      %and3A_399 = arith.constant 127 : i32
      %and3A_400 = vector.broadcast %and3A_399 : i32 to vector<16xi32>
      %and3A_401 = arith.andi %add3A_395, %and3A_400 : vector<16xi32>
      tpu.vector_store_idx %arg9[%shift_right_arithmetic3A_398, %and3A_401], %iota3A : memref<42x128xi32, #tpu.memory_space<vmem>>[vector<16xi32>, vector<16xi32>], vector<16xi32>,
      %shift_right_arithmetic3A_402 = arith.constant 7 : i32
      %shift_right_arithmetic3A_403 = vector.broadcast %shift_right_arithmetic3A_402 : i32 to vector<16xi32>
      %shift_right_arithmetic3A_404 = arith.shrsi %add3A_395, %shift_right_arithmetic3A_403 : vector<16xi32>
      %and3A_405 = arith.constant 127 : i32
      %and3A_406 = vector.broadcast %and3A_405 : i32 to vector<16xi32>
      %and3A_407 = arith.andi %add3A_395, %and3A_406 : vector<16xi32>
      %add3A_408 = arith.constant 8448 : i32
      %add3A_409 = vector.broadcast %add3A_408 : i32 to vector<16xi32>
      %add3A_410 = arith.addi %add3A_409, %iota3A : vector<16xi32>
      tpu.vector_store_idx %arg10[%shift_right_arithmetic3A_404, %and3A_407], %add3A_410 : memref<42x128xi32, #tpu.memory_space<vmem>>[vector<16xi32>, vector<16xi32>], vector<16xi32>,
      %dma_wait3A_411 = arith.constant 0 : i32
      %dma_wait3A_412 = tpu.memref_slice %arg6[%scan3A_17, %add3A_244, %dma_wait3A_411] : memref<7x50688x128xf32, #tpu.memory_space<hbm>> -> memref<1x528x128xf32, #tpu.memory_space<hbm>>
      %dma_wait3A_413 = tpu.memref_squeeze %dma_wait3A_412 : memref<1x528x128xf32, #tpu.memory_space<hbm>> -> memref<528x128xf32, #tpu.memory_space<hbm>>
      %dma_wait3A_414 = arith.constant 0 : i32
      %dma_wait3A_415 = tpu.memref_slice %arg13[%mul3A_4, %dma_wait3A_414] : memref<8464x128xf32, #tpu.memory_space<vmem_shared>> -> memref<528x128xf32, #tpu.memory_space<vmem_shared>>
      tpu.wait_dma2 semaphore(%arg18 : memref<!tpu.dma_semaphore, #tpu.memory_space<semaphore_mem>>) src(%dma_wait3A_415 : memref<528x128xf32, #tpu.memory_space<vmem_shared>>) dst(%dma_wait3A_413 : memref<528x128xf32, #tpu.memory_space<hbm>>)
      %dma_start3A_416 = arith.constant 0 : i32
      %dma_start3A_417 = tpu.memref_slice %arg13[%mul3A_4, %dma_start3A_416] : memref<8464x128xf32, #tpu.memory_space<vmem_shared>> -> memref<528x128xf32, #tpu.memory_space<vmem_shared>>
      %dma_start3A_418 = arith.constant 0 : i32
      %dma_start3A_419 = tpu.memref_slice %arg5[%mul3A_4, %dma_start3A_418] : memref<8448x128xf32, #tpu.memory_space<hbm>> -> memref<528x128xf32, #tpu.memory_space<hbm>>
      tpu.enqueue_dma source(%dma_start3A_419 : memref<528x128xf32, #tpu.memory_space<hbm>>) target(%dma_start3A_417 : memref<528x128xf32, #tpu.memory_space<vmem_shared>>) target_semaphore(%arg19 : memref<!tpu.dma_semaphore, #tpu.memory_space<semaphore_mem>>)
      %dma_wait3A_420 = arith.constant 0 : i32
      %dma_wait3A_421 = tpu.memref_slice %arg13[%mul3A_4, %dma_wait3A_420] : memref<8464x128xf32, #tpu.memory_space<vmem_shared>> -> memref<528x128xf32, #tpu.memory_space<vmem_shared>>
      %dma_wait3A_422 = arith.constant 0 : i32
      %dma_wait3A_423 = tpu.memref_slice %arg5[%mul3A_4, %dma_wait3A_422] : memref<8448x128xf32, #tpu.memory_space<hbm>> -> memref<528x128xf32, #tpu.memory_space<hbm>>
      tpu.wait_dma2 semaphore(%arg19 : memref<!tpu.dma_semaphore, #tpu.memory_space<semaphore_mem>>) src(%dma_wait3A_423 : memref<528x128xf32, #tpu.memory_space<hbm>>) dst(%dma_wait3A_421 : memref<528x128xf32, #tpu.memory_space<vmem_shared>>)
      %barrier3A_424 = arith.constant 0 : index
      tpu.barrier barrier_id(%barrier3A_424)
      %add3A_425 = arith.constant 128 : i32
      %add3A_426 = arith.addi %scan3A_257, %add3A_425 : i32
      %sub3A_427 = arith.constant 1 : i32
      %sub3A_428 = arith.subi %add3A_426, %sub3A_427 : i32
      %jit3A_429 = arith.constant 128 : i32
      %div3A_430 = arith.divsi %sub3A_428, %jit3A_429 : i32
      %sign3A_431 = arith.constant 0 : i32
      %sign3A_432 = arith.cmpi sgt, %sub3A_428, %sign3A_431 : i32
      %sign3A_433 = arith.extui %sign3A_432 : i1 to i32
      %sign3A_434 = arith.constant 0 : i32
      %sign3A_435 = arith.cmpi slt, %sub3A_428, %sign3A_434 : i32
      %sign3A_436 = arith.extui %sign3A_435 : i1 to i32
      %sign3A_437 = arith.subi %sign3A_433, %sign3A_436 : i32
      %sign3A_438 = arith.constant 0 : i32
      %sign3A_439 = arith.cmpi sgt, %jit3A_429, %sign3A_438 : i32
      %sign3A_440 = arith.extui %sign3A_439 : i1 to i32
      %sign3A_441 = arith.constant 0 : i32
      %sign3A_442 = arith.cmpi slt, %jit3A_429, %sign3A_441 : i32
      %sign3A_443 = arith.extui %sign3A_442 : i1 to i32
      %sign3A_444 = arith.subi %sign3A_440, %sign3A_443 : i32
      %ne3A_445 = arith.cmpi ne, %sign3A_437, %sign3A_444 : i32
      %rem3A_446 = arith.remsi %sub3A_428, %jit3A_429 : i32
      %ne3A_447 = arith.constant 0 : i32
      %ne3A_448 = arith.cmpi ne, %rem3A_446, %ne3A_447 : i32
      %and3A_449 = arith.andi %ne3A_445, %ne3A_448 : i1
      %sub3A_450 = arith.constant 1 : i32
      %sub3A_451 = arith.subi %div3A_430, %sub3A_450 : i32
      %select_n3A_452 = arith.select %and3A_449, %sub3A_451, %div3A_430 : i32
      %gt3A_453 = arith.constant 0 : i32
      %gt3A_454 = arith.cmpi sgt, %select_n3A_452, %gt3A_453 : i32
      %convert_element_type3A_455 = arith.extui %gt3A_454 : i1 to i32
      %cond3A_456 = arith.constant 0 : i32
      %cond3A_457 = arith.cmpi ne, %convert_element_type3A_455, %cond3A_456 : i32
      scf.if %cond3A_457 {
        %dma_start3A_775 = arith.constant 0 : i32
        %dma_start3A_776 = arith.constant 0 : i32
        %dma_start3A_777 = tpu.memref_slice %arg9[%dma_start3A_775, %dma_start3A_776] : memref<42x128xi32, #tpu.memory_space<vmem>> -> memref<1x128xi32, #tpu.memory_space<vmem>>
        %dma_start3A_778 = tpu.memref_squeeze %dma_start3A_777 : memref<1x128xi32, #tpu.memory_space<vmem>> -> memref<128xi32, #tpu.memory_space<vmem>>
        %dma_start3A_779 = arith.constant 0 : i32
        %dma_start3A_780 = arith.constant 0 : i32
        %dma_start3A_781 = tpu.memref_slice %arg4[%dma_start3A_779, %dma_start3A_780] : memref<50000x128xf32, #tpu.memory_space<hbm>> -> memref<50000x128xf32, #tpu.memory_space<hbm>>
        tpu.enqueue_indirect_dma source(%dma_start3A_781 : memref<50000x128xf32, #tpu.memory_space<hbm>>) target(%arg11 : memref<128x128xf32, #tpu.memory_space<vmem>>) offsets(%dma_start3A_778 : memref<128xi32, #tpu.memory_space<vmem>>) semaphore(%arg14 : memref<!tpu.dma_semaphore, #tpu.memory_space<semaphore_mem>>)
      } else {
      }
      %add3A_458 = arith.constant 1 : i32
      %add3A_459 = arith.addi %select_n3A_452, %add3A_458 : i32
      %jit3A_460 = arith.constant 2 : i32
      %div3A_461 = arith.divsi %add3A_459, %jit3A_460 : i32
      %sign3A_462 = arith.constant 0 : i32
      %sign3A_463 = arith.cmpi sgt, %add3A_459, %sign3A_462 : i32
      %sign3A_464 = arith.extui %sign3A_463 : i1 to i32
      %sign3A_465 = arith.constant 0 : i32
      %sign3A_466 = arith.cmpi slt, %add3A_459, %sign3A_465 : i32
      %sign3A_467 = arith.extui %sign3A_466 : i1 to i32
      %sign3A_468 = arith.subi %sign3A_464, %sign3A_467 : i32
      %sign3A_469 = arith.constant 0 : i32
      %sign3A_470 = arith.cmpi sgt, %jit3A_460, %sign3A_469 : i32
      %sign3A_471 = arith.extui %sign3A_470 : i1 to i32
      %sign3A_472 = arith.constant 0 : i32
      %sign3A_473 = arith.cmpi slt, %jit3A_460, %sign3A_472 : i32
      %sign3A_474 = arith.extui %sign3A_473 : i1 to i32
      %sign3A_475 = arith.subi %sign3A_471, %sign3A_474 : i32
      %ne3A_476 = arith.cmpi ne, %sign3A_468, %sign3A_475 : i32
      %rem3A_477 = arith.remsi %add3A_459, %jit3A_460 : i32
      %ne3A_478 = arith.constant 0 : i32
      %ne3A_479 = arith.cmpi ne, %rem3A_477, %ne3A_478 : i32
      %and3A_480 = arith.andi %ne3A_476, %ne3A_479 : i1
      %sub3A_481 = arith.constant 1 : i32
      %sub3A_482 = arith.subi %div3A_461, %sub3A_481 : i32
      %select_n3A_483 = arith.select %and3A_480, %sub3A_482, %div3A_461 : i32
      %while3A_484 = arith.constant 0 : i32
      %while3A_485 = arith.constant 0 : i32
      %while3A_486 = arith.subi %select_n3A_483, %while3A_484 : i32
      %while3A_487 = arith.addi %while3A_484, %while3A_486 : i32
      %while3A_488 = arith.constant 1 : i32
      %while3A_489 = arith.divsi %while3A_486, %while3A_488 : i32
      %while3A_490 = arith.muli %while3A_489, %while3A_488 : i32
      %while3A_491 = arith.addi %while3A_484, %while3A_490 : i32
      %while3A_492 = arith.constant 1 : i32
      %while3A_493 = scf.for %while3A_775 = %while3A_484 to %while3A_491 step %while3A_492 iter_args(%while3A_776 = %while3A_485) -> (i32)  : i32 {
        %mul3A_777 = arith.constant 2 : i32
        %mul3A_778 = arith.muli %while3A_775, %mul3A_777 : i32
        %add3A_779 = arith.constant 0 : i32
        %add3A_780 = arith.addi %mul3A_778, %add3A_779 : i32
        %lt3A = arith.cmpi slt, %add3A_780, %select_n3A_452 : i32
        %convert_element_type3A_781 = arith.extui %lt3A : i1 to i32
        %cond3A_782 = arith.constant 0 : i32
        %cond3A_783 = arith.cmpi ne, %convert_element_type3A_781, %cond3A_782 : i32
        scf.if %cond3A_783 {
          %dma_wait3A_793 = arith.constant 0 : i32
          %dma_wait3A_794 = tpu.memref_slice %arg9[%add3A_780, %dma_wait3A_793] : memref<42x128xi32, #tpu.memory_space<vmem>> -> memref<1x128xi32, #tpu.memory_space<vmem>>
          %dma_wait3A_795 = tpu.memref_squeeze %dma_wait3A_794 : memref<1x128xi32, #tpu.memory_space<vmem>> -> memref<128xi32, #tpu.memory_space<vmem>>
          %dma_wait3A_796 = arith.constant 0 : i32
          %dma_wait3A_797 = arith.constant 0 : i32
          %dma_wait3A_798 = tpu.memref_slice %arg4[%dma_wait3A_796, %dma_wait3A_797] : memref<50000x128xf32, #tpu.memory_space<hbm>> -> memref<50000x128xf32, #tpu.memory_space<hbm>>
          tpu.wait_indirect_dma semaphore(%arg14 : memref<!tpu.dma_semaphore, #tpu.memory_space<semaphore_mem>>) src(%dma_wait3A_798 : memref<50000x128xf32, #tpu.memory_space<hbm>>) dst(%arg11 : memref<128x128xf32, #tpu.memory_space<vmem>>)
          %add3A_799 = arith.constant 1 : i32
          %add3A_800 = arith.addi %add3A_780, %add3A_799 : i32
          %lt3A_801 = arith.cmpi slt, %add3A_800, %select_n3A_452 : i32
          %convert_element_type3A_802 = arith.extui %lt3A_801 : i1 to i32
          %cond3A_803 = arith.constant 0 : i32
          %cond3A_804 = arith.cmpi ne, %convert_element_type3A_802, %cond3A_803 : i32
          scf.if %cond3A_804 {
            %add3A_805 = arith.constant 1 : i32
            %add3A_806 = arith.addi %add3A_780, %add3A_805 : i32
            %dma_start3A_807 = arith.constant 0 : i32
            %dma_start3A_808 = tpu.memref_slice %arg9[%add3A_806, %dma_start3A_807] : memref<42x128xi32, #tpu.memory_space<vmem>> -> memref<1x128xi32, #tpu.memory_space<vmem>>
            %dma_start3A_809 = tpu.memref_squeeze %dma_start3A_808 : memref<1x128xi32, #tpu.memory_space<vmem>> -> memref<128xi32, #tpu.memory_space<vmem>>
            %dma_start3A_810 = arith.constant 0 : i32
            %dma_start3A_811 = arith.constant 0 : i32
            %dma_start3A_812 = tpu.memref_slice %arg4[%dma_start3A_810, %dma_start3A_811] : memref<50000x128xf32, #tpu.memory_space<hbm>> -> memref<50000x128xf32, #tpu.memory_space<hbm>>
            tpu.enqueue_indirect_dma source(%dma_start3A_812 : memref<50000x128xf32, #tpu.memory_space<hbm>>) target(%arg12 : memref<128x128xf32, #tpu.memory_space<vmem>>) offsets(%dma_start3A_809 : memref<128xi32, #tpu.memory_space<vmem>>) semaphore(%arg15 : memref<!tpu.dma_semaphore, #tpu.memory_space<semaphore_mem>>)
          } else {
          }
          "tpu.region"() ({
            %run_scoped3A = tpu.sem_alloc : memref<!tpu.dma_semaphore, #tpu.memory_space<semaphore_mem>>
            %dma_start3A_805 = arith.constant 0 : i32
            %dma_start3A_806 = tpu.memref_slice %arg10[%add3A_780, %dma_start3A_805] : memref<42x128xi32, #tpu.memory_space<vmem>> -> memref<1x128xi32, #tpu.memory_space<vmem>>
            %dma_start3A_807 = tpu.memref_squeeze %dma_start3A_806 : memref<1x128xi32, #tpu.memory_space<vmem>> -> memref<128xi32, #tpu.memory_space<vmem>>
            %dma_start3A_808 = arith.constant 0 : i32
            %dma_start3A_809 = arith.constant 0 : i32
            %dma_start3A_810 = tpu.memref_slice %arg13[%dma_start3A_808, %dma_start3A_809] : memref<8464x128xf32, #tpu.memory_space<vmem_shared>> -> memref<8464x128xf32, #tpu.memory_space<vmem_shared>>
            tpu.enqueue_indirect_dma source(%arg11 : memref<128x128xf32, #tpu.memory_space<vmem>>) target(%dma_start3A_810 : memref<8464x128xf32, #tpu.memory_space<vmem_shared>>) offsets(%dma_start3A_807 : memref<128xi32, #tpu.memory_space<vmem>>) semaphore(%run_scoped3A : memref<!tpu.dma_semaphore, #tpu.memory_space<semaphore_mem>>) {add = true}
            %dma_wait3A_811 = arith.constant 0 : i32
            %dma_wait3A_812 = tpu.memref_slice %arg10[%add3A_780, %dma_wait3A_811] : memref<42x128xi32, #tpu.memory_space<vmem>> -> memref<1x128xi32, #tpu.memory_space<vmem>>
            %dma_wait3A_813 = tpu.memref_squeeze %dma_wait3A_812 : memref<1x128xi32, #tpu.memory_space<vmem>> -> memref<128xi32, #tpu.memory_space<vmem>>
            %dma_wait3A_814 = arith.constant 0 : i32
            %dma_wait3A_815 = arith.constant 0 : i32
            %dma_wait3A_816 = tpu.memref_slice %arg13[%dma_wait3A_814, %dma_wait3A_815] : memref<8464x128xf32, #tpu.memory_space<vmem_shared>> -> memref<8464x128xf32, #tpu.memory_space<vmem_shared>>
            tpu.wait_indirect_dma semaphore(%run_scoped3A : memref<!tpu.dma_semaphore, #tpu.memory_space<semaphore_mem>>) src(%arg11 : memref<128x128xf32, #tpu.memory_space<vmem>>) dst(%dma_wait3A_816 : memref<8464x128xf32, #tpu.memory_space<vmem_shared>>)
            tpu.yield
          }) : () -> ()
        } else {
        }
        %mul3A_784 = arith.constant 2 : i32
        %mul3A_785 = arith.muli %while3A_775, %mul3A_784 : i32
        %add3A_786 = arith.constant 1 : i32
        %add3A_787 = arith.addi %mul3A_785, %add3A_786 : i32
        %lt3A_788 = arith.cmpi slt, %add3A_787, %select_n3A_452 : i32
        %convert_element_type3A_789 = arith.extui %lt3A_788 : i1 to i32
        %cond3A_790 = arith.constant 0 : i32
        %cond3A_791 = arith.cmpi ne, %convert_element_type3A_789, %cond3A_790 : i32
        scf.if %cond3A_791 {
          %dma_wait3A_793 = arith.constant 0 : i32
          %dma_wait3A_794 = tpu.memref_slice %arg9[%add3A_787, %dma_wait3A_793] : memref<42x128xi32, #tpu.memory_space<vmem>> -> memref<1x128xi32, #tpu.memory_space<vmem>>
          %dma_wait3A_795 = tpu.memref_squeeze %dma_wait3A_794 : memref<1x128xi32, #tpu.memory_space<vmem>> -> memref<128xi32, #tpu.memory_space<vmem>>
          %dma_wait3A_796 = arith.constant 0 : i32
          %dma_wait3A_797 = arith.constant 0 : i32
          %dma_wait3A_798 = tpu.memref_slice %arg4[%dma_wait3A_796, %dma_wait3A_797] : memref<50000x128xf32, #tpu.memory_space<hbm>> -> memref<50000x128xf32, #tpu.memory_space<hbm>>
          tpu.wait_indirect_dma semaphore(%arg15 : memref<!tpu.dma_semaphore, #tpu.memory_space<semaphore_mem>>) src(%dma_wait3A_798 : memref<50000x128xf32, #tpu.memory_space<hbm>>) dst(%arg12 : memref<128x128xf32, #tpu.memory_space<vmem>>)
          %add3A_799 = arith.constant 1 : i32
          %add3A_800 = arith.addi %add3A_787, %add3A_799 : i32
          %lt3A_801 = arith.cmpi slt, %add3A_800, %select_n3A_452 : i32
          %convert_element_type3A_802 = arith.extui %lt3A_801 : i1 to i32
          %cond3A_803 = arith.constant 0 : i32
          %cond3A_804 = arith.cmpi ne, %convert_element_type3A_802, %cond3A_803 : i32
          scf.if %cond3A_804 {
            %add3A_805 = arith.constant 1 : i32
            %add3A_806 = arith.addi %add3A_787, %add3A_805 : i32
            %dma_start3A_807 = arith.constant 0 : i32
            %dma_start3A_808 = tpu.memref_slice %arg9[%add3A_806, %dma_start3A_807] : memref<42x128xi32, #tpu.memory_space<vmem>> -> memref<1x128xi32, #tpu.memory_space<vmem>>
            %dma_start3A_809 = tpu.memref_squeeze %dma_start3A_808 : memref<1x128xi32, #tpu.memory_space<vmem>> -> memref<128xi32, #tpu.memory_space<vmem>>
            %dma_start3A_810 = arith.constant 0 : i32
            %dma_start3A_811 = arith.constant 0 : i32
            %dma_start3A_812 = tpu.memref_slice %arg4[%dma_start3A_810, %dma_start3A_811] : memref<50000x128xf32, #tpu.memory_space<hbm>> -> memref<50000x128xf32, #tpu.memory_space<hbm>>
            tpu.enqueue_indirect_dma source(%dma_start3A_812 : memref<50000x128xf32, #tpu.memory_space<hbm>>) target(%arg11 : memref<128x128xf32, #tpu.memory_space<vmem>>) offsets(%dma_start3A_809 : memref<128xi32, #tpu.memory_space<vmem>>) semaphore(%arg14 : memref<!tpu.dma_semaphore, #tpu.memory_space<semaphore_mem>>)
          } else {
          }
          "tpu.region"() ({
            %run_scoped3A = tpu.sem_alloc : memref<!tpu.dma_semaphore, #tpu.memory_space<semaphore_mem>>
            %dma_start3A_805 = arith.constant 0 : i32
            %dma_start3A_806 = tpu.memref_slice %arg10[%add3A_787, %dma_start3A_805] : memref<42x128xi32, #tpu.memory_space<vmem>> -> memref<1x128xi32, #tpu.memory_space<vmem>>
            %dma_start3A_807 = tpu.memref_squeeze %dma_start3A_806 : memref<1x128xi32, #tpu.memory_space<vmem>> -> memref<128xi32, #tpu.memory_space<vmem>>
            %dma_start3A_808 = arith.constant 0 : i32
            %dma_start3A_809 = arith.constant 0 : i32
            %dma_start3A_810 = tpu.memref_slice %arg13[%dma_start3A_808, %dma_start3A_809] : memref<8464x128xf32, #tpu.memory_space<vmem_shared>> -> memref<8464x128xf32, #tpu.memory_space<vmem_shared>>
            tpu.enqueue_indirect_dma source(%arg12 : memref<128x128xf32, #tpu.memory_space<vmem>>) target(%dma_start3A_810 : memref<8464x128xf32, #tpu.memory_space<vmem_shared>>) offsets(%dma_start3A_807 : memref<128xi32, #tpu.memory_space<vmem>>) semaphore(%run_scoped3A : memref<!tpu.dma_semaphore, #tpu.memory_space<semaphore_mem>>) {add = true}
            %dma_wait3A_811 = arith.constant 0 : i32
            %dma_wait3A_812 = tpu.memref_slice %arg10[%add3A_787, %dma_wait3A_811] : memref<42x128xi32, #tpu.memory_space<vmem>> -> memref<1x128xi32, #tpu.memory_space<vmem>>
            %dma_wait3A_813 = tpu.memref_squeeze %dma_wait3A_812 : memref<1x128xi32, #tpu.memory_space<vmem>> -> memref<128xi32, #tpu.memory_space<vmem>>
            %dma_wait3A_814 = arith.constant 0 : i32
            %dma_wait3A_815 = arith.constant 0 : i32
            %dma_wait3A_816 = tpu.memref_slice %arg13[%dma_wait3A_814, %dma_wait3A_815] : memref<8464x128xf32, #tpu.memory_space<vmem_shared>> -> memref<8464x128xf32, #tpu.memory_space<vmem_shared>>
            tpu.wait_indirect_dma semaphore(%run_scoped3A : memref<!tpu.dma_semaphore, #tpu.memory_space<semaphore_mem>>) src(%arg12 : memref<128x128xf32, #tpu.memory_space<vmem>>) dst(%dma_wait3A_816 : memref<8464x128xf32, #tpu.memory_space<vmem_shared>>)
            tpu.yield
          }) : () -> ()
        } else {
        }
        %while3A_792 = arith.constant 0 : i32
        scf.yield %while3A_792 : i32
      }
      %while3A_494 = arith.constant 1 : i32
      %while3A_495 = scf.for %while3A_775 = %while3A_491 to %while3A_487 step %while3A_494 iter_args(%while3A_776 = %while3A_493) -> (i32)  : i32 {
        %mul3A_777 = arith.constant 2 : i32
        %mul3A_778 = arith.muli %while3A_775, %mul3A_777 : i32
        %add3A_779 = arith.constant 0 : i32
        %add3A_780 = arith.addi %mul3A_778, %add3A_779 : i32
        %lt3A = arith.cmpi slt, %add3A_780, %select_n3A_452 : i32
        %convert_element_type3A_781 = arith.extui %lt3A : i1 to i32
        %cond3A_782 = arith.constant 0 : i32
        %cond3A_783 = arith.cmpi ne, %convert_element_type3A_781, %cond3A_782 : i32
        scf.if %cond3A_783 {
          %dma_wait3A_793 = arith.constant 0 : i32
          %dma_wait3A_794 = tpu.memref_slice %arg9[%add3A_780, %dma_wait3A_793] : memref<42x128xi32, #tpu.memory_space<vmem>> -> memref<1x128xi32, #tpu.memory_space<vmem>>
          %dma_wait3A_795 = tpu.memref_squeeze %dma_wait3A_794 : memref<1x128xi32, #tpu.memory_space<vmem>> -> memref<128xi32, #tpu.memory_space<vmem>>
          %dma_wait3A_796 = arith.constant 0 : i32
          %dma_wait3A_797 = arith.constant 0 : i32
          %dma_wait3A_798 = tpu.memref_slice %arg4[%dma_wait3A_796, %dma_wait3A_797] : memref<50000x128xf32, #tpu.memory_space<hbm>> -> memref<50000x128xf32, #tpu.memory_space<hbm>>
          tpu.wait_indirect_dma semaphore(%arg14 : memref<!tpu.dma_semaphore, #tpu.memory_space<semaphore_mem>>) src(%dma_wait3A_798 : memref<50000x128xf32, #tpu.memory_space<hbm>>) dst(%arg11 : memref<128x128xf32, #tpu.memory_space<vmem>>)
          %add3A_799 = arith.constant 1 : i32
          %add3A_800 = arith.addi %add3A_780, %add3A_799 : i32
          %lt3A_801 = arith.cmpi slt, %add3A_800, %select_n3A_452 : i32
          %convert_element_type3A_802 = arith.extui %lt3A_801 : i1 to i32
          %cond3A_803 = arith.constant 0 : i32
          %cond3A_804 = arith.cmpi ne, %convert_element_type3A_802, %cond3A_803 : i32
          scf.if %cond3A_804 {
            %add3A_805 = arith.constant 1 : i32
            %add3A_806 = arith.addi %add3A_780, %add3A_805 : i32
            %dma_start3A_807 = arith.constant 0 : i32
            %dma_start3A_808 = tpu.memref_slice %arg9[%add3A_806, %dma_start3A_807] : memref<42x128xi32, #tpu.memory_space<vmem>> -> memref<1x128xi32, #tpu.memory_space<vmem>>
            %dma_start3A_809 = tpu.memref_squeeze %dma_start3A_808 : memref<1x128xi32, #tpu.memory_space<vmem>> -> memref<128xi32, #tpu.memory_space<vmem>>
            %dma_start3A_810 = arith.constant 0 : i32
            %dma_start3A_811 = arith.constant 0 : i32
            %dma_start3A_812 = tpu.memref_slice %arg4[%dma_start3A_810, %dma_start3A_811] : memref<50000x128xf32, #tpu.memory_space<hbm>> -> memref<50000x128xf32, #tpu.memory_space<hbm>>
            tpu.enqueue_indirect_dma source(%dma_start3A_812 : memref<50000x128xf32, #tpu.memory_space<hbm>>) target(%arg12 : memref<128x128xf32, #tpu.memory_space<vmem>>) offsets(%dma_start3A_809 : memref<128xi32, #tpu.memory_space<vmem>>) semaphore(%arg15 : memref<!tpu.dma_semaphore, #tpu.memory_space<semaphore_mem>>)
          } else {
          }
          "tpu.region"() ({
            %run_scoped3A = tpu.sem_alloc : memref<!tpu.dma_semaphore, #tpu.memory_space<semaphore_mem>>
            %dma_start3A_805 = arith.constant 0 : i32
            %dma_start3A_806 = tpu.memref_slice %arg10[%add3A_780, %dma_start3A_805] : memref<42x128xi32, #tpu.memory_space<vmem>> -> memref<1x128xi32, #tpu.memory_space<vmem>>
            %dma_start3A_807 = tpu.memref_squeeze %dma_start3A_806 : memref<1x128xi32, #tpu.memory_space<vmem>> -> memref<128xi32, #tpu.memory_space<vmem>>
            %dma_start3A_808 = arith.constant 0 : i32
            %dma_start3A_809 = arith.constant 0 : i32
            %dma_start3A_810 = tpu.memref_slice %arg13[%dma_start3A_808, %dma_start3A_809] : memref<8464x128xf32, #tpu.memory_space<vmem_shared>> -> memref<8464x128xf32, #tpu.memory_space<vmem_shared>>
            tpu.enqueue_indirect_dma source(%arg11 : memref<128x128xf32, #tpu.memory_space<vmem>>) target(%dma_start3A_810 : memref<8464x128xf32, #tpu.memory_space<vmem_shared>>) offsets(%dma_start3A_807 : memref<128xi32, #tpu.memory_space<vmem>>) semaphore(%run_scoped3A : memref<!tpu.dma_semaphore, #tpu.memory_space<semaphore_mem>>) {add = true}
            %dma_wait3A_811 = arith.constant 0 : i32
            %dma_wait3A_812 = tpu.memref_slice %arg10[%add3A_780, %dma_wait3A_811] : memref<42x128xi32, #tpu.memory_space<vmem>> -> memref<1x128xi32, #tpu.memory_space<vmem>>
            %dma_wait3A_813 = tpu.memref_squeeze %dma_wait3A_812 : memref<1x128xi32, #tpu.memory_space<vmem>> -> memref<128xi32, #tpu.memory_space<vmem>>
            %dma_wait3A_814 = arith.constant 0 : i32
            %dma_wait3A_815 = arith.constant 0 : i32
            %dma_wait3A_816 = tpu.memref_slice %arg13[%dma_wait3A_814, %dma_wait3A_815] : memref<8464x128xf32, #tpu.memory_space<vmem_shared>> -> memref<8464x128xf32, #tpu.memory_space<vmem_shared>>
            tpu.wait_indirect_dma semaphore(%run_scoped3A : memref<!tpu.dma_semaphore, #tpu.memory_space<semaphore_mem>>) src(%arg11 : memref<128x128xf32, #tpu.memory_space<vmem>>) dst(%dma_wait3A_816 : memref<8464x128xf32, #tpu.memory_space<vmem_shared>>)
            tpu.yield
          }) : () -> ()
        } else {
        }
        %mul3A_784 = arith.constant 2 : i32
        %mul3A_785 = arith.muli %while3A_775, %mul3A_784 : i32
        %add3A_786 = arith.constant 1 : i32
        %add3A_787 = arith.addi %mul3A_785, %add3A_786 : i32
        %lt3A_788 = arith.cmpi slt, %add3A_787, %select_n3A_452 : i32
        %convert_element_type3A_789 = arith.extui %lt3A_788 : i1 to i32
        %cond3A_790 = arith.constant 0 : i32
        %cond3A_791 = arith.cmpi ne, %convert_element_type3A_789, %cond3A_790 : i32
        scf.if %cond3A_791 {
          %dma_wait3A_793 = arith.constant 0 : i32
          %dma_wait3A_794 = tpu.memref_slice %arg9[%add3A_787, %dma_wait3A_793] : memref<42x128xi32, #tpu.memory_space<vmem>> -> memref<1x128xi32, #tpu.memory_space<vmem>>
          %dma_wait3A_795 = tpu.memref_squeeze %dma_wait3A_794 : memref<1x128xi32, #tpu.memory_space<vmem>> -> memref<128xi32, #tpu.memory_space<vmem>>
          %dma_wait3A_796 = arith.constant 0 : i32
          %dma_wait3A_797 = arith.constant 0 : i32
          %dma_wait3A_798 = tpu.memref_slice %arg4[%dma_wait3A_796, %dma_wait3A_797] : memref<50000x128xf32, #tpu.memory_space<hbm>> -> memref<50000x128xf32, #tpu.memory_space<hbm>>
          tpu.wait_indirect_dma semaphore(%arg15 : memref<!tpu.dma_semaphore, #tpu.memory_space<semaphore_mem>>) src(%dma_wait3A_798 : memref<50000x128xf32, #tpu.memory_space<hbm>>) dst(%arg12 : memref<128x128xf32, #tpu.memory_space<vmem>>)
          %add3A_799 = arith.constant 1 : i32
          %add3A_800 = arith.addi %add3A_787, %add3A_799 : i32
          %lt3A_801 = arith.cmpi slt, %add3A_800, %select_n3A_452 : i32
          %convert_element_type3A_802 = arith.extui %lt3A_801 : i1 to i32
          %cond3A_803 = arith.constant 0 : i32
          %cond3A_804 = arith.cmpi ne, %convert_element_type3A_802, %cond3A_803 : i32
          scf.if %cond3A_804 {
            %add3A_805 = arith.constant 1 : i32
            %add3A_806 = arith.addi %add3A_787, %add3A_805 : i32
            %dma_start3A_807 = arith.constant 0 : i32
            %dma_start3A_808 = tpu.memref_slice %arg9[%add3A_806, %dma_start3A_807] : memref<42x128xi32, #tpu.memory_space<vmem>> -> memref<1x128xi32, #tpu.memory_space<vmem>>
            %dma_start3A_809 = tpu.memref_squeeze %dma_start3A_808 : memref<1x128xi32, #tpu.memory_space<vmem>> -> memref<128xi32, #tpu.memory_space<vmem>>
            %dma_start3A_810 = arith.constant 0 : i32
            %dma_start3A_811 = arith.constant 0 : i32
            %dma_start3A_812 = tpu.memref_slice %arg4[%dma_start3A_810, %dma_start3A_811] : memref<50000x128xf32, #tpu.memory_space<hbm>> -> memref<50000x128xf32, #tpu.memory_space<hbm>>
            tpu.enqueue_indirect_dma source(%dma_start3A_812 : memref<50000x128xf32, #tpu.memory_space<hbm>>) target(%arg11 : memref<128x128xf32, #tpu.memory_space<vmem>>) offsets(%dma_start3A_809 : memref<128xi32, #tpu.memory_space<vmem>>) semaphore(%arg14 : memref<!tpu.dma_semaphore, #tpu.memory_space<semaphore_mem>>)
          } else {
          }
          "tpu.region"() ({
            %run_scoped3A = tpu.sem_alloc : memref<!tpu.dma_semaphore, #tpu.memory_space<semaphore_mem>>
            %dma_start3A_805 = arith.constant 0 : i32
            %dma_start3A_806 = tpu.memref_slice %arg10[%add3A_787, %dma_start3A_805] : memref<42x128xi32, #tpu.memory_space<vmem>> -> memref<1x128xi32, #tpu.memory_space<vmem>>
            %dma_start3A_807 = tpu.memref_squeeze %dma_start3A_806 : memref<1x128xi32, #tpu.memory_space<vmem>> -> memref<128xi32, #tpu.memory_space<vmem>>
            %dma_start3A_808 = arith.constant 0 : i32
            %dma_start3A_809 = arith.constant 0 : i32
            %dma_start3A_810 = tpu.memref_slice %arg13[%dma_start3A_808, %dma_start3A_809] : memref<8464x128xf32, #tpu.memory_space<vmem_shared>> -> memref<8464x128xf32, #tpu.memory_space<vmem_shared>>
            tpu.enqueue_indirect_dma source(%arg12 : memref<128x128xf32, #tpu.memory_space<vmem>>) target(%dma_start3A_810 : memref<8464x128xf32, #tpu.memory_space<vmem_shared>>) offsets(%dma_start3A_807 : memref<128xi32, #tpu.memory_space<vmem>>) semaphore(%run_scoped3A : memref<!tpu.dma_semaphore, #tpu.memory_space<semaphore_mem>>) {add = true}
            %dma_wait3A_811 = arith.constant 0 : i32
            %dma_wait3A_812 = tpu.memref_slice %arg10[%add3A_787, %dma_wait3A_811] : memref<42x128xi32, #tpu.memory_space<vmem>> -> memref<1x128xi32, #tpu.memory_space<vmem>>
            %dma_wait3A_813 = tpu.memref_squeeze %dma_wait3A_812 : memref<1x128xi32, #tpu.memory_space<vmem>> -> memref<128xi32, #tpu.memory_space<vmem>>
            %dma_wait3A_814 = arith.constant 0 : i32
            %dma_wait3A_815 = arith.constant 0 : i32
            %dma_wait3A_816 = tpu.memref_slice %arg13[%dma_wait3A_814, %dma_wait3A_815] : memref<8464x128xf32, #tpu.memory_space<vmem_shared>> -> memref<8464x128xf32, #tpu.memory_space<vmem_shared>>
            tpu.wait_indirect_dma semaphore(%run_scoped3A : memref<!tpu.dma_semaphore, #tpu.memory_space<semaphore_mem>>) src(%arg12 : memref<128x128xf32, #tpu.memory_space<vmem>>) dst(%dma_wait3A_816 : memref<8464x128xf32, #tpu.memory_space<vmem_shared>>)
            tpu.yield
          }) : () -> ()
        } else {
        }
        %while3A_792 = arith.constant 0 : i32
        scf.yield %while3A_792 : i32
      }
      %barrier3A_496 = arith.constant 0 : index
      tpu.barrier barrier_id(%barrier3A_496)
      %add3A_497 = arith.constant 8448 : i32
      %add3A_498 = arith.addi %mul3A_0, %add3A_497 : i32
      %add3A_499 = arith.addi %add3A_498, %mul3A_4 : i32
      %dma_start3A_500 = arith.constant 0 : i32
      %dma_start3A_501 = tpu.memref_slice %arg6[%scan3A_17, %add3A_499, %dma_start3A_500] : memref<7x50688x128xf32, #tpu.memory_space<hbm>> -> memref<1x528x128xf32, #tpu.memory_space<hbm>>
      %dma_start3A_502 = tpu.memref_squeeze %dma_start3A_501 : memref<1x528x128xf32, #tpu.memory_space<hbm>> -> memref<528x128xf32, #tpu.memory_space<hbm>>
      %dma_start3A_503 = arith.constant 0 : i32
      %dma_start3A_504 = tpu.memref_slice %arg13[%mul3A_4, %dma_start3A_503] : memref<8464x128xf32, #tpu.memory_space<vmem_shared>> -> memref<528x128xf32, #tpu.memory_space<vmem_shared>>
      tpu.enqueue_dma source(%dma_start3A_504 : memref<528x128xf32, #tpu.memory_space<vmem_shared>>) target(%dma_start3A_502 : memref<528x128xf32, #tpu.memory_space<hbm>>) target_semaphore(%arg18 : memref<!tpu.dma_semaphore, #tpu.memory_space<semaphore_mem>>)
      %add3A_505 = arith.constant 16896 : i32
      %add3A_506 = arith.addi %mul3A_0, %add3A_505 : i32
      %scan3A_507 = arith.constant 0 : i32
      %scan3A_508 = arith.constant 0 : i32
      %scan3A_509 = arith.constant 157 : i32
      %scan3A_510 = arith.addi %scan3A_508, %scan3A_509 : i32
      %scan3A_511 = arith.constant 1 : i32
      %scan3A_512 = scf.for %scan3A_775 = %scan3A_508 to %scan3A_510 step %scan3A_511 iter_args(%scan3A_776 = %scan3A_507) -> (i32)  : i32 {
        %mul3A_777 = arith.constant 32 : i32
        %mul3A_778 = arith.muli %scan3A_775, %mul3A_777 : i32
        %get3A = arith.index_cast %mul3A_778 : i32 to index
        %get3A_779 = tpu.vector_load %arg8[%get3A] {strides = array<i32>} : memref<5024xi32, #tpu.memory_space<vmem>>, vector<16xi32>,
        %get3A_780 = arith.index_cast %mul3A_778 : i32 to index
        %get3A_781 = tpu.vector_load %arg7[%get3A_780] {strides = array<i32>} : memref<5024xi32, #tpu.memory_space<vmem>>, vector<16xi32>,
        %add3A_782 = arith.constant 16 : i32
        %add3A_783 = arith.addi %mul3A_778, %add3A_782 : i32
        %get3A_784 = arith.index_cast %add3A_783 : i32 to index
        %get3A_785 = tpu.vector_load %arg8[%get3A_784] {strides = array<i32>} : memref<5024xi32, #tpu.memory_space<vmem>>, vector<16xi32>,
        %add3A_786 = arith.constant 16 : i32
        %add3A_787 = arith.addi %mul3A_778, %add3A_786 : i32
        %get3A_788 = arith.index_cast %add3A_787 : i32 to index
        %get3A_789 = tpu.vector_load %arg7[%get3A_788] {strides = array<i32>} : memref<5024xi32, #tpu.memory_space<vmem>>, vector<16xi32>,
        %add3A_790 = vector.broadcast %mul3A_778 : i32 to vector<16xi32>
        %add3A_791 = arith.addi %add3A_790, %iota3A : vector<16xi32>
        %lt3A = arith.constant 5000 : i32
        %lt3A_792 = vector.broadcast %lt3A : i32 to vector<16xi32>
        %lt3A_793 = arith.cmpi slt, %add3A_791, %lt3A_792 : vector<16xi32>
        %add3A_794 = arith.constant 16 : i32
        %add3A_795 = arith.addi %mul3A_778, %add3A_794 : i32
        %add3A_796 = vector.broadcast %add3A_795 : i32 to vector<16xi32>
        %add3A_797 = arith.addi %add3A_796, %iota3A : vector<16xi32>
        %lt3A_798 = arith.constant 5000 : i32
        %lt3A_799 = vector.broadcast %lt3A_798 : i32 to vector<16xi32>
        %lt3A_800 = arith.cmpi slt, %add3A_797, %lt3A_799 : vector<16xi32>
        %sub3A_801 = vector.broadcast %add3A_506 : i32 to vector<16xi32>
        %sub3A_802 = arith.subi %get3A_779, %sub3A_801 : vector<16xi32>
        %sub3A_803 = vector.broadcast %add3A_506 : i32 to vector<16xi32>
        %sub3A_804 = arith.subi %get3A_785, %sub3A_803 : vector<16xi32>
        %ge3A = arith.constant 0 : i32
        %ge3A_805 = vector.broadcast %ge3A : i32 to vector<16xi32>
        %ge3A_806 = arith.cmpi sge, %sub3A_802, %ge3A_805 : vector<16xi32>
        %lt3A_807 = arith.constant 8448 : i32
        %lt3A_808 = vector.broadcast %lt3A_807 : i32 to vector<16xi32>
        %lt3A_809 = arith.cmpi slt, %sub3A_802, %lt3A_808 : vector<16xi32>
        %and3A_810 = arith.andi %ge3A_806, %lt3A_809 : vector<16xi1>
        %and3A_811 = arith.andi %and3A_810, %lt3A_793 : vector<16xi1>
        %ge3A_812 = arith.constant 0 : i32
        %ge3A_813 = vector.broadcast %ge3A_812 : i32 to vector<16xi32>
        %ge3A_814 = arith.cmpi sge, %sub3A_804, %ge3A_813 : vector<16xi32>
        %lt3A_815 = arith.constant 8448 : i32
        %lt3A_816 = vector.broadcast %lt3A_815 : i32 to vector<16xi32>
        %lt3A_817 = arith.cmpi slt, %sub3A_804, %lt3A_816 : vector<16xi32>
        %and3A_818 = arith.andi %ge3A_814, %lt3A_817 : vector<16xi1>
        %and3A_819 = arith.andi %and3A_818, %lt3A_800 : vector<16xi1>
        %convert_element_type3A_820 = arith.extui %and3A_811 : vector<16xi1> to vector<16xi32>
        %broadcast_in_dim3A = arith.constant true
        %broadcast_in_dim3A_821 = vector.broadcast %broadcast_in_dim3A : i1 to vector<16xi1>
        %masked_cumsum3A = tpu.scan <sum>, %convert_element_type3A_820 masked %broadcast_in_dim3A_821 : vector<16xi32>, vector<16xi1> -> vector<16xi32>
        %convert_element_type3A_822 = arith.extui %and3A_819 : vector<16xi1> to vector<16xi32>
        %broadcast_in_dim3A_823 = arith.constant true
        %broadcast_in_dim3A_824 = vector.broadcast %broadcast_in_dim3A_823 : i1 to vector<16xi1>
        %masked_cumsum3A_825 = tpu.scan <sum>, %convert_element_type3A_822 masked %broadcast_in_dim3A_824 : vector<16xi32>, vector<16xi1> -> vector<16xi32>
        %add3A_826 = vector.broadcast %scan3A_776 : i32 to vector<16xi32>
        %add3A_827 = arith.addi %add3A_826, %masked_cumsum3A : vector<16xi32>
        %sub3A_828 = arith.constant 1 : i32
        %sub3A_829 = vector.broadcast %sub3A_828 : i32 to vector<16xi32>
        %sub3A_830 = arith.subi %add3A_827, %sub3A_829 : vector<16xi32>
        %shift_right_arithmetic3A_831 = arith.constant 7 : i32
        %shift_right_arithmetic3A_832 = vector.broadcast %shift_right_arithmetic3A_831 : i32 to vector<16xi32>
        %shift_right_arithmetic3A_833 = arith.shrsi %sub3A_830, %shift_right_arithmetic3A_832 : vector<16xi32>
        %and3A_834 = arith.constant 127 : i32
        %and3A_835 = vector.broadcast %and3A_834 : i32 to vector<16xi32>
        %and3A_836 = arith.andi %sub3A_830, %and3A_835 : vector<16xi32>
        tpu.vector_store_idx %arg9[%shift_right_arithmetic3A_833, %and3A_836], %get3A_781 masked %and3A_811 : memref<42x128xi32, #tpu.memory_space<vmem>>[vector<16xi32>, vector<16xi32>], vector<16xi32>, vector<16xi1>
        %shift_right_arithmetic3A_837 = arith.constant 7 : i32
        %shift_right_arithmetic3A_838 = vector.broadcast %shift_right_arithmetic3A_837 : i32 to vector<16xi32>
        %shift_right_arithmetic3A_839 = arith.shrsi %sub3A_830, %shift_right_arithmetic3A_838 : vector<16xi32>
        %and3A_840 = arith.constant 127 : i32
        %and3A_841 = vector.broadcast %and3A_840 : i32 to vector<16xi32>
        %and3A_842 = arith.andi %sub3A_830, %and3A_841 : vector<16xi32>
        tpu.vector_store_idx %arg10[%shift_right_arithmetic3A_839, %and3A_842], %sub3A_802 masked %and3A_811 : memref<42x128xi32, #tpu.memory_space<vmem>>[vector<16xi32>, vector<16xi32>], vector<16xi32>, vector<16xi1>
        %slice3A = vector.extract_strided_slice %masked_cumsum3A {offsets = [15], sizes = [1], strides = [1]} : vector<16xi32> to vector<1xi32>
        %squeeze3A = vector.extract %slice3A[0] : i32 from vector<1xi32>
        %add3A_843 = arith.addi %scan3A_776, %squeeze3A : i32
        %add3A_844 = vector.broadcast %add3A_843 : i32 to vector<16xi32>
        %add3A_845 = arith.addi %add3A_844, %masked_cumsum3A_825 : vector<16xi32>
        %sub3A_846 = arith.constant 1 : i32
        %sub3A_847 = vector.broadcast %sub3A_846 : i32 to vector<16xi32>
        %sub3A_848 = arith.subi %add3A_845, %sub3A_847 : vector<16xi32>
        %shift_right_arithmetic3A_849 = arith.constant 7 : i32
        %shift_right_arithmetic3A_850 = vector.broadcast %shift_right_arithmetic3A_849 : i32 to vector<16xi32>
        %shift_right_arithmetic3A_851 = arith.shrsi %sub3A_848, %shift_right_arithmetic3A_850 : vector<16xi32>
        %and3A_852 = arith.constant 127 : i32
        %and3A_853 = vector.broadcast %and3A_852 : i32 to vector<16xi32>
        %and3A_854 = arith.andi %sub3A_848, %and3A_853 : vector<16xi32>
        tpu.vector_store_idx %arg9[%shift_right_arithmetic3A_851, %and3A_854], %get3A_789 masked %and3A_819 : memref<42x128xi32, #tpu.memory_space<vmem>>[vector<16xi32>, vector<16xi32>], vector<16xi32>, vector<16xi1>
        %shift_right_arithmetic3A_855 = arith.constant 7 : i32
        %shift_right_arithmetic3A_856 = vector.broadcast %shift_right_arithmetic3A_855 : i32 to vector<16xi32>
        %shift_right_arithmetic3A_857 = arith.shrsi %sub3A_848, %shift_right_arithmetic3A_856 : vector<16xi32>
        %and3A_858 = arith.constant 127 : i32
        %and3A_859 = vector.broadcast %and3A_858 : i32 to vector<16xi32>
        %and3A_860 = arith.andi %sub3A_848, %and3A_859 : vector<16xi32>
        tpu.vector_store_idx %arg10[%shift_right_arithmetic3A_857, %and3A_860], %sub3A_804 masked %and3A_819 : memref<42x128xi32, #tpu.memory_space<vmem>>[vector<16xi32>, vector<16xi32>], vector<16xi32>, vector<16xi1>
        %slice3A_861 = vector.extract_strided_slice %masked_cumsum3A_825 {offsets = [15], sizes = [1], strides = [1]} : vector<16xi32> to vector<1xi32>
        %squeeze3A_862 = vector.extract %slice3A_861[0] : i32 from vector<1xi32>
        %add3A_863 = arith.addi %add3A_843, %squeeze3A_862 : i32
        scf.yield %add3A_863 : i32
      }
      %scan3A_513 = arith.constant 157 : i32
      %add3A_514 = arith.constant 0 : i32
      %add3A_515 = arith.addi %scan3A_512, %add3A_514 : i32
      %add3A_516 = vector.broadcast %add3A_515 : i32 to vector<16xi32>
      %add3A_517 = arith.addi %add3A_516, %iota3A : vector<16xi32>
      %shift_right_arithmetic3A_518 = arith.constant 7 : i32
      %shift_right_arithmetic3A_519 = vector.broadcast %shift_right_arithmetic3A_518 : i32 to vector<16xi32>
      %shift_right_arithmetic3A_520 = arith.shrsi %add3A_517, %shift_right_arithmetic3A_519 : vector<16xi32>
      %and3A_521 = arith.constant 127 : i32
      %and3A_522 = vector.broadcast %and3A_521 : i32 to vector<16xi32>
      %and3A_523 = arith.andi %add3A_517, %and3A_522 : vector<16xi32>
      tpu.vector_store_idx %arg9[%shift_right_arithmetic3A_520, %and3A_523], %iota3A : memref<42x128xi32, #tpu.memory_space<vmem>>[vector<16xi32>, vector<16xi32>], vector<16xi32>,
      %shift_right_arithmetic3A_524 = arith.constant 7 : i32
      %shift_right_arithmetic3A_525 = vector.broadcast %shift_right_arithmetic3A_524 : i32 to vector<16xi32>
      %shift_right_arithmetic3A_526 = arith.shrsi %add3A_517, %shift_right_arithmetic3A_525 : vector<16xi32>
      %and3A_527 = arith.constant 127 : i32
      %and3A_528 = vector.broadcast %and3A_527 : i32 to vector<16xi32>
      %and3A_529 = arith.andi %add3A_517, %and3A_528 : vector<16xi32>
      %add3A_530 = arith.constant 8448 : i32
      %add3A_531 = vector.broadcast %add3A_530 : i32 to vector<16xi32>
      %add3A_532 = arith.addi %add3A_531, %iota3A : vector<16xi32>
      tpu.vector_store_idx %arg10[%shift_right_arithmetic3A_526, %and3A_529], %add3A_532 : memref<42x128xi32, #tpu.memory_space<vmem>>[vector<16xi32>, vector<16xi32>], vector<16xi32>,
      %add3A_533 = arith.constant 16 : i32
      %add3A_534 = arith.addi %scan3A_512, %add3A_533 : i32
      %add3A_535 = vector.broadcast %add3A_534 : i32 to vector<16xi32>
      %add3A_536 = arith.addi %add3A_535, %iota3A : vector<16xi32>
      %shift_right_arithmetic3A_537 = arith.constant 7 : i32
      %shift_right_arithmetic3A_538 = vector.broadcast %shift_right_arithmetic3A_537 : i32 to vector<16xi32>
      %shift_right_arithmetic3A_539 = arith.shrsi %add3A_536, %shift_right_arithmetic3A_538 : vector<16xi32>
      %and3A_540 = arith.constant 127 : i32
      %and3A_541 = vector.broadcast %and3A_540 : i32 to vector<16xi32>
      %and3A_542 = arith.andi %add3A_536, %and3A_541 : vector<16xi32>
      tpu.vector_store_idx %arg9[%shift_right_arithmetic3A_539, %and3A_542], %iota3A : memref<42x128xi32, #tpu.memory_space<vmem>>[vector<16xi32>, vector<16xi32>], vector<16xi32>,
      %shift_right_arithmetic3A_543 = arith.constant 7 : i32
      %shift_right_arithmetic3A_544 = vector.broadcast %shift_right_arithmetic3A_543 : i32 to vector<16xi32>
      %shift_right_arithmetic3A_545 = arith.shrsi %add3A_536, %shift_right_arithmetic3A_544 : vector<16xi32>
      %and3A_546 = arith.constant 127 : i32
      %and3A_547 = vector.broadcast %and3A_546 : i32 to vector<16xi32>
      %and3A_548 = arith.andi %add3A_536, %and3A_547 : vector<16xi32>
      %add3A_549 = arith.constant 8448 : i32
      %add3A_550 = vector.broadcast %add3A_549 : i32 to vector<16xi32>
      %add3A_551 = arith.addi %add3A_550, %iota3A : vector<16xi32>
      tpu.vector_store_idx %arg10[%shift_right_arithmetic3A_545, %and3A_548], %add3A_551 : memref<42x128xi32, #tpu.memory_space<vmem>>[vector<16xi32>, vector<16xi32>], vector<16xi32>,
      %add3A_552 = arith.constant 32 : i32
      %add3A_553 = arith.addi %scan3A_512, %add3A_552 : i32
      %add3A_554 = vector.broadcast %add3A_553 : i32 to vector<16xi32>
      %add3A_555 = arith.addi %add3A_554, %iota3A : vector<16xi32>
      %shift_right_arithmetic3A_556 = arith.constant 7 : i32
      %shift_right_arithmetic3A_557 = vector.broadcast %shift_right_arithmetic3A_556 : i32 to vector<16xi32>
      %shift_right_arithmetic3A_558 = arith.shrsi %add3A_555, %shift_right_arithmetic3A_557 : vector<16xi32>
      %and3A_559 = arith.constant 127 : i32
      %and3A_560 = vector.broadcast %and3A_559 : i32 to vector<16xi32>
      %and3A_561 = arith.andi %add3A_555, %and3A_560 : vector<16xi32>
      tpu.vector_store_idx %arg9[%shift_right_arithmetic3A_558, %and3A_561], %iota3A : memref<42x128xi32, #tpu.memory_space<vmem>>[vector<16xi32>, vector<16xi32>], vector<16xi32>,
      %shift_right_arithmetic3A_562 = arith.constant 7 : i32
      %shift_right_arithmetic3A_563 = vector.broadcast %shift_right_arithmetic3A_562 : i32 to vector<16xi32>
      %shift_right_arithmetic3A_564 = arith.shrsi %add3A_555, %shift_right_arithmetic3A_563 : vector<16xi32>
      %and3A_565 = arith.constant 127 : i32
      %and3A_566 = vector.broadcast %and3A_565 : i32 to vector<16xi32>
      %and3A_567 = arith.andi %add3A_555, %and3A_566 : vector<16xi32>
      %add3A_568 = arith.constant 8448 : i32
      %add3A_569 = vector.broadcast %add3A_568 : i32 to vector<16xi32>
      %add3A_570 = arith.addi %add3A_569, %iota3A : vector<16xi32>
      tpu.vector_store_idx %arg10[%shift_right_arithmetic3A_564, %and3A_567], %add3A_570 : memref<42x128xi32, #tpu.memory_space<vmem>>[vector<16xi32>, vector<16xi32>], vector<16xi32>,
      %add3A_571 = arith.constant 48 : i32
      %add3A_572 = arith.addi %scan3A_512, %add3A_571 : i32
      %add3A_573 = vector.broadcast %add3A_572 : i32 to vector<16xi32>
      %add3A_574 = arith.addi %add3A_573, %iota3A : vector<16xi32>
      %shift_right_arithmetic3A_575 = arith.constant 7 : i32
      %shift_right_arithmetic3A_576 = vector.broadcast %shift_right_arithmetic3A_575 : i32 to vector<16xi32>
      %shift_right_arithmetic3A_577 = arith.shrsi %add3A_574, %shift_right_arithmetic3A_576 : vector<16xi32>
      %and3A_578 = arith.constant 127 : i32
      %and3A_579 = vector.broadcast %and3A_578 : i32 to vector<16xi32>
      %and3A_580 = arith.andi %add3A_574, %and3A_579 : vector<16xi32>
      tpu.vector_store_idx %arg9[%shift_right_arithmetic3A_577, %and3A_580], %iota3A : memref<42x128xi32, #tpu.memory_space<vmem>>[vector<16xi32>, vector<16xi32>], vector<16xi32>,
      %shift_right_arithmetic3A_581 = arith.constant 7 : i32
      %shift_right_arithmetic3A_582 = vector.broadcast %shift_right_arithmetic3A_581 : i32 to vector<16xi32>
      %shift_right_arithmetic3A_583 = arith.shrsi %add3A_574, %shift_right_arithmetic3A_582 : vector<16xi32>
      %and3A_584 = arith.constant 127 : i32
      %and3A_585 = vector.broadcast %and3A_584 : i32 to vector<16xi32>
      %and3A_586 = arith.andi %add3A_574, %and3A_585 : vector<16xi32>
      %add3A_587 = arith.constant 8448 : i32
      %add3A_588 = vector.broadcast %add3A_587 : i32 to vector<16xi32>
      %add3A_589 = arith.addi %add3A_588, %iota3A : vector<16xi32>
      tpu.vector_store_idx %arg10[%shift_right_arithmetic3A_583, %and3A_586], %add3A_589 : memref<42x128xi32, #tpu.memory_space<vmem>>[vector<16xi32>, vector<16xi32>], vector<16xi32>,
      %add3A_590 = arith.constant 64 : i32
      %add3A_591 = arith.addi %scan3A_512, %add3A_590 : i32
      %add3A_592 = vector.broadcast %add3A_591 : i32 to vector<16xi32>
      %add3A_593 = arith.addi %add3A_592, %iota3A : vector<16xi32>
      %shift_right_arithmetic3A_594 = arith.constant 7 : i32
      %shift_right_arithmetic3A_595 = vector.broadcast %shift_right_arithmetic3A_594 : i32 to vector<16xi32>
      %shift_right_arithmetic3A_596 = arith.shrsi %add3A_593, %shift_right_arithmetic3A_595 : vector<16xi32>
      %and3A_597 = arith.constant 127 : i32
      %and3A_598 = vector.broadcast %and3A_597 : i32 to vector<16xi32>
      %and3A_599 = arith.andi %add3A_593, %and3A_598 : vector<16xi32>
      tpu.vector_store_idx %arg9[%shift_right_arithmetic3A_596, %and3A_599], %iota3A : memref<42x128xi32, #tpu.memory_space<vmem>>[vector<16xi32>, vector<16xi32>], vector<16xi32>,
      %shift_right_arithmetic3A_600 = arith.constant 7 : i32
      %shift_right_arithmetic3A_601 = vector.broadcast %shift_right_arithmetic3A_600 : i32 to vector<16xi32>
      %shift_right_arithmetic3A_602 = arith.shrsi %add3A_593, %shift_right_arithmetic3A_601 : vector<16xi32>
      %and3A_603 = arith.constant 127 : i32
      %and3A_604 = vector.broadcast %and3A_603 : i32 to vector<16xi32>
      %and3A_605 = arith.andi %add3A_593, %and3A_604 : vector<16xi32>
      %add3A_606 = arith.constant 8448 : i32
      %add3A_607 = vector.broadcast %add3A_606 : i32 to vector<16xi32>
      %add3A_608 = arith.addi %add3A_607, %iota3A : vector<16xi32>
      tpu.vector_store_idx %arg10[%shift_right_arithmetic3A_602, %and3A_605], %add3A_608 : memref<42x128xi32, #tpu.memory_space<vmem>>[vector<16xi32>, vector<16xi32>], vector<16xi32>,
      %add3A_609 = arith.constant 80 : i32
      %add3A_610 = arith.addi %scan3A_512, %add3A_609 : i32
      %add3A_611 = vector.broadcast %add3A_610 : i32 to vector<16xi32>
      %add3A_612 = arith.addi %add3A_611, %iota3A : vector<16xi32>
      %shift_right_arithmetic3A_613 = arith.constant 7 : i32
      %shift_right_arithmetic3A_614 = vector.broadcast %shift_right_arithmetic3A_613 : i32 to vector<16xi32>
      %shift_right_arithmetic3A_615 = arith.shrsi %add3A_612, %shift_right_arithmetic3A_614 : vector<16xi32>
      %and3A_616 = arith.constant 127 : i32
      %and3A_617 = vector.broadcast %and3A_616 : i32 to vector<16xi32>
      %and3A_618 = arith.andi %add3A_612, %and3A_617 : vector<16xi32>
      tpu.vector_store_idx %arg9[%shift_right_arithmetic3A_615, %and3A_618], %iota3A : memref<42x128xi32, #tpu.memory_space<vmem>>[vector<16xi32>, vector<16xi32>], vector<16xi32>,
      %shift_right_arithmetic3A_619 = arith.constant 7 : i32
      %shift_right_arithmetic3A_620 = vector.broadcast %shift_right_arithmetic3A_619 : i32 to vector<16xi32>
      %shift_right_arithmetic3A_621 = arith.shrsi %add3A_612, %shift_right_arithmetic3A_620 : vector<16xi32>
      %and3A_622 = arith.constant 127 : i32
      %and3A_623 = vector.broadcast %and3A_622 : i32 to vector<16xi32>
      %and3A_624 = arith.andi %add3A_612, %and3A_623 : vector<16xi32>
      %add3A_625 = arith.constant 8448 : i32
      %add3A_626 = vector.broadcast %add3A_625 : i32 to vector<16xi32>
      %add3A_627 = arith.addi %add3A_626, %iota3A : vector<16xi32>
      tpu.vector_store_idx %arg10[%shift_right_arithmetic3A_621, %and3A_624], %add3A_627 : memref<42x128xi32, #tpu.memory_space<vmem>>[vector<16xi32>, vector<16xi32>], vector<16xi32>,
      %add3A_628 = arith.constant 96 : i32
      %add3A_629 = arith.addi %scan3A_512, %add3A_628 : i32
      %add3A_630 = vector.broadcast %add3A_629 : i32 to vector<16xi32>
      %add3A_631 = arith.addi %add3A_630, %iota3A : vector<16xi32>
      %shift_right_arithmetic3A_632 = arith.constant 7 : i32
      %shift_right_arithmetic3A_633 = vector.broadcast %shift_right_arithmetic3A_632 : i32 to vector<16xi32>
      %shift_right_arithmetic3A_634 = arith.shrsi %add3A_631, %shift_right_arithmetic3A_633 : vector<16xi32>
      %and3A_635 = arith.constant 127 : i32
      %and3A_636 = vector.broadcast %and3A_635 : i32 to vector<16xi32>
      %and3A_637 = arith.andi %add3A_631, %and3A_636 : vector<16xi32>
      tpu.vector_store_idx %arg9[%shift_right_arithmetic3A_634, %and3A_637], %iota3A : memref<42x128xi32, #tpu.memory_space<vmem>>[vector<16xi32>, vector<16xi32>], vector<16xi32>,
      %shift_right_arithmetic3A_638 = arith.constant 7 : i32
      %shift_right_arithmetic3A_639 = vector.broadcast %shift_right_arithmetic3A_638 : i32 to vector<16xi32>
      %shift_right_arithmetic3A_640 = arith.shrsi %add3A_631, %shift_right_arithmetic3A_639 : vector<16xi32>
      %and3A_641 = arith.constant 127 : i32
      %and3A_642 = vector.broadcast %and3A_641 : i32 to vector<16xi32>
      %and3A_643 = arith.andi %add3A_631, %and3A_642 : vector<16xi32>
      %add3A_644 = arith.constant 8448 : i32
      %add3A_645 = vector.broadcast %add3A_644 : i32 to vector<16xi32>
      %add3A_646 = arith.addi %add3A_645, %iota3A : vector<16xi32>
      tpu.vector_store_idx %arg10[%shift_right_arithmetic3A_640, %and3A_643], %add3A_646 : memref<42x128xi32, #tpu.memory_space<vmem>>[vector<16xi32>, vector<16xi32>], vector<16xi32>,
      %add3A_647 = arith.constant 112 : i32
      %add3A_648 = arith.addi %scan3A_512, %add3A_647 : i32
      %add3A_649 = vector.broadcast %add3A_648 : i32 to vector<16xi32>
      %add3A_650 = arith.addi %add3A_649, %iota3A : vector<16xi32>
      %shift_right_arithmetic3A_651 = arith.constant 7 : i32
      %shift_right_arithmetic3A_652 = vector.broadcast %shift_right_arithmetic3A_651 : i32 to vector<16xi32>
      %shift_right_arithmetic3A_653 = arith.shrsi %add3A_650, %shift_right_arithmetic3A_652 : vector<16xi32>
      %and3A_654 = arith.constant 127 : i32
      %and3A_655 = vector.broadcast %and3A_654 : i32 to vector<16xi32>
      %and3A_656 = arith.andi %add3A_650, %and3A_655 : vector<16xi32>
      tpu.vector_store_idx %arg9[%shift_right_arithmetic3A_653, %and3A_656], %iota3A : memref<42x128xi32, #tpu.memory_space<vmem>>[vector<16xi32>, vector<16xi32>], vector<16xi32>,
      %shift_right_arithmetic3A_657 = arith.constant 7 : i32
      %shift_right_arithmetic3A_658 = vector.broadcast %shift_right_arithmetic3A_657 : i32 to vector<16xi32>
      %shift_right_arithmetic3A_659 = arith.shrsi %add3A_650, %shift_right_arithmetic3A_658 : vector<16xi32>
      %and3A_660 = arith.constant 127 : i32
      %and3A_661 = vector.broadcast %and3A_660 : i32 to vector<16xi32>
      %and3A_662 = arith.andi %add3A_650, %and3A_661 : vector<16xi32>
      %add3A_663 = arith.constant 8448 : i32
      %add3A_664 = vector.broadcast %add3A_663 : i32 to vector<16xi32>
      %add3A_665 = arith.addi %add3A_664, %iota3A : vector<16xi32>
      tpu.vector_store_idx %arg10[%shift_right_arithmetic3A_659, %and3A_662], %add3A_665 : memref<42x128xi32, #tpu.memory_space<vmem>>[vector<16xi32>, vector<16xi32>], vector<16xi32>,
      %dma_wait3A_666 = arith.constant 0 : i32
      %dma_wait3A_667 = tpu.memref_slice %arg6[%scan3A_17, %add3A_499, %dma_wait3A_666] : memref<7x50688x128xf32, #tpu.memory_space<hbm>> -> memref<1x528x128xf32, #tpu.memory_space<hbm>>
      %dma_wait3A_668 = tpu.memref_squeeze %dma_wait3A_667 : memref<1x528x128xf32, #tpu.memory_space<hbm>> -> memref<528x128xf32, #tpu.memory_space<hbm>>
      %dma_wait3A_669 = arith.constant 0 : i32
      %dma_wait3A_670 = tpu.memref_slice %arg13[%mul3A_4, %dma_wait3A_669] : memref<8464x128xf32, #tpu.memory_space<vmem_shared>> -> memref<528x128xf32, #tpu.memory_space<vmem_shared>>
      tpu.wait_dma2 semaphore(%arg18 : memref<!tpu.dma_semaphore, #tpu.memory_space<semaphore_mem>>) src(%dma_wait3A_670 : memref<528x128xf32, #tpu.memory_space<vmem_shared>>) dst(%dma_wait3A_668 : memref<528x128xf32, #tpu.memory_space<hbm>>)
      %dma_start3A_671 = arith.constant 0 : i32
      %dma_start3A_672 = tpu.memref_slice %arg13[%mul3A_4, %dma_start3A_671] : memref<8464x128xf32, #tpu.memory_space<vmem_shared>> -> memref<528x128xf32, #tpu.memory_space<vmem_shared>>
      %dma_start3A_673 = arith.constant 0 : i32
      %dma_start3A_674 = tpu.memref_slice %arg5[%mul3A_4, %dma_start3A_673] : memref<8448x128xf32, #tpu.memory_space<hbm>> -> memref<528x128xf32, #tpu.memory_space<hbm>>
      tpu.enqueue_dma source(%dma_start3A_674 : memref<528x128xf32, #tpu.memory_space<hbm>>) target(%dma_start3A_672 : memref<528x128xf32, #tpu.memory_space<vmem_shared>>) target_semaphore(%arg19 : memref<!tpu.dma_semaphore, #tpu.memory_space<semaphore_mem>>)
      %dma_wait3A_675 = arith.constant 0 : i32
      %dma_wait3A_676 = tpu.memref_slice %arg13[%mul3A_4, %dma_wait3A_675] : memref<8464x128xf32, #tpu.memory_space<vmem_shared>> -> memref<528x128xf32, #tpu.memory_space<vmem_shared>>
      %dma_wait3A_677 = arith.constant 0 : i32
      %dma_wait3A_678 = tpu.memref_slice %arg5[%mul3A_4, %dma_wait3A_677] : memref<8448x128xf32, #tpu.memory_space<hbm>> -> memref<528x128xf32, #tpu.memory_space<hbm>>
      tpu.wait_dma2 semaphore(%arg19 : memref<!tpu.dma_semaphore, #tpu.memory_space<semaphore_mem>>) src(%dma_wait3A_678 : memref<528x128xf32, #tpu.memory_space<hbm>>) dst(%dma_wait3A_676 : memref<528x128xf32, #tpu.memory_space<vmem_shared>>)
      %barrier3A_679 = arith.constant 0 : index
      tpu.barrier barrier_id(%barrier3A_679)
      %add3A_680 = arith.constant 128 : i32
      %add3A_681 = arith.addi %scan3A_512, %add3A_680 : i32
      %sub3A_682 = arith.constant 1 : i32
      %sub3A_683 = arith.subi %add3A_681, %sub3A_682 : i32
      %jit3A_684 = arith.constant 128 : i32
      %div3A_685 = arith.divsi %sub3A_683, %jit3A_684 : i32
      %sign3A_686 = arith.constant 0 : i32
      %sign3A_687 = arith.cmpi sgt, %sub3A_683, %sign3A_686 : i32
      %sign3A_688 = arith.extui %sign3A_687 : i1 to i32
      %sign3A_689 = arith.constant 0 : i32
      %sign3A_690 = arith.cmpi slt, %sub3A_683, %sign3A_689 : i32
      %sign3A_691 = arith.extui %sign3A_690 : i1 to i32
      %sign3A_692 = arith.subi %sign3A_688, %sign3A_691 : i32
      %sign3A_693 = arith.constant 0 : i32
      %sign3A_694 = arith.cmpi sgt, %jit3A_684, %sign3A_693 : i32
      %sign3A_695 = arith.extui %sign3A_694 : i1 to i32
      %sign3A_696 = arith.constant 0 : i32
      %sign3A_697 = arith.cmpi slt, %jit3A_684, %sign3A_696 : i32
      %sign3A_698 = arith.extui %sign3A_697 : i1 to i32
      %sign3A_699 = arith.subi %sign3A_695, %sign3A_698 : i32
      %ne3A_700 = arith.cmpi ne, %sign3A_692, %sign3A_699 : i32
      %rem3A_701 = arith.remsi %sub3A_683, %jit3A_684 : i32
      %ne3A_702 = arith.constant 0 : i32
      %ne3A_703 = arith.cmpi ne, %rem3A_701, %ne3A_702 : i32
      %and3A_704 = arith.andi %ne3A_700, %ne3A_703 : i1
      %sub3A_705 = arith.constant 1 : i32
      %sub3A_706 = arith.subi %div3A_685, %sub3A_705 : i32
      %select_n3A_707 = arith.select %and3A_704, %sub3A_706, %div3A_685 : i32
      %gt3A_708 = arith.constant 0 : i32
      %gt3A_709 = arith.cmpi sgt, %select_n3A_707, %gt3A_708 : i32
      %convert_element_type3A_710 = arith.extui %gt3A_709 : i1 to i32
      %cond3A_711 = arith.constant 0 : i32
      %cond3A_712 = arith.cmpi ne, %convert_element_type3A_710, %cond3A_711 : i32
      scf.if %cond3A_712 {
        %dma_start3A_775 = arith.constant 0 : i32
        %dma_start3A_776 = arith.constant 0 : i32
        %dma_start3A_777 = tpu.memref_slice %arg9[%dma_start3A_775, %dma_start3A_776] : memref<42x128xi32, #tpu.memory_space<vmem>> -> memref<1x128xi32, #tpu.memory_space<vmem>>
        %dma_start3A_778 = tpu.memref_squeeze %dma_start3A_777 : memref<1x128xi32, #tpu.memory_space<vmem>> -> memref<128xi32, #tpu.memory_space<vmem>>
        %dma_start3A_779 = arith.constant 0 : i32
        %dma_start3A_780 = arith.constant 0 : i32
        %dma_start3A_781 = tpu.memref_slice %arg4[%dma_start3A_779, %dma_start3A_780] : memref<50000x128xf32, #tpu.memory_space<hbm>> -> memref<50000x128xf32, #tpu.memory_space<hbm>>
        tpu.enqueue_indirect_dma source(%dma_start3A_781 : memref<50000x128xf32, #tpu.memory_space<hbm>>) target(%arg11 : memref<128x128xf32, #tpu.memory_space<vmem>>) offsets(%dma_start3A_778 : memref<128xi32, #tpu.memory_space<vmem>>) semaphore(%arg14 : memref<!tpu.dma_semaphore, #tpu.memory_space<semaphore_mem>>)
      } else {
      }
      %add3A_713 = arith.constant 1 : i32
      %add3A_714 = arith.addi %select_n3A_707, %add3A_713 : i32
      %jit3A_715 = arith.constant 2 : i32
      %div3A_716 = arith.divsi %add3A_714, %jit3A_715 : i32
      %sign3A_717 = arith.constant 0 : i32
      %sign3A_718 = arith.cmpi sgt, %add3A_714, %sign3A_717 : i32
      %sign3A_719 = arith.extui %sign3A_718 : i1 to i32
      %sign3A_720 = arith.constant 0 : i32
      %sign3A_721 = arith.cmpi slt, %add3A_714, %sign3A_720 : i32
      %sign3A_722 = arith.extui %sign3A_721 : i1 to i32
      %sign3A_723 = arith.subi %sign3A_719, %sign3A_722 : i32
      %sign3A_724 = arith.constant 0 : i32
      %sign3A_725 = arith.cmpi sgt, %jit3A_715, %sign3A_724 : i32
      %sign3A_726 = arith.extui %sign3A_725 : i1 to i32
      %sign3A_727 = arith.constant 0 : i32
      %sign3A_728 = arith.cmpi slt, %jit3A_715, %sign3A_727 : i32
      %sign3A_729 = arith.extui %sign3A_728 : i1 to i32
      %sign3A_730 = arith.subi %sign3A_726, %sign3A_729 : i32
      %ne3A_731 = arith.cmpi ne, %sign3A_723, %sign3A_730 : i32
      %rem3A_732 = arith.remsi %add3A_714, %jit3A_715 : i32
      %ne3A_733 = arith.constant 0 : i32
      %ne3A_734 = arith.cmpi ne, %rem3A_732, %ne3A_733 : i32
      %and3A_735 = arith.andi %ne3A_731, %ne3A_734 : i1
      %sub3A_736 = arith.constant 1 : i32
      %sub3A_737 = arith.subi %div3A_716, %sub3A_736 : i32
      %select_n3A_738 = arith.select %and3A_735, %sub3A_737, %div3A_716 : i32
      %while3A_739 = arith.constant 0 : i32
      %while3A_740 = arith.constant 0 : i32
      %while3A_741 = arith.subi %select_n3A_738, %while3A_739 : i32
      %while3A_742 = arith.addi %while3A_739, %while3A_741 : i32
      %while3A_743 = arith.constant 1 : i32
      %while3A_744 = arith.divsi %while3A_741, %while3A_743 : i32
      %while3A_745 = arith.muli %while3A_744, %while3A_743 : i32
      %while3A_746 = arith.addi %while3A_739, %while3A_745 : i32
      %while3A_747 = arith.constant 1 : i32
      %while3A_748 = scf.for %while3A_775 = %while3A_739 to %while3A_746 step %while3A_747 iter_args(%while3A_776 = %while3A_740) -> (i32)  : i32 {
        %mul3A_777 = arith.constant 2 : i32
        %mul3A_778 = arith.muli %while3A_775, %mul3A_777 : i32
        %add3A_779 = arith.constant 0 : i32
        %add3A_780 = arith.addi %mul3A_778, %add3A_779 : i32
        %lt3A = arith.cmpi slt, %add3A_780, %select_n3A_707 : i32
        %convert_element_type3A_781 = arith.extui %lt3A : i1 to i32
        %cond3A_782 = arith.constant 0 : i32
        %cond3A_783 = arith.cmpi ne, %convert_element_type3A_781, %cond3A_782 : i32
        scf.if %cond3A_783 {
          %dma_wait3A_793 = arith.constant 0 : i32
          %dma_wait3A_794 = tpu.memref_slice %arg9[%add3A_780, %dma_wait3A_793] : memref<42x128xi32, #tpu.memory_space<vmem>> -> memref<1x128xi32, #tpu.memory_space<vmem>>
          %dma_wait3A_795 = tpu.memref_squeeze %dma_wait3A_794 : memref<1x128xi32, #tpu.memory_space<vmem>> -> memref<128xi32, #tpu.memory_space<vmem>>
          %dma_wait3A_796 = arith.constant 0 : i32
          %dma_wait3A_797 = arith.constant 0 : i32
          %dma_wait3A_798 = tpu.memref_slice %arg4[%dma_wait3A_796, %dma_wait3A_797] : memref<50000x128xf32, #tpu.memory_space<hbm>> -> memref<50000x128xf32, #tpu.memory_space<hbm>>
          tpu.wait_indirect_dma semaphore(%arg14 : memref<!tpu.dma_semaphore, #tpu.memory_space<semaphore_mem>>) src(%dma_wait3A_798 : memref<50000x128xf32, #tpu.memory_space<hbm>>) dst(%arg11 : memref<128x128xf32, #tpu.memory_space<vmem>>)
          %add3A_799 = arith.constant 1 : i32
          %add3A_800 = arith.addi %add3A_780, %add3A_799 : i32
          %lt3A_801 = arith.cmpi slt, %add3A_800, %select_n3A_707 : i32
          %convert_element_type3A_802 = arith.extui %lt3A_801 : i1 to i32
          %cond3A_803 = arith.constant 0 : i32
          %cond3A_804 = arith.cmpi ne, %convert_element_type3A_802, %cond3A_803 : i32
          scf.if %cond3A_804 {
            %add3A_805 = arith.constant 1 : i32
            %add3A_806 = arith.addi %add3A_780, %add3A_805 : i32
            %dma_start3A_807 = arith.constant 0 : i32
            %dma_start3A_808 = tpu.memref_slice %arg9[%add3A_806, %dma_start3A_807] : memref<42x128xi32, #tpu.memory_space<vmem>> -> memref<1x128xi32, #tpu.memory_space<vmem>>
            %dma_start3A_809 = tpu.memref_squeeze %dma_start3A_808 : memref<1x128xi32, #tpu.memory_space<vmem>> -> memref<128xi32, #tpu.memory_space<vmem>>
            %dma_start3A_810 = arith.constant 0 : i32
            %dma_start3A_811 = arith.constant 0 : i32
            %dma_start3A_812 = tpu.memref_slice %arg4[%dma_start3A_810, %dma_start3A_811] : memref<50000x128xf32, #tpu.memory_space<hbm>> -> memref<50000x128xf32, #tpu.memory_space<hbm>>
            tpu.enqueue_indirect_dma source(%dma_start3A_812 : memref<50000x128xf32, #tpu.memory_space<hbm>>) target(%arg12 : memref<128x128xf32, #tpu.memory_space<vmem>>) offsets(%dma_start3A_809 : memref<128xi32, #tpu.memory_space<vmem>>) semaphore(%arg15 : memref<!tpu.dma_semaphore, #tpu.memory_space<semaphore_mem>>)
          } else {
          }
          "tpu.region"() ({
            %run_scoped3A = tpu.sem_alloc : memref<!tpu.dma_semaphore, #tpu.memory_space<semaphore_mem>>
            %dma_start3A_805 = arith.constant 0 : i32
            %dma_start3A_806 = tpu.memref_slice %arg10[%add3A_780, %dma_start3A_805] : memref<42x128xi32, #tpu.memory_space<vmem>> -> memref<1x128xi32, #tpu.memory_space<vmem>>
            %dma_start3A_807 = tpu.memref_squeeze %dma_start3A_806 : memref<1x128xi32, #tpu.memory_space<vmem>> -> memref<128xi32, #tpu.memory_space<vmem>>
            %dma_start3A_808 = arith.constant 0 : i32
            %dma_start3A_809 = arith.constant 0 : i32
            %dma_start3A_810 = tpu.memref_slice %arg13[%dma_start3A_808, %dma_start3A_809] : memref<8464x128xf32, #tpu.memory_space<vmem_shared>> -> memref<8464x128xf32, #tpu.memory_space<vmem_shared>>
            tpu.enqueue_indirect_dma source(%arg11 : memref<128x128xf32, #tpu.memory_space<vmem>>) target(%dma_start3A_810 : memref<8464x128xf32, #tpu.memory_space<vmem_shared>>) offsets(%dma_start3A_807 : memref<128xi32, #tpu.memory_space<vmem>>) semaphore(%run_scoped3A : memref<!tpu.dma_semaphore, #tpu.memory_space<semaphore_mem>>) {add = true}
            %dma_wait3A_811 = arith.constant 0 : i32
            %dma_wait3A_812 = tpu.memref_slice %arg10[%add3A_780, %dma_wait3A_811] : memref<42x128xi32, #tpu.memory_space<vmem>> -> memref<1x128xi32, #tpu.memory_space<vmem>>
            %dma_wait3A_813 = tpu.memref_squeeze %dma_wait3A_812 : memref<1x128xi32, #tpu.memory_space<vmem>> -> memref<128xi32, #tpu.memory_space<vmem>>
            %dma_wait3A_814 = arith.constant 0 : i32
            %dma_wait3A_815 = arith.constant 0 : i32
            %dma_wait3A_816 = tpu.memref_slice %arg13[%dma_wait3A_814, %dma_wait3A_815] : memref<8464x128xf32, #tpu.memory_space<vmem_shared>> -> memref<8464x128xf32, #tpu.memory_space<vmem_shared>>
            tpu.wait_indirect_dma semaphore(%run_scoped3A : memref<!tpu.dma_semaphore, #tpu.memory_space<semaphore_mem>>) src(%arg11 : memref<128x128xf32, #tpu.memory_space<vmem>>) dst(%dma_wait3A_816 : memref<8464x128xf32, #tpu.memory_space<vmem_shared>>)
            tpu.yield
          }) : () -> ()
        } else {
        }
        %mul3A_784 = arith.constant 2 : i32
        %mul3A_785 = arith.muli %while3A_775, %mul3A_784 : i32
        %add3A_786 = arith.constant 1 : i32
        %add3A_787 = arith.addi %mul3A_785, %add3A_786 : i32
        %lt3A_788 = arith.cmpi slt, %add3A_787, %select_n3A_707 : i32
        %convert_element_type3A_789 = arith.extui %lt3A_788 : i1 to i32
        %cond3A_790 = arith.constant 0 : i32
        %cond3A_791 = arith.cmpi ne, %convert_element_type3A_789, %cond3A_790 : i32
        scf.if %cond3A_791 {
          %dma_wait3A_793 = arith.constant 0 : i32
          %dma_wait3A_794 = tpu.memref_slice %arg9[%add3A_787, %dma_wait3A_793] : memref<42x128xi32, #tpu.memory_space<vmem>> -> memref<1x128xi32, #tpu.memory_space<vmem>>
          %dma_wait3A_795 = tpu.memref_squeeze %dma_wait3A_794 : memref<1x128xi32, #tpu.memory_space<vmem>> -> memref<128xi32, #tpu.memory_space<vmem>>
          %dma_wait3A_796 = arith.constant 0 : i32
          %dma_wait3A_797 = arith.constant 0 : i32
          %dma_wait3A_798 = tpu.memref_slice %arg4[%dma_wait3A_796, %dma_wait3A_797] : memref<50000x128xf32, #tpu.memory_space<hbm>> -> memref<50000x128xf32, #tpu.memory_space<hbm>>
          tpu.wait_indirect_dma semaphore(%arg15 : memref<!tpu.dma_semaphore, #tpu.memory_space<semaphore_mem>>) src(%dma_wait3A_798 : memref<50000x128xf32, #tpu.memory_space<hbm>>) dst(%arg12 : memref<128x128xf32, #tpu.memory_space<vmem>>)
          %add3A_799 = arith.constant 1 : i32
          %add3A_800 = arith.addi %add3A_787, %add3A_799 : i32
          %lt3A_801 = arith.cmpi slt, %add3A_800, %select_n3A_707 : i32
          %convert_element_type3A_802 = arith.extui %lt3A_801 : i1 to i32
          %cond3A_803 = arith.constant 0 : i32
          %cond3A_804 = arith.cmpi ne, %convert_element_type3A_802, %cond3A_803 : i32
          scf.if %cond3A_804 {
            %add3A_805 = arith.constant 1 : i32
            %add3A_806 = arith.addi %add3A_787, %add3A_805 : i32
            %dma_start3A_807 = arith.constant 0 : i32
            %dma_start3A_808 = tpu.memref_slice %arg9[%add3A_806, %dma_start3A_807] : memref<42x128xi32, #tpu.memory_space<vmem>> -> memref<1x128xi32, #tpu.memory_space<vmem>>
            %dma_start3A_809 = tpu.memref_squeeze %dma_start3A_808 : memref<1x128xi32, #tpu.memory_space<vmem>> -> memref<128xi32, #tpu.memory_space<vmem>>
            %dma_start3A_810 = arith.constant 0 : i32
            %dma_start3A_811 = arith.constant 0 : i32
            %dma_start3A_812 = tpu.memref_slice %arg4[%dma_start3A_810, %dma_start3A_811] : memref<50000x128xf32, #tpu.memory_space<hbm>> -> memref<50000x128xf32, #tpu.memory_space<hbm>>
            tpu.enqueue_indirect_dma source(%dma_start3A_812 : memref<50000x128xf32, #tpu.memory_space<hbm>>) target(%arg11 : memref<128x128xf32, #tpu.memory_space<vmem>>) offsets(%dma_start3A_809 : memref<128xi32, #tpu.memory_space<vmem>>) semaphore(%arg14 : memref<!tpu.dma_semaphore, #tpu.memory_space<semaphore_mem>>)
          } else {
          }
          "tpu.region"() ({
            %run_scoped3A = tpu.sem_alloc : memref<!tpu.dma_semaphore, #tpu.memory_space<semaphore_mem>>
            %dma_start3A_805 = arith.constant 0 : i32
            %dma_start3A_806 = tpu.memref_slice %arg10[%add3A_787, %dma_start3A_805] : memref<42x128xi32, #tpu.memory_space<vmem>> -> memref<1x128xi32, #tpu.memory_space<vmem>>
            %dma_start3A_807 = tpu.memref_squeeze %dma_start3A_806 : memref<1x128xi32, #tpu.memory_space<vmem>> -> memref<128xi32, #tpu.memory_space<vmem>>
            %dma_start3A_808 = arith.constant 0 : i32
            %dma_start3A_809 = arith.constant 0 : i32
            %dma_start3A_810 = tpu.memref_slice %arg13[%dma_start3A_808, %dma_start3A_809] : memref<8464x128xf32, #tpu.memory_space<vmem_shared>> -> memref<8464x128xf32, #tpu.memory_space<vmem_shared>>
            tpu.enqueue_indirect_dma source(%arg12 : memref<128x128xf32, #tpu.memory_space<vmem>>) target(%dma_start3A_810 : memref<8464x128xf32, #tpu.memory_space<vmem_shared>>) offsets(%dma_start3A_807 : memref<128xi32, #tpu.memory_space<vmem>>) semaphore(%run_scoped3A : memref<!tpu.dma_semaphore, #tpu.memory_space<semaphore_mem>>) {add = true}
            %dma_wait3A_811 = arith.constant 0 : i32
            %dma_wait3A_812 = tpu.memref_slice %arg10[%add3A_787, %dma_wait3A_811] : memref<42x128xi32, #tpu.memory_space<vmem>> -> memref<1x128xi32, #tpu.memory_space<vmem>>
            %dma_wait3A_813 = tpu.memref_squeeze %dma_wait3A_812 : memref<1x128xi32, #tpu.memory_space<vmem>> -> memref<128xi32, #tpu.memory_space<vmem>>
            %dma_wait3A_814 = arith.constant 0 : i32
            %dma_wait3A_815 = arith.constant 0 : i32
            %dma_wait3A_816 = tpu.memref_slice %arg13[%dma_wait3A_814, %dma_wait3A_815] : memref<8464x128xf32, #tpu.memory_space<vmem_shared>> -> memref<8464x128xf32, #tpu.memory_space<vmem_shared>>
            tpu.wait_indirect_dma semaphore(%run_scoped3A : memref<!tpu.dma_semaphore, #tpu.memory_space<semaphore_mem>>) src(%arg12 : memref<128x128xf32, #tpu.memory_space<vmem>>) dst(%dma_wait3A_816 : memref<8464x128xf32, #tpu.memory_space<vmem_shared>>)
            tpu.yield
          }) : () -> ()
        } else {
        }
        %while3A_792 = arith.constant 0 : i32
        scf.yield %while3A_792 : i32
      }
      %while3A_749 = arith.constant 1 : i32
      %while3A_750 = scf.for %while3A_775 = %while3A_746 to %while3A_742 step %while3A_749 iter_args(%while3A_776 = %while3A_748) -> (i32)  : i32 {
        %mul3A_777 = arith.constant 2 : i32
        %mul3A_778 = arith.muli %while3A_775, %mul3A_777 : i32
        %add3A_779 = arith.constant 0 : i32
        %add3A_780 = arith.addi %mul3A_778, %add3A_779 : i32
        %lt3A = arith.cmpi slt, %add3A_780, %select_n3A_707 : i32
        %convert_element_type3A_781 = arith.extui %lt3A : i1 to i32
        %cond3A_782 = arith.constant 0 : i32
        %cond3A_783 = arith.cmpi ne, %convert_element_type3A_781, %cond3A_782 : i32
        scf.if %cond3A_783 {
          %dma_wait3A_793 = arith.constant 0 : i32
          %dma_wait3A_794 = tpu.memref_slice %arg9[%add3A_780, %dma_wait3A_793] : memref<42x128xi32, #tpu.memory_space<vmem>> -> memref<1x128xi32, #tpu.memory_space<vmem>>
          %dma_wait3A_795 = tpu.memref_squeeze %dma_wait3A_794 : memref<1x128xi32, #tpu.memory_space<vmem>> -> memref<128xi32, #tpu.memory_space<vmem>>
          %dma_wait3A_796 = arith.constant 0 : i32
          %dma_wait3A_797 = arith.constant 0 : i32
          %dma_wait3A_798 = tpu.memref_slice %arg4[%dma_wait3A_796, %dma_wait3A_797] : memref<50000x128xf32, #tpu.memory_space<hbm>> -> memref<50000x128xf32, #tpu.memory_space<hbm>>
          tpu.wait_indirect_dma semaphore(%arg14 : memref<!tpu.dma_semaphore, #tpu.memory_space<semaphore_mem>>) src(%dma_wait3A_798 : memref<50000x128xf32, #tpu.memory_space<hbm>>) dst(%arg11 : memref<128x128xf32, #tpu.memory_space<vmem>>)
          %add3A_799 = arith.constant 1 : i32
          %add3A_800 = arith.addi %add3A_780, %add3A_799 : i32
          %lt3A_801 = arith.cmpi slt, %add3A_800, %select_n3A_707 : i32
          %convert_element_type3A_802 = arith.extui %lt3A_801 : i1 to i32
          %cond3A_803 = arith.constant 0 : i32
          %cond3A_804 = arith.cmpi ne, %convert_element_type3A_802, %cond3A_803 : i32
          scf.if %cond3A_804 {
            %add3A_805 = arith.constant 1 : i32
            %add3A_806 = arith.addi %add3A_780, %add3A_805 : i32
            %dma_start3A_807 = arith.constant 0 : i32
            %dma_start3A_808 = tpu.memref_slice %arg9[%add3A_806, %dma_start3A_807] : memref<42x128xi32, #tpu.memory_space<vmem>> -> memref<1x128xi32, #tpu.memory_space<vmem>>
            %dma_start3A_809 = tpu.memref_squeeze %dma_start3A_808 : memref<1x128xi32, #tpu.memory_space<vmem>> -> memref<128xi32, #tpu.memory_space<vmem>>
            %dma_start3A_810 = arith.constant 0 : i32
            %dma_start3A_811 = arith.constant 0 : i32
            %dma_start3A_812 = tpu.memref_slice %arg4[%dma_start3A_810, %dma_start3A_811] : memref<50000x128xf32, #tpu.memory_space<hbm>> -> memref<50000x128xf32, #tpu.memory_space<hbm>>
            tpu.enqueue_indirect_dma source(%dma_start3A_812 : memref<50000x128xf32, #tpu.memory_space<hbm>>) target(%arg12 : memref<128x128xf32, #tpu.memory_space<vmem>>) offsets(%dma_start3A_809 : memref<128xi32, #tpu.memory_space<vmem>>) semaphore(%arg15 : memref<!tpu.dma_semaphore, #tpu.memory_space<semaphore_mem>>)
          } else {
          }
          "tpu.region"() ({
            %run_scoped3A = tpu.sem_alloc : memref<!tpu.dma_semaphore, #tpu.memory_space<semaphore_mem>>
            %dma_start3A_805 = arith.constant 0 : i32
            %dma_start3A_806 = tpu.memref_slice %arg10[%add3A_780, %dma_start3A_805] : memref<42x128xi32, #tpu.memory_space<vmem>> -> memref<1x128xi32, #tpu.memory_space<vmem>>
            %dma_start3A_807 = tpu.memref_squeeze %dma_start3A_806 : memref<1x128xi32, #tpu.memory_space<vmem>> -> memref<128xi32, #tpu.memory_space<vmem>>
            %dma_start3A_808 = arith.constant 0 : i32
            %dma_start3A_809 = arith.constant 0 : i32
            %dma_start3A_810 = tpu.memref_slice %arg13[%dma_start3A_808, %dma_start3A_809] : memref<8464x128xf32, #tpu.memory_space<vmem_shared>> -> memref<8464x128xf32, #tpu.memory_space<vmem_shared>>
            tpu.enqueue_indirect_dma source(%arg11 : memref<128x128xf32, #tpu.memory_space<vmem>>) target(%dma_start3A_810 : memref<8464x128xf32, #tpu.memory_space<vmem_shared>>) offsets(%dma_start3A_807 : memref<128xi32, #tpu.memory_space<vmem>>) semaphore(%run_scoped3A : memref<!tpu.dma_semaphore, #tpu.memory_space<semaphore_mem>>) {add = true}
            %dma_wait3A_811 = arith.constant 0 : i32
            %dma_wait3A_812 = tpu.memref_slice %arg10[%add3A_780, %dma_wait3A_811] : memref<42x128xi32, #tpu.memory_space<vmem>> -> memref<1x128xi32, #tpu.memory_space<vmem>>
            %dma_wait3A_813 = tpu.memref_squeeze %dma_wait3A_812 : memref<1x128xi32, #tpu.memory_space<vmem>> -> memref<128xi32, #tpu.memory_space<vmem>>
            %dma_wait3A_814 = arith.constant 0 : i32
            %dma_wait3A_815 = arith.constant 0 : i32
            %dma_wait3A_816 = tpu.memref_slice %arg13[%dma_wait3A_814, %dma_wait3A_815] : memref<8464x128xf32, #tpu.memory_space<vmem_shared>> -> memref<8464x128xf32, #tpu.memory_space<vmem_shared>>
            tpu.wait_indirect_dma semaphore(%run_scoped3A : memref<!tpu.dma_semaphore, #tpu.memory_space<semaphore_mem>>) src(%arg11 : memref<128x128xf32, #tpu.memory_space<vmem>>) dst(%dma_wait3A_816 : memref<8464x128xf32, #tpu.memory_space<vmem_shared>>)
            tpu.yield
          }) : () -> ()
        } else {
        }
        %mul3A_784 = arith.constant 2 : i32
        %mul3A_785 = arith.muli %while3A_775, %mul3A_784 : i32
        %add3A_786 = arith.constant 1 : i32
        %add3A_787 = arith.addi %mul3A_785, %add3A_786 : i32
        %lt3A_788 = arith.cmpi slt, %add3A_787, %select_n3A_707 : i32
        %convert_element_type3A_789 = arith.extui %lt3A_788 : i1 to i32
        %cond3A_790 = arith.constant 0 : i32
        %cond3A_791 = arith.cmpi ne, %convert_element_type3A_789, %cond3A_790 : i32
        scf.if %cond3A_791 {
          %dma_wait3A_793 = arith.constant 0 : i32
          %dma_wait3A_794 = tpu.memref_slice %arg9[%add3A_787, %dma_wait3A_793] : memref<42x128xi32, #tpu.memory_space<vmem>> -> memref<1x128xi32, #tpu.memory_space<vmem>>
          %dma_wait3A_795 = tpu.memref_squeeze %dma_wait3A_794 : memref<1x128xi32, #tpu.memory_space<vmem>> -> memref<128xi32, #tpu.memory_space<vmem>>
          %dma_wait3A_796 = arith.constant 0 : i32
          %dma_wait3A_797 = arith.constant 0 : i32
          %dma_wait3A_798 = tpu.memref_slice %arg4[%dma_wait3A_796, %dma_wait3A_797] : memref<50000x128xf32, #tpu.memory_space<hbm>> -> memref<50000x128xf32, #tpu.memory_space<hbm>>
          tpu.wait_indirect_dma semaphore(%arg15 : memref<!tpu.dma_semaphore, #tpu.memory_space<semaphore_mem>>) src(%dma_wait3A_798 : memref<50000x128xf32, #tpu.memory_space<hbm>>) dst(%arg12 : memref<128x128xf32, #tpu.memory_space<vmem>>)
          %add3A_799 = arith.constant 1 : i32
          %add3A_800 = arith.addi %add3A_787, %add3A_799 : i32
          %lt3A_801 = arith.cmpi slt, %add3A_800, %select_n3A_707 : i32
          %convert_element_type3A_802 = arith.extui %lt3A_801 : i1 to i32
          %cond3A_803 = arith.constant 0 : i32
          %cond3A_804 = arith.cmpi ne, %convert_element_type3A_802, %cond3A_803 : i32
          scf.if %cond3A_804 {
            %add3A_805 = arith.constant 1 : i32
            %add3A_806 = arith.addi %add3A_787, %add3A_805 : i32
            %dma_start3A_807 = arith.constant 0 : i32
            %dma_start3A_808 = tpu.memref_slice %arg9[%add3A_806, %dma_start3A_807] : memref<42x128xi32, #tpu.memory_space<vmem>> -> memref<1x128xi32, #tpu.memory_space<vmem>>
            %dma_start3A_809 = tpu.memref_squeeze %dma_start3A_808 : memref<1x128xi32, #tpu.memory_space<vmem>> -> memref<128xi32, #tpu.memory_space<vmem>>
            %dma_start3A_810 = arith.constant 0 : i32
            %dma_start3A_811 = arith.constant 0 : i32
            %dma_start3A_812 = tpu.memref_slice %arg4[%dma_start3A_810, %dma_start3A_811] : memref<50000x128xf32, #tpu.memory_space<hbm>> -> memref<50000x128xf32, #tpu.memory_space<hbm>>
            tpu.enqueue_indirect_dma source(%dma_start3A_812 : memref<50000x128xf32, #tpu.memory_space<hbm>>) target(%arg11 : memref<128x128xf32, #tpu.memory_space<vmem>>) offsets(%dma_start3A_809 : memref<128xi32, #tpu.memory_space<vmem>>) semaphore(%arg14 : memref<!tpu.dma_semaphore, #tpu.memory_space<semaphore_mem>>)
          } else {
          }
          "tpu.region"() ({
            %run_scoped3A = tpu.sem_alloc : memref<!tpu.dma_semaphore, #tpu.memory_space<semaphore_mem>>
            %dma_start3A_805 = arith.constant 0 : i32
            %dma_start3A_806 = tpu.memref_slice %arg10[%add3A_787, %dma_start3A_805] : memref<42x128xi32, #tpu.memory_space<vmem>> -> memref<1x128xi32, #tpu.memory_space<vmem>>
            %dma_start3A_807 = tpu.memref_squeeze %dma_start3A_806 : memref<1x128xi32, #tpu.memory_space<vmem>> -> memref<128xi32, #tpu.memory_space<vmem>>
            %dma_start3A_808 = arith.constant 0 : i32
            %dma_start3A_809 = arith.constant 0 : i32
            %dma_start3A_810 = tpu.memref_slice %arg13[%dma_start3A_808, %dma_start3A_809] : memref<8464x128xf32, #tpu.memory_space<vmem_shared>> -> memref<8464x128xf32, #tpu.memory_space<vmem_shared>>
            tpu.enqueue_indirect_dma source(%arg12 : memref<128x128xf32, #tpu.memory_space<vmem>>) target(%dma_start3A_810 : memref<8464x128xf32, #tpu.memory_space<vmem_shared>>) offsets(%dma_start3A_807 : memref<128xi32, #tpu.memory_space<vmem>>) semaphore(%run_scoped3A : memref<!tpu.dma_semaphore, #tpu.memory_space<semaphore_mem>>) {add = true}
            %dma_wait3A_811 = arith.constant 0 : i32
            %dma_wait3A_812 = tpu.memref_slice %arg10[%add3A_787, %dma_wait3A_811] : memref<42x128xi32, #tpu.memory_space<vmem>> -> memref<1x128xi32, #tpu.memory_space<vmem>>
            %dma_wait3A_813 = tpu.memref_squeeze %dma_wait3A_812 : memref<1x128xi32, #tpu.memory_space<vmem>> -> memref<128xi32, #tpu.memory_space<vmem>>
            %dma_wait3A_814 = arith.constant 0 : i32
            %dma_wait3A_815 = arith.constant 0 : i32
            %dma_wait3A_816 = tpu.memref_slice %arg13[%dma_wait3A_814, %dma_wait3A_815] : memref<8464x128xf32, #tpu.memory_space<vmem_shared>> -> memref<8464x128xf32, #tpu.memory_space<vmem_shared>>
            tpu.wait_indirect_dma semaphore(%run_scoped3A : memref<!tpu.dma_semaphore, #tpu.memory_space<semaphore_mem>>) src(%arg12 : memref<128x128xf32, #tpu.memory_space<vmem>>) dst(%dma_wait3A_816 : memref<8464x128xf32, #tpu.memory_space<vmem_shared>>)
            tpu.yield
          }) : () -> ()
        } else {
        }
        %while3A_792 = arith.constant 0 : i32
        scf.yield %while3A_792 : i32
      }
      %barrier3A_751 = arith.constant 0 : index
      tpu.barrier barrier_id(%barrier3A_751)
      %add3A_752 = arith.constant 16896 : i32
      %add3A_753 = arith.addi %mul3A_0, %add3A_752 : i32
      %add3A_754 = arith.addi %add3A_753, %mul3A_4 : i32
      %dma_start3A_755 = arith.constant 0 : i32
      %dma_start3A_756 = tpu.memref_slice %arg6[%scan3A_17, %add3A_754, %dma_start3A_755] : memref<7x50688x128xf32, #tpu.memory_space<hbm>> -> memref<1x528x128xf32, #tpu.memory_space<hbm>>
      %dma_start3A_757 = tpu.memref_squeeze %dma_start3A_756 : memref<1x528x128xf32, #tpu.memory_space<hbm>> -> memref<528x128xf32, #tpu.memory_space<hbm>>
      %dma_start3A_758 = arith.constant 0 : i32
      %dma_start3A_759 = tpu.memref_slice %arg13[%mul3A_4, %dma_start3A_758] : memref<8464x128xf32, #tpu.memory_space<vmem_shared>> -> memref<528x128xf32, #tpu.memory_space<vmem_shared>>
      tpu.enqueue_dma source(%dma_start3A_759 : memref<528x128xf32, #tpu.memory_space<vmem_shared>>) target(%dma_start3A_757 : memref<528x128xf32, #tpu.memory_space<hbm>>) target_semaphore(%arg18 : memref<!tpu.dma_semaphore, #tpu.memory_space<semaphore_mem>>)
      %dma_wait3A_760 = arith.constant 0 : i32
      %dma_wait3A_761 = tpu.memref_slice %arg6[%scan3A_17, %add3A_754, %dma_wait3A_760] : memref<7x50688x128xf32, #tpu.memory_space<hbm>> -> memref<1x528x128xf32, #tpu.memory_space<hbm>>
      %dma_wait3A_762 = tpu.memref_squeeze %dma_wait3A_761 : memref<1x528x128xf32, #tpu.memory_space<hbm>> -> memref<528x128xf32, #tpu.memory_space<hbm>>
      %dma_wait3A_763 = arith.constant 0 : i32
      %dma_wait3A_764 = tpu.memref_slice %arg13[%mul3A_4, %dma_wait3A_763] : memref<8464x128xf32, #tpu.memory_space<vmem_shared>> -> memref<528x128xf32, #tpu.memory_space<vmem_shared>>
      tpu.wait_dma2 semaphore(%arg18 : memref<!tpu.dma_semaphore, #tpu.memory_space<semaphore_mem>>) src(%dma_wait3A_764 : memref<528x128xf32, #tpu.memory_space<vmem_shared>>) dst(%dma_wait3A_762 : memref<528x128xf32, #tpu.memory_space<hbm>>)
      %dma_start3A_765 = arith.constant 0 : i32
      %dma_start3A_766 = tpu.memref_slice %arg13[%mul3A_4, %dma_start3A_765] : memref<8464x128xf32, #tpu.memory_space<vmem_shared>> -> memref<528x128xf32, #tpu.memory_space<vmem_shared>>
      %dma_start3A_767 = arith.constant 0 : i32
      %dma_start3A_768 = tpu.memref_slice %arg5[%mul3A_4, %dma_start3A_767] : memref<8448x128xf32, #tpu.memory_space<hbm>> -> memref<528x128xf32, #tpu.memory_space<hbm>>
      tpu.enqueue_dma source(%dma_start3A_768 : memref<528x128xf32, #tpu.memory_space<hbm>>) target(%dma_start3A_766 : memref<528x128xf32, #tpu.memory_space<vmem_shared>>) target_semaphore(%arg19 : memref<!tpu.dma_semaphore, #tpu.memory_space<semaphore_mem>>)
      %dma_wait3A_769 = arith.constant 0 : i32
      %dma_wait3A_770 = tpu.memref_slice %arg13[%mul3A_4, %dma_wait3A_769] : memref<8464x128xf32, #tpu.memory_space<vmem_shared>> -> memref<528x128xf32, #tpu.memory_space<vmem_shared>>
      %dma_wait3A_771 = arith.constant 0 : i32
      %dma_wait3A_772 = tpu.memref_slice %arg5[%mul3A_4, %dma_wait3A_771] : memref<8448x128xf32, #tpu.memory_space<hbm>> -> memref<528x128xf32, #tpu.memory_space<hbm>>
      tpu.wait_dma2 semaphore(%arg19 : memref<!tpu.dma_semaphore, #tpu.memory_space<semaphore_mem>>) src(%dma_wait3A_772 : memref<528x128xf32, #tpu.memory_space<hbm>>) dst(%dma_wait3A_770 : memref<528x128xf32, #tpu.memory_space<vmem_shared>>)
      %barrier3A_773 = arith.constant 0 : index
      tpu.barrier barrier_id(%barrier3A_773)
      %scan3A_774 = arith.constant 0 : i32
      scf.yield %scan3A_774 : i32
    }
    %scan3A_16 = arith.constant 7 : i32
    return
  }
}

module attributes {stable_mosaic.version = 14 : i64} {
  func.func @_combine_body(%arg0: i32, %arg1: memref<2000x128xf32, #tpu.memory_space<vmem>>, %arg2: memref<7x2000x128xf32, #tpu.memory_space<vmem>>, %arg3: memref<7x128x128xf32, #tpu.memory_space<vmem>>, %arg4: memref<7x128x128xf32, #tpu.memory_space<vmem>>, %arg5: memref<7x128xf32, #tpu.memory_space<vmem>>, %arg6: memref<2000x128xf32, #tpu.memory_space<vmem>>) attributes {dimension_semantics = [#tpu.dimension_semantics<arbitrary>], iteration_bounds = array<i64: 25>, scalar_prefetch = 0 : i64, scratch_operands = 0 : i64, tpu.core_type = #tpu.core_type<tc>, window_params = [{transform_indices = @transform_0, window_bounds = array<i64: 2000, 128>}, {transform_indices = @transform_1, window_bounds = array<i64: 7, 2000, 128>}, {pipeline_mode = #tpu.pipeline_mode<synchronous>, transform_indices = @transform_2, window_bounds = array<i64: 7, 128, 128>}, {pipeline_mode = #tpu.pipeline_mode<synchronous>, transform_indices = @transform_3, window_bounds = array<i64: 7, 128, 128>}, {pipeline_mode = #tpu.pipeline_mode<synchronous>, transform_indices = @transform_4, window_bounds = array<i64: 7, 128>}, {transform_indices = @transform_5, window_bounds = array<i64: 2000, 128>}]} {
    %get3A = arith.constant 0 : index
    %get3A_0 = arith.constant 0 : index
    %get3A_1 = vector.load %arg1[%get3A, %get3A_0] : memref<2000x128xf32, #tpu.memory_space<vmem>>, vector<2000x128xf32>
    %get3A_2 = arith.constant 0 : index
    %get3A_3 = arith.constant 0 : index
    %get3A_4 = arith.constant 0 : index
    %get3A_5 = vector.load %arg3[%get3A_2, %get3A_3, %get3A_4] : memref<7x128x128xf32, #tpu.memory_space<vmem>>, vector<7x128x128xf32>
    %reduce_sum3A = arith.constant dense<0.000000e+00> : vector<128x128xf32>
    %reduce_sum3A_6 = vector.multi_reduction <add>, %get3A_5, %reduce_sum3A [0] : vector<7x128x128xf32> to vector<128x128xf32>
    %dot_general3A = arith.constant dense<0.000000e+00> : vector<2000x128xf32>
    %dot_general3A_7 = tpu.matmul %get3A_1, %reduce_sum3A_6, %dot_general3A {dimension_numbers = #tpu.dot_dimension_numbers<[1], [0], [0], [1], [0, 0, 1, 1], [], []>, transpose_lhs_hint = false} : vector<2000x128xf32>, vector<128x128xf32>, vector<2000x128xf32> -> vector<2000x128xf32>
    %get3A_8 = arith.constant 0 : index
    %get3A_9 = arith.constant 0 : index
    %get3A_10 = arith.constant 0 : index
    %get3A_11 = vector.load %arg2[%get3A_8, %get3A_9, %get3A_10] : memref<7x2000x128xf32, #tpu.memory_space<vmem>>, vector<7x2000x128xf32>
    %slice3A = vector.extract_strided_slice %get3A_11 {offsets = [0, 0, 0], sizes = [1, 2000, 128], strides = [1, 1, 1]} : vector<7x2000x128xf32> to vector<1x2000x128xf32>
    %squeeze3A = vector.shape_cast %slice3A : vector<1x2000x128xf32> to vector<2000x128xf32>
    %get3A_12 = arith.constant 0 : index
    %get3A_13 = arith.constant 0 : index
    %get3A_14 = arith.constant 0 : index
    %get3A_15 = vector.load %arg4[%get3A_12, %get3A_13, %get3A_14] : memref<7x128x128xf32, #tpu.memory_space<vmem>>, vector<1x128x128xf32>
    %get3A_16 = vector.shape_cast %get3A_15 : vector<1x128x128xf32> to vector<128x128xf32>
    %dot_general3A_17 = arith.constant dense<0.000000e+00> : vector<2000x128xf32>
    %dot_general3A_18 = tpu.matmul %squeeze3A, %get3A_16, %dot_general3A_17 {dimension_numbers = #tpu.dot_dimension_numbers<[1], [0], [0], [1], [0, 0, 1, 1], [], []>, transpose_lhs_hint = false} : vector<2000x128xf32>, vector<128x128xf32>, vector<2000x128xf32> -> vector<2000x128xf32>
    %add3A = arith.addf %dot_general3A_7, %dot_general3A_18 : vector<2000x128xf32>
    %slice3A_19 = vector.extract_strided_slice %get3A_11 {offsets = [1, 0, 0], sizes = [1, 2000, 128], strides = [1, 1, 1]} : vector<7x2000x128xf32> to vector<1x2000x128xf32>
    %squeeze3A_20 = vector.shape_cast %slice3A_19 : vector<1x2000x128xf32> to vector<2000x128xf32>
    %get3A_21 = arith.constant 1 : index
    %get3A_22 = arith.constant 0 : index
    %get3A_23 = arith.constant 0 : index
    %get3A_24 = vector.load %arg4[%get3A_21, %get3A_22, %get3A_23] : memref<7x128x128xf32, #tpu.memory_space<vmem>>, vector<1x128x128xf32>
    %get3A_25 = vector.shape_cast %get3A_24 : vector<1x128x128xf32> to vector<128x128xf32>
    %dot_general3A_26 = arith.constant dense<0.000000e+00> : vector<2000x128xf32>
    %dot_general3A_27 = tpu.matmul %squeeze3A_20, %get3A_25, %dot_general3A_26 {dimension_numbers = #tpu.dot_dimension_numbers<[1], [0], [0], [1], [0, 0, 1, 1], [], []>, transpose_lhs_hint = false} : vector<2000x128xf32>, vector<128x128xf32>, vector<2000x128xf32> -> vector<2000x128xf32>
    %add3A_28 = arith.addf %add3A, %dot_general3A_27 : vector<2000x128xf32>
    %slice3A_29 = vector.extract_strided_slice %get3A_11 {offsets = [2, 0, 0], sizes = [1, 2000, 128], strides = [1, 1, 1]} : vector<7x2000x128xf32> to vector<1x2000x128xf32>
    %squeeze3A_30 = vector.shape_cast %slice3A_29 : vector<1x2000x128xf32> to vector<2000x128xf32>
    %get3A_31 = arith.constant 2 : index
    %get3A_32 = arith.constant 0 : index
    %get3A_33 = arith.constant 0 : index
    %get3A_34 = vector.load %arg4[%get3A_31, %get3A_32, %get3A_33] : memref<7x128x128xf32, #tpu.memory_space<vmem>>, vector<1x128x128xf32>
    %get3A_35 = vector.shape_cast %get3A_34 : vector<1x128x128xf32> to vector<128x128xf32>
    %dot_general3A_36 = arith.constant dense<0.000000e+00> : vector<2000x128xf32>
    %dot_general3A_37 = tpu.matmul %squeeze3A_30, %get3A_35, %dot_general3A_36 {dimension_numbers = #tpu.dot_dimension_numbers<[1], [0], [0], [1], [0, 0, 1, 1], [], []>, transpose_lhs_hint = false} : vector<2000x128xf32>, vector<128x128xf32>, vector<2000x128xf32> -> vector<2000x128xf32>
    %add3A_38 = arith.addf %add3A_28, %dot_general3A_37 : vector<2000x128xf32>
    %slice3A_39 = vector.extract_strided_slice %get3A_11 {offsets = [3, 0, 0], sizes = [1, 2000, 128], strides = [1, 1, 1]} : vector<7x2000x128xf32> to vector<1x2000x128xf32>
    %squeeze3A_40 = vector.shape_cast %slice3A_39 : vector<1x2000x128xf32> to vector<2000x128xf32>
    %get3A_41 = arith.constant 3 : index
    %get3A_42 = arith.constant 0 : index
    %get3A_43 = arith.constant 0 : index
    %get3A_44 = vector.load %arg4[%get3A_41, %get3A_42, %get3A_43] : memref<7x128x128xf32, #tpu.memory_space<vmem>>, vector<1x128x128xf32>
    %get3A_45 = vector.shape_cast %get3A_44 : vector<1x128x128xf32> to vector<128x128xf32>
    %dot_general3A_46 = arith.constant dense<0.000000e+00> : vector<2000x128xf32>
    %dot_general3A_47 = tpu.matmul %squeeze3A_40, %get3A_45, %dot_general3A_46 {dimension_numbers = #tpu.dot_dimension_numbers<[1], [0], [0], [1], [0, 0, 1, 1], [], []>, transpose_lhs_hint = false} : vector<2000x128xf32>, vector<128x128xf32>, vector<2000x128xf32> -> vector<2000x128xf32>
    %add3A_48 = arith.addf %add3A_38, %dot_general3A_47 : vector<2000x128xf32>
    %slice3A_49 = vector.extract_strided_slice %get3A_11 {offsets = [4, 0, 0], sizes = [1, 2000, 128], strides = [1, 1, 1]} : vector<7x2000x128xf32> to vector<1x2000x128xf32>
    %squeeze3A_50 = vector.shape_cast %slice3A_49 : vector<1x2000x128xf32> to vector<2000x128xf32>
    %get3A_51 = arith.constant 4 : index
    %get3A_52 = arith.constant 0 : index
    %get3A_53 = arith.constant 0 : index
    %get3A_54 = vector.load %arg4[%get3A_51, %get3A_52, %get3A_53] : memref<7x128x128xf32, #tpu.memory_space<vmem>>, vector<1x128x128xf32>
    %get3A_55 = vector.shape_cast %get3A_54 : vector<1x128x128xf32> to vector<128x128xf32>
    %dot_general3A_56 = arith.constant dense<0.000000e+00> : vector<2000x128xf32>
    %dot_general3A_57 = tpu.matmul %squeeze3A_50, %get3A_55, %dot_general3A_56 {dimension_numbers = #tpu.dot_dimension_numbers<[1], [0], [0], [1], [0, 0, 1, 1], [], []>, transpose_lhs_hint = false} : vector<2000x128xf32>, vector<128x128xf32>, vector<2000x128xf32> -> vector<2000x128xf32>
    %add3A_58 = arith.addf %add3A_48, %dot_general3A_57 : vector<2000x128xf32>
    %slice3A_59 = vector.extract_strided_slice %get3A_11 {offsets = [5, 0, 0], sizes = [1, 2000, 128], strides = [1, 1, 1]} : vector<7x2000x128xf32> to vector<1x2000x128xf32>
    %squeeze3A_60 = vector.shape_cast %slice3A_59 : vector<1x2000x128xf32> to vector<2000x128xf32>
    %get3A_61 = arith.constant 5 : index
    %get3A_62 = arith.constant 0 : index
    %get3A_63 = arith.constant 0 : index
    %get3A_64 = vector.load %arg4[%get3A_61, %get3A_62, %get3A_63] : memref<7x128x128xf32, #tpu.memory_space<vmem>>, vector<1x128x128xf32>
    %get3A_65 = vector.shape_cast %get3A_64 : vector<1x128x128xf32> to vector<128x128xf32>
    %dot_general3A_66 = arith.constant dense<0.000000e+00> : vector<2000x128xf32>
    %dot_general3A_67 = tpu.matmul %squeeze3A_60, %get3A_65, %dot_general3A_66 {dimension_numbers = #tpu.dot_dimension_numbers<[1], [0], [0], [1], [0, 0, 1, 1], [], []>, transpose_lhs_hint = false} : vector<2000x128xf32>, vector<128x128xf32>, vector<2000x128xf32> -> vector<2000x128xf32>
    %add3A_68 = arith.addf %add3A_58, %dot_general3A_67 : vector<2000x128xf32>
    %slice3A_69 = vector.extract_strided_slice %get3A_11 {offsets = [6, 0, 0], sizes = [1, 2000, 128], strides = [1, 1, 1]} : vector<7x2000x128xf32> to vector<1x2000x128xf32>
    %squeeze3A_70 = vector.shape_cast %slice3A_69 : vector<1x2000x128xf32> to vector<2000x128xf32>
    %get3A_71 = arith.constant 6 : index
    %get3A_72 = arith.constant 0 : index
    %get3A_73 = arith.constant 0 : index
    %get3A_74 = vector.load %arg4[%get3A_71, %get3A_72, %get3A_73] : memref<7x128x128xf32, #tpu.memory_space<vmem>>, vector<1x128x128xf32>
    %get3A_75 = vector.shape_cast %get3A_74 : vector<1x128x128xf32> to vector<128x128xf32>
    %dot_general3A_76 = arith.constant dense<0.000000e+00> : vector<2000x128xf32>
    %dot_general3A_77 = tpu.matmul %squeeze3A_70, %get3A_75, %dot_general3A_76 {dimension_numbers = #tpu.dot_dimension_numbers<[1], [0], [0], [1], [0, 0, 1, 1], [], []>, transpose_lhs_hint = false} : vector<2000x128xf32>, vector<128x128xf32>, vector<2000x128xf32> -> vector<2000x128xf32>
    %add3A_78 = arith.addf %add3A_68, %dot_general3A_77 : vector<2000x128xf32>
    %get3A_79 = arith.constant 0 : index
    %get3A_80 = arith.constant 0 : index
    %get3A_81 = vector.load %arg5[%get3A_79, %get3A_80] : memref<7x128xf32, #tpu.memory_space<vmem>>, vector<7x128xf32>
    %reduce_sum3A_82 = arith.constant dense<0.000000e+00> : vector<128xf32>
    %reduce_sum3A_83 = vector.multi_reduction <add>, %get3A_81, %reduce_sum3A_82 [0] : vector<7x128xf32> to vector<128xf32>
    %broadcast_in_dim3A = vector.shape_cast %reduce_sum3A_83 : vector<128xf32> to vector<1x128xf32>
    %add3A_84 = vector.broadcast %broadcast_in_dim3A : vector<1x128xf32> to vector<2000x128xf32>
    %add3A_85 = arith.addf %add3A_78, %add3A_84 : vector<2000x128xf32>
    %mul3A = arith.constant 0.142857149 : f32
    %mul3A_86 = vector.broadcast %mul3A : f32 to vector<2000x128xf32>
    %mul3A_87 = arith.mulf %add3A_85, %mul3A_86 : vector<2000x128xf32>
    %swap3A = arith.constant 0 : index
    %swap3A_88 = arith.constant 0 : index
    %swap3A_89 = vector.load %arg6[%swap3A, %swap3A_88] : memref<2000x128xf32, #tpu.memory_space<vmem>>, vector<2000x128xf32>
    tpu.vector_store %arg6[%swap3A, %swap3A_88], %mul3A_87 {strides = array<i32>} : memref<2000x128xf32, #tpu.memory_space<vmem>>, vector<2000x128xf32>,
    return
  }
  func.func @transform_0(%arg0: i32) -> (i32, i32) {
    %c0_i32 = arith.constant 0 : i32
    %c0_i32_0 = arith.constant 0 : i32
    return %arg0, %c0_i32 : i32, i32
  }
  func.func @transform_1(%arg0: i32) -> (i32, i32, i32) {
    %c0_i32 = arith.constant 0 : i32
    %c0_i32_0 = arith.constant 0 : i32
    %c0_i32_1 = arith.constant 0 : i32
    return %c0_i32, %arg0, %c0_i32_0 : i32, i32, i32
  }
  func.func @transform_2(%arg0: i32) -> (i32, i32, i32) {
    %c0_i32 = arith.constant 0 : i32
    %c0_i32_0 = arith.constant 0 : i32
    %c0_i32_1 = arith.constant 0 : i32
    %c0_i32_2 = arith.constant 0 : i32
    return %c0_i32, %c0_i32_0, %c0_i32_1 : i32, i32, i32
  }
  func.func @transform_3(%arg0: i32) -> (i32, i32, i32) {
    %c0_i32 = arith.constant 0 : i32
    %c0_i32_0 = arith.constant 0 : i32
    %c0_i32_1 = arith.constant 0 : i32
    %c0_i32_2 = arith.constant 0 : i32
    return %c0_i32, %c0_i32_0, %c0_i32_1 : i32, i32, i32
  }
  func.func @transform_4(%arg0: i32) -> (i32, i32) {
    %c0_i32 = arith.constant 0 : i32
    %c0_i32_0 = arith.constant 0 : i32
    %c0_i32_1 = arith.constant 0 : i32
    return %c0_i32, %c0_i32_0 : i32, i32
  }
  func.func @transform_5(%arg0: i32) -> (i32, i32) {
    %c0_i32 = arith.constant 0 : i32
    %c0_i32_0 = arith.constant 0 : i32
    return %arg0, %c0_i32 : i32, i32
  }
}

</mosaic_0001>

<sc_bundles>
// kernel: kernel.4.cloned.1.call-start
scs
__scs_entry_jumppad:
0x0: {  	(pc) =	sbr.rel $0x88, $3  }
0x1: {  	(tag) =	ssettag $0x0;
	lr =	simm.s32 $0x1  }
0x2: {  	[smem:$0x3F84] =	sst lr;
	_ =	strace $0xD0000000  }
0x3: {  	_ = 	snop  }
0x4: {  	_ = 	snop  }
0x5: {  	_ = 	snop  }
0x6: {  	_ = 	snop  }
0x7: {  	_ = 	snop  }
__scs_overlays_trampoline_lowered:
0x8: {  	[smem:$0x3F93] =	sst s0  }
0x9: {  	[smem:$0x3F94] =	sst s1  }
0xa: {  	[smem:$0x3F95] =	sst s2  }
0xb: {  	[smem:$0x3F96] =	sst s3  }
0xc: {  	[smem:$0x3F97] =	sst s4  }
0xd: {  	[smem:$0x3F98] =	sst s5  }
0xe: {  	[smem:$0x3F99] =	sst s6  }
0xf: {  	[smem:$0x3F9A] =	sst s7  }
0x10: {  	[smem:$0x3F9B] =	sst s8  }
0x11: {  	[smem:$0x3F9C] =	sst s9;
	s0 =	simm.s32 @!p0 $0x0  }
0x12: {  	s1 =	sld [smem:$0x3F82];
	s0 =	simm.s32 @p0 $0x1  }
0x13: {  	[smem:$0x3F9D] =	sst s0;
	s0 =	simm.s32 @!p1 $0x0  }
0x14: {  	s2 =	sld [smem:$0x3F81];
	s0 =	simm.s32 @p1 $0x1  }
0x15: {  	[smem:$0x3F9E] =	sst s0;
	s0 =	simm.s32 @!p2 $0x0  }
0x16: {  	s3 =	sld [smem:$0x3FDB];
	s0 =	simm.s32 @p2 $0x1  }
0x17: {  	s4 =	simm.s32 $0x1BF5;
	[smem:$0x3FA0] =	sst s0  }
0x18: {  	s0 =	sld [smem:$0x3F83];
	_ =	swait.ge [sflag:s4], $0x0  }
0x19: {  	s7 =	sld [smem:$0x3F84]  }
0x1a: {  	s8 =	sadd.s32 $0xFFFFE003, lr  }
0x1b: {  	s9 =	sadd.s32 $0xFFFFFEF7, lr;
	s5 =	simm.s32 $0xFFFFFFFF;
	p2 =	slt.u32 s8, $0xFFFFF086  }
0x1c: {  	p1 =	slt.u32 s9, $0xF7A;
	s5 =	simm.s32 @!p2 $0x0  }
0x1d: {  	s5 =	simm.s32 @p1 $0x1;
	p0 =	seq.s32 s7, s2  }
0x1e: {  	s7 =	smul.u32 @!p0 $0xF7A, s2;
	p2 =	seq.s32 @!p0 s5, $0x0  }
0x1f: {  	s9 =	smul.u32 $0xF7A, s1;
	s8 =	simm.s32 @!p0 $0x1BF5;
	p2 =	por !p2, p0  }
0x20: {  	[sflag:s8] =	ssyncset.s32 @!p0 $0xFFFFF086;
	s6 =	sadd.s32 @!p0 s3, s7;
	s7 =	simm.s32 @!p0 $0x108  }
0x21: {  	s3 =	sadd.s32 s3, s9;
	s6 =	sadd.s32 @!p0 $0x88, s6;
	s7 =	simm.s32 @p2 $0x1082  }
0x22: {  	[simem:s7], [sflag:s8] =	dma.local @!p0 [hbm:s6], $0xF7A  }
0x23: {  	s9 =	sor.u32 $0xD0000000, s2;
	s6 =	simm.s32 $0x108;
	_ =	swait.ge @!p0 [sflag:s8], $0x0  }
0x24: {  	s3 =	sadd.s32 $0x88, s3;
	s6 =	simm.s32 @!p1 $0x1082;
	[sflag:s4] =	ssyncset.s32 $0xFFFFF086  }
0x25: {  	[simem:s6], [sflag:s4] =	dma.local [hbm:s3], $0xF7A  }
0x26: {  	[smem:$0x3F84] =	sst s1;
	(tag) =	ssettag s2;
	_ =	strace s9  }
0x27: {  	s1 =	sld [smem:$0x3F94]  }
0x28: {  	s2 =	sld [smem:$0x3F95]  }
0x29: {  	s4 =	sld [smem:$0x3F97]  }
0x2a: {  	p0 =	seq.s32 s5, $0x0;
	s5 =	sld [smem:$0x3F98]  }
0x2b: {  	s6 =	sld [smem:$0x3F99]  }
0x2c: {  	s7 =	sld [smem:$0x3F9A]  }
0x2d: {  	s3 =	simm.s32 $0x108;
	s8 =	sld [smem:$0x3F9B]  }
0x2e: {  	s3 =	simm.s32 @!p0 $0x1082;
	s9 =	sld [smem:$0x3F9C]  }
0x2f: {  	lr =	sadd.s32 s0, s3;
	s0 =	sld [smem:$0x3F93]  }
0x30: {  	s3 =	sld [smem:$0x3F96]  }
0x31: {  	[smem:$0x3F9F] =	sst s10  }
0x32: {  	s10 =	sld [smem:$0x3F9D];
	_ =	sdelay $0x3  }
0x33: {  	p0 =	seq.s32 s10, $0x1;
	s10 =	sld [smem:$0x3F9F];
	_ =	sdelay $0x3  }
0x34: {  	[smem:$0x3F9F] =	sst s10  }
0x35: {  	s10 =	sld [smem:$0x3F9E];
	_ =	sdelay $0x3  }
0x36: {  	p1 =	seq.s32 s10, $0x1;
	s10 =	sld [smem:$0x3F9F];
	_ =	sdelay $0x3  }
0x37: {  	[smem:$0x3F9F] =	sst s10  }
0x38: {  	s10 =	sld [smem:$0x3FA0]  }
0x39: {  	_ = 	snop;
	(pc) =	sbr.ind lr, $3  }
0x3a: {  	_ = 	snop  }
0x3b: {  	_ = 	snop  }
0x3c: {  	p2 =	seq.s32 s10, $0x1;
	s10 =	sld [smem:$0x3F9F]  }
0x3d: {  	_ =	shalt  }
0x3e: {  	_ =	shalt  }
0x3f: {  	_ =	shalt  }
0x40: {  	_ =	shalt  }
0x41: {  	_ =	shalt  }
0x42: {  	_ =	shalt  }
0x43: {  	_ =	shalt  }
0x44: {  	_ =	shalt  }
0x45: {  	_ =	shalt  }
0x46: {  	_ =	shalt  }
0x47: {  	_ =	shalt  }
0x48: {  	_ =	shalt  }
0x49: {  	_ =	shalt  }
0x4a: {  	_ =	shalt  }
0x4b: {  	_ =	shalt  }
0x4c: {  	_ =	shalt  }
0x4d: {  	_ =	shalt  }
0x4e: {  	_ =	shalt  }
0x4f: {  	_ =	shalt  }
0x50: {  	_ =	shalt  }
0x51: {  	_ =	shalt  }
0x52: {  	_ =	shalt  }
0x53: {  	_ =	shalt  }
0x54: {  	_ =	shalt  }
0x55: {  	_ =	shalt  }
0x56: {  	_ =	shalt  }
0x57: {  	_ =	shalt  }
0x58: {  	_ =	shalt  }
0x59: {  	_ =	shalt  }
0x5a: {  	_ =	shalt  }
0x5b: {  	_ =	shalt  }
0x5c: {  	_ =	shalt  }
0x5d: {  	_ =	shalt  }
0x5e: {  	_ =	shalt  }
0x5f: {  	_ =	shalt  }
0x60: {  	_ =	shalt  }
0x61: {  	_ =	shalt  }
0x62: {  	_ =	shalt  }
0x63: {  	_ =	shalt  }
0x64: {  	_ =	shalt  }
0x65: {  	_ =	shalt  }
0x66: {  	_ =	shalt  }
0x67: {  	_ =	shalt  }
0x68: {  	_ =	shalt  }
0x69: {  	_ =	shalt  }
0x6a: {  	_ =	shalt  }
0x6b: {  	_ =	shalt  }
0x6c: {  	_ =	shalt  }
0x6d: {  	_ =	shalt  }
0x6e: {  	_ =	shalt  }
0x6f: {  	_ =	shalt  }
0x70: {  	_ =	shalt  }
0x71: {  	_ =	shalt  }
0x72: {  	_ =	shalt  }
0x73: {  	_ =	shalt  }
0x74: {  	_ =	shalt  }
0x75: {  	_ =	shalt  }
0x76: {  	_ =	shalt  }
0x77: {  	_ =	shalt  }
0x78: {  	_ =	shalt  }
0x79: {  	_ =	shalt  }
0x7a: {  	_ =	shalt  }
0x7b: {  	_ =	shalt  }
0x7c: {  	_ =	shalt  }
0x7d: {  	_ =	shalt  }
0x7e: {  	_ =	shalt  }
0x7f: {  	_ =	shalt  }
0x80: {  	_ =	shalt  }
0x81: {  	_ =	shalt  }
0x82: {  	_ =	shalt  }
0x83: {  	_ =	shalt  }
0x84: {  	_ =	shalt  }
0x85: {  	_ =	shalt  }
0x86: {  	_ =	shalt  }
0x87: {  	_ =	shalt  }
.Lfunc_end0:
.L_simem_size_0:
called_computation_lowered:
.L_overlay_start_0:
0x88: {  	s2 =	sld [smem:$0x3FD9]  }
0x89: {  	s3 =	sld [smem:$0x3FFE];
	_ =	sdelay $0x1  }
0x8a: {  	s1 =	srdreg.scid  }
0x8b: {  	s0 =	sand.u32 $0x1, s1  }
0x8c: {  	s17 =	sshll.u32 s0, $0xA;
	s2 =	sadd.s32 s3, s2  }
0x8d: {  	s2 =	sadd.s32 s2, s17  }
0x8e: {  	[smem:$0x3FAB] =	sst s2  }
0x8f: {  	_ = 	snop  }
0x90: {  	s2 =	sld [smem:$0x3FC9]  }
0x91: {  	s18 =	sld [smem:$0x3FD0];
	(tm) =	ssettm $0x1  }
0x92: {  	s4 =	sld [smem:$0x3FFB];
	_ =	sdelay $0x3  }
0x93: {  	_ =	strace s4  }
0x94: {  	s4 =	sld [smem:$0x3FFC];
	_ =	sdelay $0x3  }
0x95: {  	_ =	strace s4  }
0x96: {  	s4 =	sld [smem:$0x3FFD];
	_ =	sdelay $0x3  }
0x97: {  	_ =	strace s4  }
0x98: {  	_ =	strace $0x8FFFFFFF  }
0x99: {  	s19 =	sld [smem:$0x3FDB];
	_ =	sdelay $0x1  }
0x9a: {  	s5 =	simm.s32 $_scs_section_size  }
0x9b: {  	s6 =	simm.s32 $_size__tile_overlayer_lowered;
	s7 =	simm.s32 $_tile_overlayer_lowered  }
0x9c: {  	s22 =	simm.s32 $0x1BFF;
	s21 =	sshll.u32 s7, $0x1;
	s4 =	sadd.s32 s5, s19  }
0x9d: {  	s8 =	simm.s32 $0x0;
	s20 =	sshll.u32 s6, $0x1;
	s6 =	sadd.s32 s21, s4  }
0x9e: {  	[timem:s8], [sflag:s22] =	dma.local [hbm:s6], s20  }
0x9f: {  	_ =	swait.ge [sflag:s22], s20  }
0xa0: {  	s5 =	ssub.s32 $0x0, s20;
	[sflag:s22] =	ssyncset.done $0x0  }
0xa1: {  	[sflag:s22] =	ssyncadd.s32 s5;
	_ =	sdelay $0x1  }
0xa2: {  	s23 =	simm.s32 $0x1B8B  }
0xa3: {  	_ =	swait.ge [sflag:s23], $0x1  }
0xa4: {  	[sflag:s23] =	ssyncset.done $0x0  }
0xa5: {  	s25 =	simm.s32 $0x1B8E;
	s24 =	sld [smem:$0x3FFE];
	[sflag:s23] =	ssyncadd.s32 $0xFFFFFFFF  }
0xa6: {  	s26 =	simm.s32 $execute0_lowered;
	[smem:$0x3FD2] =	sst s25  }
0xa7: {  	s6 =	sshll.u32 s26, $0x1;
	_ =	strace $0x80000046;
	[dreg:$0x1] =	wrdreg $0xFFFFFFFF  }
0xa8: {  	s28 =	simm.s32 $_size_execute0_lowered;
	s4 =	sadd.s32 s4, s6;
	[dreg:$0x0] =	wrdreg $0x0  }
0xa9: {  	s6 =	sshll.u32 s28, $0x1;
	[dreg:$0x2] =	wrdreg s4  }
0xaa: {  	[dreg:$0x3] =	wrdreg s6  }
0xab: {  	[dreg:$0x4] =	wrdreg $0xC0  }
0xac: {  	_ =	task [dreg:s8], $0x5FFFF  }
0xad: {  	[dreg:$0x1] =	wrdreg $0xFFFFFFFF  }
0xae: {  	[dreg:$0x0] =	wrdreg $0x60  }
0xaf: {  	[dreg:$0x2] =	wrdreg s24  }
0xb0: {  	[dreg:$0x3] =	wrdreg s2  }
0xb1: {  	[dreg:$0x4] =	wrdreg s18  }
0xb2: {  	[dreg:$0x5] =	wrdreg $0xD8000  }
0xb3: {  	[dreg:$0x6] =	wrdreg $0x9  }
0xb4: {  	_ =	task.clear_ibuf [dreg:s8], $0x7FFFF;
	_ =	strace $0x90000046  }
0xb5: {  	s29 =	simm.s32 $0x9;
	_ =	strace $0x80000048  }
0xb6: {  	_ =	swait.ge [sflag:s29], $0x1  }
0xb7: {  	[sflag:s29] =	ssyncadd.s32 $0xFFFFFFFF  }
0xb8: {  	_ =	strace $0x90000048  }
0xb9: {  	_ =	sfence  }
0xba: {  	s30 =	sld [smem:$0x0];
	_ =	sdelay $0x2  }
0xbb: {  	s31 =	sshll.u32 s1, $0xD;
	s1 =	sshrl.u32 s1, $0x2  }
0xbc: {  	s3 =	sand.u32 $0x4000, s31;
	s1 =	sadd.s32 s1, s30  }
0xbd: {  	s0 =	sor.u32 s3, s0;
	s1 =	sshll.u32 s1, $0x11  }
0xbe: {  	s0 =	sor.u32 s1, s0  }
0xbf: {  	s0 =	sadd.s32 $0x8F2B, s0  }
0xc0: {  	[sflag:s0] =	ssyncadd.remote.s32 $0x1  }
0xc1: {  	_ =	sfence.sel $0xFFFF  }
0xc2: {  	[dreg:$0x0] =	wrdreg $0xFFFFFFFF;
	(pc) =	sbr.abs _section_cstart, $3  }
0xc3: {  	[dreg:$0x1] =	wrdreg $0xFFFFFFFF  }
0xc4: {  	_ =	task.clear_ibuf [dreg:s8], $0x2FFFF;
	_ =	strace $0x9FFFFFFF  }
0xc5: {  	(tm) =	ssettm $0x7FFFFFFF  }
tec
execute0_lowered:
.L_overlay_start_1:
0x0: {  	(tag) =	ssettag $0x1  }
0x1: {  	s1 =	rddreg [dreg:$0x0]  }
0x2: {  	s2 =	rddreg [dreg:$0x1]  }
0x3: {  	s0 =	rddreg [dreg:$0x2]  }
0x4: {  	s3 =	rddreg [dreg:$0x3];
	s4 =	simm.s32 $0x0;
	s11 =	stileid.u32  }
0x5: {  	s5 =	srdreg.scid;
	s20 =	simm.s32 $0x2800;
	s9 =	smul.u32 $0x42000, s11  }
0x6: {  	s21 =	simm.s32 $0x4000;
	s22 =	simm.s32 $0x3;
	s8 =	smul.u32 $0x1388, s11  }
0x7: {  	[smem:$0x7FF] =	sst s4;
	s5 =	sand.u32 $0x1, s5;
	s29 =	smul.u32 $0x2100, s11  }
0x8: {  	s6 =	sadd.s32 $0x11200, s1;
	s17 =	smul.u32 $0x6300, s5;
	s5 =	ssub.s32 $0x2, s5  }
0x9: {  	s7 =	sadd.s32 $0x22400, s1;
	s14 =	smul.u32 $0x210, s11;
	s10 =	sshrl.u32 s5, $0x1  }
0xa: {  	_ =	strace $0x80000047;
	s9 =	sshrl.u32 s9, $0x2;
	s5 =	ssub.s32 s5, s10  }
0xb: {  	s16 =	sadd.s32 s9, s3;
	s9 =	sshll.u32 s11, $0x6;
	s10 =	sadd.s32 s0, s29  }
.Ltmp0:
0xc: {  	s30 =	sadd.s32 $0x2100, s17;
	s12 =	sadd.s32 s14, s17;
	(pc) =	sbr.rel .LBB2_1-.Ltmp0, $4  }
0xd: {  	v0 =	vlaneseq.u32;
	s18 =	sadd.s32 $0x4200, s17;
	v1 =	vmov s17;
	s17 =	simm.s32 $0x4;
	s11 =	sor.u32 $0x1C04, s9  }
0xe: {  	v4 =	vmul.u32 $0xFFFFFFFF, v0;
	s13 =	sadd.s32 s14, s30;
	s12 =	sshll.u32 s12, $0x7;
	s14 =	sadd.s32 s14, s18  }
0xf: {  	v5 =	vimm.s32 $0x0;
	s31 =	smax.u32 s5, $0x1;
	s16 =	sshrl.u32 s16, $0x3;
	v3 =	vmov s18;
	s18 =	simm.s32 $0x5  }
0x10: {  	v6 =	vor.u32 $0x2100, v0;
	v4 =	vadd.s32 $0x1388, v4;
	v2 =	vmov s30;
	s13 =	sshll.u32 s13, $0x7;
	s14 =	sshll.u32 s14, $0x7;
	[dreg:$0x6] =	wrdreg s31  }
.LBB2_27:
0x11: {  	s4 =	rddreg [dreg:$0x5]  }
0x12: {  	s0 =	rddreg [dreg:$0x6];
	s4 =	sadd.s32 $0x1, s4  }
0x13: {  	p0 =	sne.s32 s4, s0  }
.Ltmp1:
0x14: {  	_ = 	snop;
	(pc) =	sbr.rel @!p0 .LBB2_28-.Ltmp1, $1  }
0x15: {  	_ =	sdelay $0x3  }
.LBB2_1:
0x16: {  	[dreg:$0x5] =	wrdreg s4  }
0x17: {  	[spmem:s16], [sflag:s11] =	dma.local [hbm:s10], $0x2100  }
.Ltmp2:
0x18: {  	_ =	swait.ge [sflag:s17], $0x2100;
	(pc) =	sbr.rel .LBB2_2-.Ltmp2, $4  }
0x19: {  	[sflag:s17] =	ssyncset.done $0x0  }
0x1a: {  	[sflag:s17] =	ssyncadd.s32 $0xFFFFDF00  }
0x1b: {  	[bflag:$0x0] =	sbarrier.arrive $0xFFFF  }
0x1c: {  	s23 =	simm.s32 $0x0  }
.LBB2_22:
0x1d: {  	_ = 	snop  }
.LBB2_25:
0x1e: {  	p0 =	por p1, !p0  }
0x1f: {  	p1 =	sge.s32 s5, s26;
	[sflag:s0] =	ssyncset.done @!p0 $0x0  }
0x20: {  	s1 =	simm.s32 @!p1 $0x1;
	[sflag:s0] =	ssyncadd.s32 @!p0 $0xFFFFC000  }
0x21: {  	p0 =	sge.s32 @!p1 s30, s26;
	_ =	swait.ge @!p1 [sflag:s1], $0x4000  }
0x22: {  	p0 =	por p0, p1;
	[sflag:s1] =	ssyncset.done @!p1 $0x0  }
0x23: {  	s0 =	simm.s32 @!p0 $0x80;
	s4 =	simm.s32 @!p0 $0x9800;
	[sflag:s1] =	ssyncadd.s32 @!p1 $0xFFFFC000  }
0x24: {  	[tilespmem:s4], [sflag:$0x2] =	stream.indirect.gather @!p0 [hbm4b:s2+s0], $0x80, s29, s0, $0xb8;
	[tilespmem:$0x1E080] =	vst v63  }
0x25: {  	s1 =	simm.s32 @!p1 $0x5800;
	s0 =	simm.s32 @!p1 $0x80;
	s4 =	simm.s32 @!p1 $0x6  }
0x26: {  	[spmem:s3] =	stream.indirect.scatter.add.f32 @!p1 [tilespmem:s1], [sflag:$0x6], $0x80, s28, s0, $0xb8;
	[tilespmem:$0x1E080] =	vst v63  }
0x27: {  	p0 =	sge.s32 s30, s26;
	_ =	swait.ge @!p1 [sflag:s4], $0x4000  }
0x28: {  	s1 =	sadd.s32 @!p0 $0x1, s30;
	[sflag:s4] =	ssyncset.done @!p1 $0x0  }
0x29: {  	s0 =	simm.s32 @!p0 $0x2;
	[sflag:s4] =	ssyncadd.s32 @!p1 $0xFFFFC000;
	p1 =	sge.s32 @!p0 s1, s26  }
0x2a: {  	_ =	swait.ge @!p0 [sflag:s0], $0x4000;
	p1 =	por p1, p0  }
0x2b: {  	s1 =	simm.s32 @!p0 $0x9800;
	[sflag:s0] =	ssyncset.done @!p0 $0x0;
	s4 =	simm.s32 @!p1 $0x80  }
0x2c: {  	s5 =	simm.s32 @!p1 $0x5800;
	[sflag:s0] =	ssyncadd.s32 @!p0 $0xFFFFC000;
	s0 =	sadd.s32 @!p1 $0x80, s29  }
0x2d: {  	[tilespmem:s5], [sflag:$0x1] =	stream.indirect.gather @!p1 [hbm4b:s2+s4], $0x80, s0, s4, $0xb8;
	[tilespmem:$0x1E080] =	vst v63  }
0x2e: {  	s0 =	sadd.s32 @!p0 $0x80, s28;
	s4 =	simm.s32 @!p0 $0x80;
	s5 =	simm.s32 @!p0 $0x5  }
0x2f: {  	[spmem:s3] =	stream.indirect.scatter.add.f32 @!p0 [tilespmem:s1], [sflag:$0x5], $0x80, s0, s4, $0xb8;
	[tilespmem:$0x1E080] =	vst v63  }
0x30: {  	_ =	swait.ge @!p0 [sflag:s5], $0x4000  }
0x31: {  	[sflag:s5] =	ssyncset.done @!p0 $0x0  }
0x32: {  	[sflag:s5] =	ssyncadd.s32 @!p0 $0xFFFFC000  }
.LBB2_26:
0x33: {  	s0 =	sadd.s32 s14, s24  }
0x34: {  	s0 =	sshrl.u32 s0, $0x3  }
0x35: {  	[bflag:$0x0] =	sbarrier.arrive $0xFFFF;
	s0 =	sadd.s32 s7, s0  }
0x36: {  	[hbm:s0], [sflag:s25] =	dma.local [spmem:s16], $0x2100  }
0x37: {  	_ =	swait.ge [sflag:s22], $0x2100  }
0x38: {  	s23 =	sadd.s32 $0x1, s23;
	[sflag:s22] =	ssyncset.done $0x0  }
0x39: {  	p0 =	sne.s32 s23, $0x7;
	[sflag:s22] =	ssyncadd.s32 $0xFFFFDF00  }
0x3a: {  	[spmem:s16], [sflag:s11] =	dma.local [hbm:s10], $0x2100  }
.Ltmp3:
0x3b: {  	_ =	swait.ge [sflag:s17], $0x2100;
	(pc) =	sbr.rel @!p0 .LBB2_27-.Ltmp3, $3  }
0x3c: {  	[sflag:s17] =	ssyncset.done $0x0  }
0x3d: {  	[sflag:s17] =	ssyncadd.s32 $0xFFFFDF00  }
0x3e: {  	[bflag:$0x0] =	sbarrier.arrive $0xFFFF;
	_ =	sdelay $0x1  }
.LBB2_2:
0x3f: {  	s0 =	smul.u32 $0x13880, s23;
	_ =	sdelay $0x1  }
0x40: {  	s0 =	sadd.s32 s8, s0  }
0x41: {  	s1 =	rddreg [dreg:$0x0];
	s0 =	sshrl.u32 s0, $0x3  }
0x42: {  	s24 =	simm.s32 $0x0;
	s5 =	sadd.s32 s1, s0  }
0x43: {  	[tilespmem:s24], [sflag:$0x5] =	stream.linear.gather [hbm4b:s5+s24], $0x1388, $0x38;
	[tilespmem:$0x1E080] =	vst v63  }
0x44: {  	_ =	swait.ge [sflag:s18], $0x1388  }
0x45: {  	[sflag:s18] =	ssyncset.done $0x0  }
0x46: {  	s19 =	simm.s32 $0x1400;
	s0 =	sadd.s32 s6, s0;
	[sflag:s18] =	ssyncadd.s32 $0xFFFFEC78  }
0x47: {  	[tilespmem:s19], [sflag:$0x5] =	stream.linear.gather [hbm4b:s0+s24], $0x1388, $0x38;
	[tilespmem:$0x1E080] =	vst v63  }
0x48: {  	_ =	swait.ge [sflag:s18], $0x1388  }
0x49: {  	[sflag:s18] =	ssyncset.done $0x0  }
0x4a: {  	s25 =	simm.s32 $0x1410;
	[sflag:s18] =	ssyncadd.s32 $0xFFFFEC78  }
0x4b: {  	v7 =	vld [tilespmem:s25+$0xFFFFFFF0];
	_ =	sdelay $0x3  }
0x4c: {  	s26 =	simm.s32 $0x0  }
0x4d: {  	v8 =	vmov s26;
	v7 =	vsub.s32 v7, v1  }
0x4e: {  	vm0 =	vlt.u32 v8, v4;
	vm1 =	vlt.u32 v7, $0x2100  }
0x4f: {  	vm0 =	vmand vm0, vm1  }
0x50: {  	v8 =	vsel vm0, $0x1, v5  }
0x51: {  	(xrf0) =	vadd.scan.msk.s32 $0xffff, v8;
	_ =	sdelay $0x5  }
0x52: {  	v8, _, _ =	vpop (xrf0)  }
0x53: {  	(v2sf) =	vpush v8, $0xF;
	_ =	sdelay $0x5  }
0x54: {  	v9 =	vld [tilespmem:s25+$0x0];
	_ =	sdelay $0x3  }
0x55: {  	s30 =	simm.s32 $0x10  }
0x56: {  	v10 =	vmov s30;
	v9 =	vsub.s32 v9, v1  }
0x57: {  	vm15 =	vlt.u32 v10, v4;
	vm2 =	vlt.u32 v9, $0x2100  }
0x58: {  	vm1 =	vmand vm15, vm2  }
0x59: {  	v10 =	vsel vm1, $0x1, v5  }
0x5a: {  	(xrf0) =	vadd.scan.msk.s32 $0xffff, v10;
	s31 =	spop (v2sf)  }
0x5b: {  	v10 =	vmov s24;
	s28 =	sadd.s32 $0x0, s31  }
0x5c: {  	v10 =	vadd.s32 $0xFFFFFFFF, v10;
	v11 =	vmov s28  }
0x5d: {  	v10 =	vbroadcast v10, $0x0;
	v11 =	vadd.s32 $0xFFFFFFFF, v11;
	_ =	sdelay $0x1  }
0x5e: {  	v12 =	vld [tilespmem:s30+$0xFFFFFFF0];
	v8 =	vadd.s32 v8, v10;
	v10 =	vbroadcast v11, $0x0  }
0x5f: {  	v11, _, _ =	vpop (xrf0)  }
0x60: {  	v13 =	vld [tilespmem:s30+$0x0];
	v10 =	vadd.s32 v11, v10;
	(v2sf) =	vpush v11, $0xF;
	_ =	sdelay $0x2  }
0x61: {  	[tilespmem:v8+s20+$0x0] =	vst.idx.msk vm0, v12  }
0x62: {  	[tilespmem:v8+s21+$0x0] =	vst.idx.msk vm0, v7  }
0x63: {  	[tilespmem:v10+s20+$0x0] =	vst.idx.msk vm1, v13  }
0x64: {  	s26 =	simm.s32 $0x1430;
	[tilespmem:v10+s21+$0x0] =	vst.idx.msk vm1, v9  }
0x65: {  	v8 =	vld [tilespmem:s26+$0xFFFFFFF0]  }
0x66: {  	s29 =	simm.s32 $0x50;
	s25 =	simm.s32 $0x30;
	s24 =	simm.s32 $0x30;
	v7 =	vld [tilespmem:s26+$0x0]  }
.LBB2_3:
0x67: {  	p0 =	sne.s32 s29, $0x1390;
	v9 =	vld [tilespmem:s24+$0x0]  }
0x68: {  	v10 =	vld [tilespmem:s24+$0xFFFFFFF0]  }
0x69: {  	s0 =	sadd.s32 $0xFFFFFFF0, s25  }
0x6a: {  	v11 =	vmov s0;
	v8 =	vsub.s32 v8, v1  }
0x6b: {  	vm0 =	vlt.u32 v11, v4;
	vm1 =	vlt.u32 v8, $0x2100  }
0x6c: {  	vm0 =	vmand vm0, vm1  }
0x6d: {  	v11 =	vsel vm0, $0x1, v5;
	s0 =	spop (v2sf)  }
0x6e: {  	(xrf0) =	vadd.scan.msk.s32 $0xffff, v11;
	s0 =	sadd.s32 s28, s0;
	_ =	sdelay $0x5  }
0x6f: {  	v11, _, _ =	vpop (xrf0)  }
0x70: {  	(v2sf) =	vpush v11, $0xF;
	_ =	sdelay $0x9  }
0x71: {  	v12 =	vmov s25;
	s25 =	smov.u32 s29;
	v7 =	vsub.s32 v7, v1  }
0x72: {  	vm1 =	vlt.u32 v12, v4;
	vm2 =	vlt.u32 v7, $0x2100  }
0x73: {  	vm1 =	vmand vm1, vm2  }
0x74: {  	v12 =	vsel vm1, $0x1, v5  }
0x75: {  	(xrf0) =	vadd.scan.msk.s32 $0xffff, v12  }
0x76: {  	v12 =	vmov s0;
	s5 =	spop (v2sf)  }
0x77: {  	v12 =	vadd.s32 $0xFFFFFFFF, v12;
	s28 =	sadd.s32 s0, s5  }
0x78: {  	v12 =	vbroadcast v12, $0x0;
	v13 =	vmov s28  }
0x79: {  	v14 =	vadd.s32 $0xFFFFFFFF, v13  }
0x7a: {  	v11 =	vadd.s32 v11, v12;
	v12 =	vbroadcast v14, $0x0  }
0x7b: {  	v13, _, _ =	vpop (xrf0)  }
0x7c: {  	v12 =	vadd.s32 v13, v12;
	(v2sf) =	vpush v13, $0xF;
	_ =	sdelay $0x2  }
0x7d: {  	[tilespmem:v11+s20+$0x0] =	vst.idx.msk vm0, v10  }
.Ltmp4:
0x7e: {  	[tilespmem:v11+s21+$0x0] =	vst.idx.msk vm0, v8;
	(pc) =	sbr.rel @p0 .LBB2_3-.Ltmp4, $4  }
0x7f: {  	[tilespmem:v12+s20+$0x0] =	vst.idx.msk vm1, v9  }
0x80: {  	s26 =	sadd.s32 $0x20, s26;
	[tilespmem:v12+s21+$0x0] =	vst.idx.msk vm1, v7  }
0x81: {  	v8 =	vld [tilespmem:s26+$0xFFFFFFF0]  }
0x82: {  	s29 =	sadd.s32 $0x20, s29;
	s24 =	sadd.s32 $0x20, s24;
	v7 =	vld [tilespmem:s26+$0x0]  }
0x83: {  	_ =	sdelay $0x1  }
0x84: {  	s0 =	sadd.s32 $0xFFFFFFF0, s25  }
0x85: {  	v9 =	vmov s0;
	v8 =	vsub.s32 v8, v1  }
0x86: {  	vm0 =	vlt.u32 v9, v4;
	vm1 =	vlt.u32 v8, $0x2100  }
0x87: {  	vm0 =	vmand vm0, vm1  }
0x88: {  	v56 =	vsel vm0, $0x1, v5  }
0x89: {  	(xrf0) =	vadd.scan.msk.s32 $0xffff, v56;
	_ =	sdelay $0x1  }
0x8a: {  	v57 =	vmov s25;
	v7 =	vsub.s32 v7, v1  }
0x8b: {  	vm15 =	vlt.u32 v57, v4;
	vm2 =	vlt.u32 v7, $0x2100  }
0x8c: {  	vm1 =	vmand vm15, vm2  }
0x8d: {  	v58 =	vsel vm1, $0x1, v5  }
0x8e: {  	v10, _, _ =	vpop (xrf0);
	(xrf0) =	vadd.scan.msk.s32 $0xffff, v58  }
0x8f: {  	(v2sf) =	vpush v10, $0xF;
	_ =	sdelay $0x4  }
0x90: {  	v9, _, _ =	vpop (xrf0)  }
0x91: {  	(v2sf) =	vpush v9, $0xF;
	_ =	sdelay $0x6  }
0x92: {  	s30 =	spop (v2sf)  }
0x93: {  	s0 =	sadd.s32 s28, s30  }
0x94: {  	v11 =	vmov s0;
	s5 =	spop (v2sf)  }
0x95: {  	v11 =	vadd.s32 $0xFFFFFFFF, v11;
	s0 =	sadd.s32 s0, s5  }
0x96: {  	v11 =	vbroadcast v11, $0x0;
	v12 =	vmov s0  }
0x97: {  	v12 =	vadd.s32 $0xFFFFFFFF, v12  }
0x98: {  	v13 =	vld [tilespmem:s24+$0xFFFFFFF0];
	v10 =	vadd.s32 v10, v11;
	v59 =	vbroadcast v12, $0x0;
	_ =	sdelay $0x1  }
0x99: {  	v60 =	vld [tilespmem:s24+$0x0];
	v9 =	vadd.s32 v9, v59;
	s31 =	spop (v2sf)  }
0x9a: {  	s0 =	sadd.s32 s0, s31  }
0x9b: {  	v61 =	vadd.s32 s0, v0  }
0x9c: {  	[tilespmem:v10+s20+$0x0] =	vst.idx.msk vm0, v13;
	s5 =	sadd.s32 $0x10, s0  }
0x9d: {  	[tilespmem:v10+s21+$0x0] =	vst.idx.msk vm0, v8;
	v8 =	vadd.s32 s5, v0  }
0x9e: {  	s1 =	sadd.s32 $0x20, s0;
	[tilespmem:v9+s20+$0x0] =	vst.idx.msk vm1, v60  }
0x9f: {  	[tilespmem:v9+s21+$0x0] =	vst.idx.msk vm1, v7;
	v7 =	vadd.s32 s1, v0  }
0xa0: {  	s4 =	sadd.s32 $0x30, s0;
	[tilespmem:v61+s20+$0x0] =	vst.idx.msk $0xffff, v0  }
0xa1: {  	v62 =	vadd.s32 s4, v0;
	[tilespmem:v61+s21+$0x0] =	vst.idx.msk $0xffff, v6  }
0xa2: {  	s15 =	sadd.s32 $0x40, s0;
	[tilespmem:v8+s20+$0x0] =	vst.idx.msk $0xffff, v0  }
0xa3: {  	[tilespmem:v8+s21+$0x0] =	vst.idx.msk $0xffff, v6;
	v8 =	vadd.s32 s15, v0  }
0xa4: {  	s19 =	sadd.s32 $0x50, s0;
	[tilespmem:v7+s20+$0x0] =	vst.idx.msk $0xffff, v0  }
0xa5: {  	[tilespmem:v7+s21+$0x0] =	vst.idx.msk $0xffff, v6;
	v7 =	vadd.s32 s19, v0  }
0xa6: {  	s24 =	sadd.s32 $0x60, s0;
	s25 =	sadd.s32 $0x7F, s0;
	[tilespmem:v62+s20+$0x0] =	vst.idx.msk $0xffff, v0  }
0xa7: {  	s0 =	sadd.s32 $0x70, s0;
	v63 =	vadd.s32 s24, v0;
	s26 =	sand.u32 $0x7F, s25;
	[tilespmem:v62+s21+$0x0] =	vst.idx.msk $0xffff, v6  }
0xa8: {  	s28 =	sshra.s32 s25, $0x1F;
	p0 =	slt.s32 s25, $0x1;
	p1 =	sne.s32 s26, $0x0;
	[tilespmem:v8+s20+$0x0] =	vst.idx.msk $0xffff, v0  }
0xa9: {  	p0 =	por !p0, !p1;
	[tilespmem:v8+s21+$0x0] =	vst.idx.msk $0xffff, v6;
	v8 =	vadd.s32 s0, v0;
	s0 =	sshrl.u32 s28, $0x19  }
0xaa: {  	s5 =	simm.s32 $0x1;
	p0 =	por !p0, !p0;
	[tilespmem:v7+s20+$0x0] =	vst.idx.msk $0xffff, v0;
	s0 =	sadd.s32 s0, s25  }
0xab: {  	s5 =	simm.s32 @!p0 $0x0;
	[tilespmem:v7+s21+$0x0] =	vst.idx.msk $0xffff, v6;
	s0 =	sshra.s32 s0, $0x7  }
0xac: {  	[tilespmem:v63+s20+$0x0] =	vst.idx.msk $0xffff, v0;
	s24 =	ssub.s32 s0, s5  }
0xad: {  	[tilespmem:v63+s21+$0x0] =	vst.idx.msk $0xffff, v6;
	p0 =	slt.s32 s24, $0x1;
	s29 =	sadd.s32 $0x1, s24  }
0xae: {  	p5 =	slt.s32 s24, $0x0;
	[tilespmem:v8+s20+$0x0] =	vst.idx.msk $0xffff, v0;
	s0 =	simm.s32 @!p0 $0x80;
	s30 =	sand.u32 $0x1, s29  }
0xaf: {  	s5 =	simm.s32 @!p0 $0x2800;
	s25 =	simm.s32 @!p0 $0x5800;
	[tilespmem:v8+s21+$0x0] =	vst.idx.msk $0xffff, v6;
	p6 =	seq.s32 s30, $0x1  }
0xb0: {  	[tilespmem:s25], [sflag:$0x1] =	stream.indirect.gather @!p0 [hbm4b:s2+s0], $0x80, s5, s0, $0xb8;
	[tilespmem:$0x1E080] =	vst v63  }
0xb1: {  	s31 =	sshrl.u32 s29, $0x1F;
	p0 =	por !p5, !p6  }
0xb2: {  	s0 =	sadd.s32 s31, s29;
	s5 =	simm.s32 $0x1;
	p0 =	por !p0, !p0  }
0xb3: {  	s0 =	sshra.s32 s0, $0x1;
	s5 =	simm.s32 @!p0 $0x0  }
0xb4: {  	s0 =	ssub.s32 s0, s5  }
0xb5: {  	p0 =	slt.s32 s0, $0x1  }
.Ltmp5:
0xb6: {  	_ = 	snop;
	(pc) =	sbr.rel @p0 .LBB2_10-.Ltmp5, $1  }
0xb7: {  	_ =	sdelay $0x3  }
0xb8: {  	s0 =	sadd.s32 $0xFFFFFFFF, s0  }
0xb9: {  	p1 =	sne.s32 s0, $0x0  }
.Ltmp6:
0xba: {  	_ = 	snop;
	(pc) =	sbr.rel @!p1 .LBB2_6-.Ltmp6, $3  }
0xbb: {  	_ =	sdelay $0x1  }
0xbc: {  	s25 =	simm.s32 $0x4000;
	s28 =	simm.s32 $0x1  }
0xbd: {  	s26 =	simm.s32 $0x2880;
	s31 =	simm.s32 $0x0;
	p0 =	por $0x0, $0x0  }
0xbe: {  	p0 =	sle.s32 s24, $0x0  }
0xbf: {  	s5 =	simm.s32 @!p0 $0x1;
	p1 =	sle.s32 @!p0 s24, $0x1  }
0xc0: {  	_ =	swait.ge @!p0 [sflag:s5], $0x4000;
	p1 =	por p1, p0  }
0xc1: {  	s31 =	simm.s32 $0x2;
	[sflag:s5] =	ssyncset.done @!p0 $0x0;
	s28 =	simm.s32 @!p1 $0x80  }
0xc2: {  	s29 =	simm.s32 @!p1 $0x9800;
	[sflag:s5] =	ssyncadd.s32 @!p0 $0xFFFFC000;
	s5 =	simm.s32 @!p0 $0x80  }
0xc3: {  	[tilespmem:s29], [sflag:$0x2] =	stream.indirect.gather @!p1 [hbm4b:s2+s28], $0x80, s26, s28, $0xb8;
	[tilespmem:$0x1E080] =	vst v63  }
0xc4: {  	s26 =	simm.s32 @!p0 $0x5800;
	s28 =	simm.s32 @!p0 $0x6;
	s29 =	sadd.s32 $0xFFFFFFFF, s0  }
0xc5: {  	[spmem:s3] =	stream.indirect.scatter.add.f32 @!p0 [tilespmem:s26], [sflag:$0x6], $0x80, s25, s5, $0xb8;
	[tilespmem:$0x1E080] =	vst v63  }
0xc6: {  	p1 =	sle.s32 s24, $0x1;
	p2 =	sne.s32 s29, $0x0;
	_ =	swait.ge @!p0 [sflag:s28], $0x4000  }
0xc7: {  	s0 =	simm.s32 @!p1 $0x9800;
	s30 =	simm.s32 @!p1 $0x5;
	[sflag:s28] =	ssyncset.done @!p0 $0x0  }
0xc8: {  	s5 =	simm.s32 @!p1 $0x2;
	[sflag:s28] =	ssyncadd.s32 @!p0 $0xFFFFC000;
	p0 =	sle.s32 @!p1 s24, $0x2  }
0xc9: {  	s28 =	simm.s32 $0x3;
	_ =	swait.ge @!p1 [sflag:s5], $0x4000;
	p0 =	por p0, p1  }
0xca: {  	[sflag:s5] =	ssyncset.done @!p1 $0x0;
	s25 =	simm.s32 @!p0 $0x80;
	s26 =	simm.s32 @!p0 $0x5800  }
.Ltmp7:
0xcb: {  	[sflag:s5] =	ssyncadd.s32 @!p1 $0xFFFFC000;
	s5 =	simm.s32 @!p0 $0x2900;
	(pc) =	sbr.rel @!p2 .LBB2_9-.Ltmp7, $4  }
0xcc: {  	[tilespmem:s26], [sflag:$0x1] =	stream.indirect.gather @!p0 [hbm4b:s2+s25], $0x80, s5, s25, $0xb8;
	[tilespmem:$0x1E080] =	vst v63  }
0xcd: {  	s5 =	simm.s32 @!p1 $0x4080;
	s25 =	simm.s32 @!p1 $0x80;
	s26 =	simm.s32 $0x2980  }
0xce: {  	[spmem:s3] =	stream.indirect.scatter.add.f32 @!p1 [tilespmem:s0], [sflag:$0x5], $0x80, s5, s25, $0xb8;
	[tilespmem:$0x1E080] =	vst v63  }
0xcf: {  	p0 =	por $0x1, $0x1;
	s25 =	simm.s32 $0x4100;
	_ =	swait.ge @!p1 [sflag:s30], $0x4000  }
.LBB2_8:
0xd0: {  	s29 =	sadd.s32 $0xFFFFFFFF, s29;
	p3 =	sge.s32 s31, s24;
	[sflag:s30] =	ssyncset.done @!p1 $0x0  }
0xd1: {  	s0 =	simm.s32 @!p3 $0x1;
	p4 =	sge.s32 @!p3 s28, s24;
	[sflag:s30] =	ssyncadd.s32 @!p1 $0xFFFFC000  }
0xd2: {  	p2 =	sne.s32 s29, $0x0;
	_ =	swait.ge @!p3 [sflag:s0], $0x4000;
	p1 =	por p4, p3  }
0xd3: {  	[sflag:s0] =	ssyncset.done @!p3 $0x0;
	s5 =	simm.s32 @!p1 $0x80;
	s30 =	simm.s32 @!p1 $0x9800  }
0xd4: {  	[sflag:s0] =	ssyncadd.s32 @!p3 $0xFFFFC000  }
0xd5: {  	[tilespmem:s30], [sflag:$0x2] =	stream.indirect.gather @!p1 [hbm4b:s2+s5], $0x80, s26, s5, $0xb8;
	[tilespmem:$0x1E080] =	vst v63  }
0xd6: {  	s0 =	simm.s32 @!p3 $0x80;
	s5 =	simm.s32 @!p3 $0x5800;
	s30 =	simm.s32 @!p3 $0x6  }
0xd7: {  	[spmem:s3] =	stream.indirect.scatter.add.f32 @!p3 [tilespmem:s5], [sflag:$0x6], $0x80, s25, s0, $0xb8;
	[tilespmem:$0x1E080] =	vst v63  }
0xd8: {  	_ =	swait.ge @!p3 [sflag:s30], $0x4000  }
0xd9: {  	p1 =	sge.s32 s28, s24;
	[sflag:s30] =	ssyncset.done @!p3 $0x0  }
0xda: {  	s0 =	simm.s32 @!p1 $0x2;
	s5 =	sadd.s32 @!p1 $0x1, s28;
	[sflag:s30] =	ssyncadd.s32 @!p3 $0xFFFFC000  }
0xdb: {  	s15 =	sadd.s32 @!p1 $0x80, s25;
	p3 =	sge.s32 @!p1 s5, s24;
	_ =	swait.ge @!p1 [sflag:s0], $0x4000  }
0xdc: {  	s5 =	simm.s32 @!p1 $0x9800;
	p3 =	por p3, p1;
	[sflag:s0] =	ssyncset.done @!p1 $0x0  }
0xdd: {  	s30 =	simm.s32 @!p3 $0x80;
	[sflag:s0] =	ssyncadd.s32 @!p1 $0xFFFFC000;
	s0 =	sadd.s32 @!p3 $0x80, s26  }
.Ltmp8:
0xde: {  	s4 =	simm.s32 @!p1 $0x80;
	s31 =	simm.s32 @!p3 $0x5800;
	(pc) =	sbr.rel @p2 .LBB2_8-.Ltmp8, $4  }
0xdf: {  	[tilespmem:s31], [sflag:$0x1] =	stream.indirect.gather @!p3 [hbm4b:s2+s30], $0x80, s0, s30, $0xb8;
	[tilespmem:$0x1E080] =	vst v63  }
0xe0: {  	s28 =	sadd.s32 $0x2, s28;
	s26 =	sadd.s32 $0x100, s26;
	s30 =	simm.s32 @!p1 $0x5  }
0xe1: {  	[spmem:s3] =	stream.indirect.scatter.add.f32 @!p1 [tilespmem:s5], [sflag:$0x5], $0x80, s15, s4, $0xb8;
	[tilespmem:$0x1E080] =	vst v63  }
0xe2: {  	s25 =	sadd.s32 $0x100, s25;
	s31 =	sadd.s32 $0xFFFFFFFF, s28;
	_ =	swait.ge @!p1 [sflag:s30], $0x4000  }
.LBB2_9:
0xe3: {  	p0 =	por p1, !p0  }
0xe4: {  	p1 =	sge.s32 s31, s24;
	[sflag:s30] =	ssyncset.done @!p0 $0x0  }
0xe5: {  	s0 =	simm.s32 @!p1 $0x1;
	[sflag:s30] =	ssyncadd.s32 @!p0 $0xFFFFC000  }
0xe6: {  	p0 =	sge.s32 @!p1 s28, s24;
	_ =	swait.ge @!p1 [sflag:s0], $0x4000  }
0xe7: {  	p0 =	por p0, p1;
	[sflag:s0] =	ssyncset.done @!p1 $0x0  }
0xe8: {  	s4 =	simm.s32 @!p0 $0x80;
	s5 =	simm.s32 @!p0 $0x9800;
	[sflag:s0] =	ssyncadd.s32 @!p1 $0xFFFFC000  }
0xe9: {  	[tilespmem:s5], [sflag:$0x2] =	stream.indirect.gather @!p0 [hbm4b:s2+s4], $0x80, s26, s4, $0xb8;
	[tilespmem:$0x1E080] =	vst v63  }
0xea: {  	s0 =	simm.s32 @!p1 $0x80;
	s4 =	simm.s32 @!p1 $0x5800;
	s5 =	simm.s32 @!p1 $0x6  }
0xeb: {  	[spmem:s3] =	stream.indirect.scatter.add.f32 @!p1 [tilespmem:s4], [sflag:$0x6], $0x80, s25, s0, $0xb8;
	[tilespmem:$0x1E080] =	vst v63  }
0xec: {  	p0 =	sge.s32 s28, s24;
	_ =	swait.ge @!p1 [sflag:s5], $0x4000  }
0xed: {  	s4 =	sadd.s32 @!p0 $0x1, s28;
	[sflag:s5] =	ssyncset.done @!p1 $0x0  }
0xee: {  	s0 =	simm.s32 @!p0 $0x2;
	[sflag:s5] =	ssyncadd.s32 @!p1 $0xFFFFC000;
	p1 =	sge.s32 @!p0 s4, s24  }
0xef: {  	_ =	swait.ge @!p0 [sflag:s0], $0x4000;
	p1 =	por p1, p0  }
0xf0: {  	s4 =	simm.s32 @!p0 $0x9800;
	[sflag:s0] =	ssyncset.done @!p0 $0x0;
	s5 =	simm.s32 @!p1 $0x80  }
0xf1: {  	s15 =	simm.s32 @!p1 $0x5800;
	[sflag:s0] =	ssyncadd.s32 @!p0 $0xFFFFC000;
	s0 =	sadd.s32 @!p1 $0x80, s26  }
0xf2: {  	[tilespmem:s15], [sflag:$0x1] =	stream.indirect.gather @!p1 [hbm4b:s2+s5], $0x80, s0, s5, $0xb8;
	[tilespmem:$0x1E080] =	vst v63  }
0xf3: {  	s0 =	sadd.s32 @!p0 $0x80, s25;
	s5 =	simm.s32 @!p0 $0x80;
	s15 =	simm.s32 @!p0 $0x5  }
0xf4: {  	[spmem:s3] =	stream.indirect.scatter.add.f32 @!p0 [tilespmem:s4], [sflag:$0x5], $0x80, s0, s5, $0xb8;
	[tilespmem:$0x1E080] =	vst v63  }
0xf5: {  	_ =	swait.ge @!p0 [sflag:s15], $0x4000  }
0xf6: {  	[sflag:s15] =	ssyncset.done @!p0 $0x0  }
0xf7: {  	[sflag:s15] =	ssyncadd.s32 @!p0 $0xFFFFC000  }
.LBB2_10:
0xf8: {  	s24 =	smul.u32 $0x630000, s23;
	_ =	sdelay $0x1  }
0xf9: {  	s0 =	sadd.s32 s12, s24  }
0xfa: {  	[bflag:$0x0] =	sbarrier.arrive $0xFFFF;
	s0 =	sshrl.u32 s0, $0x3  }
0xfb: {  	s25 =	sor.u32 $0x1C03, s9;
	s5 =	simm.s32 $0x1410;
	s0 =	sadd.s32 s7, s0  }
0xfc: {  	[hbm:s0], [sflag:s25] =	dma.local [spmem:s16], $0x2100  }
0xfd: {  	v7 =	vld [tilespmem:s5+$0xFFFFFFF0];
	_ =	sdelay $0x3  }
0xfe: {  	s4 =	simm.s32 $0x0  }
0xff: {  	v8 =	vmov s4;
	v7 =	vsub.s32 v7, v2  }
0x100: {  	vm0 =	vlt.u32 v8, v4;
	vm1 =	vlt.u32 v7, $0x2100  }
0x101: {  	vm0 =	vmand vm0, vm1  }
0x102: {  	v8 =	vsel vm0, $0x1, v5  }
0x103: {  	(xrf0) =	vadd.scan.msk.s32 $0xffff, v8;
	_ =	sdelay $0x5  }
0x104: {  	v8, _, _ =	vpop (xrf0)  }
0x105: {  	(v2sf) =	vpush v8, $0xF;
	_ =	sdelay $0x5  }
0x106: {  	v9 =	vld [tilespmem:s5+$0x0];
	_ =	sdelay $0x3  }
0x107: {  	s15 =	simm.s32 $0x10  }
0x108: {  	v10 =	vmov s15;
	v9 =	vsub.s32 v9, v2  }
0x109: {  	vm15 =	vlt.u32 v10, v4;
	vm2 =	vlt.u32 v9, $0x2100  }
0x10a: {  	vm1 =	vmand vm15, vm2  }
0x10b: {  	v10 =	vsel vm1, $0x1, v5  }
0x10c: {  	s19 =	simm.s32 $0x0;
	(xrf0) =	vadd.scan.msk.s32 $0xffff, v10;
	s26 =	spop (v2sf)  }
0x10d: {  	v10 =	vmov s19;
	s30 =	sadd.s32 $0x0, s26  }
0x10e: {  	v10 =	vadd.s32 $0xFFFFFFFF, v10;
	v11 =	vmov s30  }
0x10f: {  	v10 =	vbroadcast v10, $0x0;
	v11 =	vadd.s32 $0xFFFFFFFF, v11;
	_ =	sdelay $0x1  }
0x110: {  	v12 =	vld [tilespmem:s15+$0xFFFFFFF0];
	v8 =	vadd.s32 v8, v10;
	v10 =	vbroadcast v11, $0x0  }
0x111: {  	v11, _, _ =	vpop (xrf0)  }
0x112: {  	v13 =	vld [tilespmem:s15+$0x0];
	v10 =	vadd.s32 v11, v10;
	(v2sf) =	vpush v11, $0xF;
	_ =	sdelay $0x2  }
0x113: {  	[tilespmem:v8+s20+$0x0] =	vst.idx.msk vm0, v12  }
0x114: {  	[tilespmem:v8+s21+$0x0] =	vst.idx.msk vm0, v7  }
0x115: {  	[tilespmem:v10+s20+$0x0] =	vst.idx.msk vm1, v13  }
0x116: {  	s29 =	simm.s32 $0x1430;
	[tilespmem:v10+s21+$0x0] =	vst.idx.msk vm1, v9  }
0x117: {  	v8 =	vld [tilespmem:s29+$0xFFFFFFF0]  }
0x118: {  	s31 =	simm.s32 $0x50;
	s28 =	simm.s32 $0x30;
	s26 =	simm.s32 $0x30;
	v7 =	vld [tilespmem:s29+$0x0]  }
.LBB2_11:
0x119: {  	p0 =	sne.s32 s31, $0x1390;
	v9 =	vld [tilespmem:s26+$0x0]  }
0x11a: {  	v10 =	vld [tilespmem:s26+$0xFFFFFFF0]  }
0x11b: {  	s0 =	sadd.s32 $0xFFFFFFF0, s28  }
0x11c: {  	v11 =	vmov s0;
	v8 =	vsub.s32 v8, v2  }
0x11d: {  	vm0 =	vlt.u32 v11, v4;
	vm1 =	vlt.u32 v8, $0x2100  }
0x11e: {  	vm0 =	vmand vm0, vm1  }
0x11f: {  	v11 =	vsel vm0, $0x1, v5;
	s0 =	spop (v2sf)  }
0x120: {  	(xrf0) =	vadd.scan.msk.s32 $0xffff, v11;
	s0 =	sadd.s32 s30, s0;
	_ =	sdelay $0x5  }
0x121: {  	v11, _, _ =	vpop (xrf0)  }
0x122: {  	(v2sf) =	vpush v11, $0xF;
	_ =	sdelay $0x9  }
0x123: {  	v12 =	vmov s28;
	s28 =	smov.u32 s31;
	v7 =	vsub.s32 v7, v2  }
0x124: {  	vm1 =	vlt.u32 v12, v4;
	vm2 =	vlt.u32 v7, $0x2100  }
0x125: {  	vm1 =	vmand vm1, vm2  }
0x126: {  	v12 =	vsel vm1, $0x1, v5  }
0x127: {  	(xrf0) =	vadd.scan.msk.s32 $0xffff, v12  }
0x128: {  	v12 =	vmov s0;
	s4 =	spop (v2sf)  }
0x129: {  	v12 =	vadd.s32 $0xFFFFFFFF, v12;
	s30 =	sadd.s32 s0, s4  }
0x12a: {  	v12 =	vbroadcast v12, $0x0;
	v13 =	vmov s30  }
0x12b: {  	v14 =	vadd.s32 $0xFFFFFFFF, v13  }
0x12c: {  	v11 =	vadd.s32 v11, v12;
	v12 =	vbroadcast v14, $0x0  }
0x12d: {  	v13, _, _ =	vpop (xrf0)  }
0x12e: {  	v12 =	vadd.s32 v13, v12;
	(v2sf) =	vpush v13, $0xF;
	_ =	sdelay $0x2  }
0x12f: {  	[tilespmem:v11+s20+$0x0] =	vst.idx.msk vm0, v10  }
.Ltmp9:
0x130: {  	[tilespmem:v11+s21+$0x0] =	vst.idx.msk vm0, v8;
	(pc) =	sbr.rel @p0 .LBB2_11-.Ltmp9, $4  }
0x131: {  	[tilespmem:v12+s20+$0x0] =	vst.idx.msk vm1, v9  }
0x132: {  	s29 =	sadd.s32 $0x20, s29;
	[tilespmem:v12+s21+$0x0] =	vst.idx.msk vm1, v7  }
0x133: {  	v8 =	vld [tilespmem:s29+$0xFFFFFFF0]  }
0x134: {  	s31 =	sadd.s32 $0x20, s31;
	s26 =	sadd.s32 $0x20, s26;
	v7 =	vld [tilespmem:s29+$0x0]  }
0x135: {  	_ =	sdelay $0x1  }
0x136: {  	s0 =	sadd.s32 $0xFFFFFFF0, s28  }
0x137: {  	v9 =	vmov s0;
	v8 =	vsub.s32 v8, v2  }
0x138: {  	vm0 =	vlt.u32 v9, v4;
	vm1 =	vlt.u32 v8, $0x2100  }
0x139: {  	vm0 =	vmand vm0, vm1  }
0x13a: {  	v56 =	vsel vm0, $0x1, v5  }
0x13b: {  	(xrf0) =	vadd.scan.msk.s32 $0xffff, v56;
	_ =	sdelay $0x1  }
0x13c: {  	v57 =	vmov s28;
	v7 =	vsub.s32 v7, v2  }
0x13d: {  	vm15 =	vlt.u32 v57, v4;
	vm2 =	vlt.u32 v7, $0x2100  }
0x13e: {  	vm1 =	vmand vm15, vm2  }
0x13f: {  	v58 =	vsel vm1, $0x1, v5  }
0x140: {  	v10, _, _ =	vpop (xrf0);
	(xrf0) =	vadd.scan.msk.s32 $0xffff, v58  }
0x141: {  	(v2sf) =	vpush v10, $0xF;
	_ =	sdelay $0x4  }
0x142: {  	v9, _, _ =	vpop (xrf0)  }
0x143: {  	(v2sf) =	vpush v9, $0xF;
	_ =	sdelay $0x6  }
0x144: {  	s28 =	spop (v2sf)  }
0x145: {  	s0 =	sadd.s32 s30, s28  }
0x146: {  	v11 =	vmov s0;
	s4 =	spop (v2sf)  }
0x147: {  	v11 =	vadd.s32 $0xFFFFFFFF, v11;
	s0 =	sadd.s32 s0, s4  }
0x148: {  	v11 =	vbroadcast v11, $0x0;
	v12 =	vmov s0  }
0x149: {  	v12 =	vadd.s32 $0xFFFFFFFF, v12  }
0x14a: {  	v13 =	vld [tilespmem:s26+$0xFFFFFFF0];
	v10 =	vadd.s32 v10, v11;
	v59 =	vbroadcast v12, $0x0;
	_ =	sdelay $0x1  }
0x14b: {  	v60 =	vld [tilespmem:s26+$0x0];
	v9 =	vadd.s32 v9, v59;
	s29 =	spop (v2sf)  }
0x14c: {  	s0 =	sadd.s32 s0, s29  }
0x14d: {  	v61 =	vadd.s32 s0, v0  }
0x14e: {  	[tilespmem:v10+s20+$0x0] =	vst.idx.msk vm0, v13;
	s4 =	sadd.s32 $0x10, s0  }
0x14f: {  	[tilespmem:v10+s21+$0x0] =	vst.idx.msk vm0, v8;
	v8 =	vadd.s32 s4, v0  }
0x150: {  	s30 =	sadd.s32 $0x20, s0;
	[tilespmem:v9+s20+$0x0] =	vst.idx.msk vm1, v60  }
0x151: {  	[tilespmem:v9+s21+$0x0] =	vst.idx.msk vm1, v7;
	v7 =	vadd.s32 s30, v0  }
0x152: {  	s31 =	sadd.s32 $0x30, s0;
	[tilespmem:v61+s20+$0x0] =	vst.idx.msk $0xffff, v0  }
0x153: {  	v62 =	vadd.s32 s31, v0;
	[tilespmem:v61+s21+$0x0] =	vst.idx.msk $0xffff, v6  }
0x154: {  	s1 =	sadd.s32 $0x40, s0;
	[tilespmem:v8+s20+$0x0] =	vst.idx.msk $0xffff, v0  }
0x155: {  	[tilespmem:v8+s21+$0x0] =	vst.idx.msk $0xffff, v6;
	v8 =	vadd.s32 s1, v0  }
0x156: {  	s5 =	sadd.s32 $0x50, s0;
	[tilespmem:v7+s20+$0x0] =	vst.idx.msk $0xffff, v0  }
0x157: {  	[tilespmem:v7+s21+$0x0] =	vst.idx.msk $0xffff, v6;
	v7 =	vadd.s32 s5, v0  }
0x158: {  	s15 =	sadd.s32 $0x60, s0;
	[tilespmem:v62+s20+$0x0] =	vst.idx.msk $0xffff, v0  }
0x159: {  	v63 =	vadd.s32 s15, v0;
	[tilespmem:v62+s21+$0x0] =	vst.idx.msk $0xffff, v6  }
0x15a: {  	s19 =	sadd.s32 $0x70, s0;
	[tilespmem:v8+s20+$0x0] =	vst.idx.msk $0xffff, v0  }
0x15b: {  	[tilespmem:v8+s21+$0x0] =	vst.idx.msk $0xffff, v6;
	v8 =	vadd.s32 s19, v0  }
0x15c: {  	[tilespmem:v7+s20+$0x0] =	vst.idx.msk $0xffff, v0  }
0x15d: {  	[tilespmem:v7+s21+$0x0] =	vst.idx.msk $0xffff, v6  }
0x15e: {  	s0 =	sadd.s32 $0x7F, s0;
	[tilespmem:v63+s20+$0x0] =	vst.idx.msk $0xffff, v0  }
0x15f: {  	s26 =	sand.u32 $0x7F, s0;
	[tilespmem:v63+s21+$0x0] =	vst.idx.msk $0xffff, v6  }
0x160: {  	p0 =	slt.s32 s0, $0x1;
	p1 =	sne.s32 s26, $0x0;
	s5 =	sshra.s32 s0, $0x1F;
	[tilespmem:v8+s20+$0x0] =	vst.idx.msk $0xffff, v0  }
0x161: {  	s4 =	simm.s32 $0x1;
	p0 =	por !p0, !p1;
	s28 =	sshrl.u32 s5, $0x19;
	[tilespmem:v8+s21+$0x0] =	vst.idx.msk $0xffff, v6  }
0x162: {  	p0 =	por !p0, !p0;
	s0 =	sadd.s32 s28, s0;
	_ =	swait.ge [sflag:s22], $0x2100  }
0x163: {  	s4 =	simm.s32 @!p0 $0x0;
	s0 =	sshra.s32 s0, $0x7;
	[sflag:s22] =	ssyncset.done $0x0  }
0x164: {  	s26 =	ssub.s32 s0, s4;
	[sflag:s22] =	ssyncadd.s32 $0xFFFFDF00  }
0x165: {  	[spmem:s16], [sflag:s11] =	dma.local [hbm:s10], $0x2100  }
0x166: {  	p0 =	slt.s32 s26, $0x1;
	s29 =	sadd.s32 $0x1, s26;
	_ =	swait.ge [sflag:s17], $0x2100  }
0x167: {  	p5 =	slt.s32 s26, $0x0;
	s0 =	simm.s32 @!p0 $0x80;
	[sflag:s17] =	ssyncset.done $0x0  }
0x168: {  	s4 =	simm.s32 @!p0 $0x2800;
	s30 =	sand.u32 $0x1, s29;
	[sflag:s17] =	ssyncadd.s32 $0xFFFFDF00  }
0x169: {  	s5 =	simm.s32 @!p0 $0x5800;
	p6 =	seq.s32 s30, $0x1;
	[bflag:$0x0] =	sbarrier.arrive $0xFFFF  }
0x16a: {  	[tilespmem:s5], [sflag:$0x1] =	stream.indirect.gather @!p0 [hbm4b:s2+s0], $0x80, s4, s0, $0xb8;
	[tilespmem:$0x1E080] =	vst v63  }
0x16b: {  	s31 =	sshrl.u32 s29, $0x1F;
	p0 =	por !p5, !p6  }
0x16c: {  	s0 =	sadd.s32 s31, s29;
	s4 =	simm.s32 $0x1;
	p0 =	por !p0, !p0  }
0x16d: {  	s0 =	sshra.s32 s0, $0x1;
	s4 =	simm.s32 @!p0 $0x0  }
0x16e: {  	s0 =	ssub.s32 s0, s4  }
0x16f: {  	p0 =	slt.s32 s0, $0x1  }
.Ltmp10:
0x170: {  	_ = 	snop;
	(pc) =	sbr.rel @p0 .LBB2_18-.Ltmp10, $1  }
0x171: {  	_ =	sdelay $0x3  }
0x172: {  	s0 =	sadd.s32 $0xFFFFFFFF, s0  }
0x173: {  	p1 =	sne.s32 s0, $0x0  }
.Ltmp11:
0x174: {  	_ = 	snop;
	(pc) =	sbr.rel @!p1 .LBB2_14-.Ltmp11, $3  }
0x175: {  	_ =	sdelay $0x1  }
0x176: {  	s28 =	simm.s32 $0x4000;
	s30 =	simm.s32 $0x1  }
0x177: {  	s29 =	simm.s32 $0x2880;
	s5 =	simm.s32 $0x0;
	p0 =	por $0x0, $0x0  }
0x178: {  	p0 =	sle.s32 s26, $0x0  }
0x179: {  	s4 =	simm.s32 @!p0 $0x1  }
0x17a: {  	s31 =	sadd.s32 $0xFFFFFFFF, s0;
	p1 =	sle.s32 @!p0 s26, $0x1;
	_ =	swait.ge @!p0 [sflag:s4], $0x4000  }
0x17b: {  	s30 =	simm.s32 $0x3;
	p1 =	por p1, p0;
	[sflag:s4] =	ssyncset.done @!p0 $0x0  }
0x17c: {  	s5 =	simm.s32 @!p1 $0x80;
	s15 =	simm.s32 @!p1 $0x9800;
	[sflag:s4] =	ssyncadd.s32 @!p0 $0xFFFFC000  }
0x17d: {  	[tilespmem:s15], [sflag:$0x2] =	stream.indirect.gather @!p1 [hbm4b:s2+s5], $0x80, s29, s5, $0xb8;
	[tilespmem:$0x1E080] =	vst v63  }
0x17e: {  	s4 =	simm.s32 @!p0 $0x80;
	s5 =	simm.s32 @!p0 $0x5800;
	s15 =	simm.s32 @!p0 $0x6  }
0x17f: {  	[spmem:s3] =	stream.indirect.scatter.add.f32 @!p0 [tilespmem:s5], [sflag:$0x6], $0x80, s28, s4, $0xb8;
	[tilespmem:$0x1E080] =	vst v63  }
0x180: {  	p2 =	sne.s32 s31, $0x0;
	p1 =	sle.s32 s26, $0x1;
	_ =	swait.ge @!p0 [sflag:s15], $0x4000  }
0x181: {  	s29 =	simm.s32 $0x2980;
	s4 =	simm.s32 @!p1 $0x2;
	[sflag:s15] =	ssyncset.done @!p0 $0x0  }
0x182: {  	s5 =	simm.s32 @!p1 $0x9800;
	[sflag:s15] =	ssyncadd.s32 @!p0 $0xFFFFC000;
	p0 =	sle.s32 @!p1 s26, $0x2  }
0x183: {  	s28 =	simm.s32 $0x4100;
	_ =	swait.ge @!p1 [sflag:s4], $0x4000;
	p0 =	por p0, p1  }
0x184: {  	[sflag:s4] =	ssyncset.done @!p1 $0x0;
	s0 =	simm.s32 @!p0 $0x2900;
	s15 =	simm.s32 @!p0 $0x5800  }
.Ltmp12:
0x185: {  	[sflag:s4] =	ssyncadd.s32 @!p1 $0xFFFFC000;
	s4 =	simm.s32 @!p0 $0x80;
	(pc) =	sbr.rel @!p2 .LBB2_17-.Ltmp12, $4  }
0x186: {  	[tilespmem:s15], [sflag:$0x1] =	stream.indirect.gather @!p0 [hbm4b:s2+s4], $0x80, s0, s4, $0xb8;
	[tilespmem:$0x1E080] =	vst v63  }
0x187: {  	s4 =	simm.s32 @!p1 $0x4080;
	s15 =	simm.s32 @!p1 $0x80;
	s0 =	simm.s32 @!p1 $0x5  }
0x188: {  	[spmem:s3] =	stream.indirect.scatter.add.f32 @!p1 [tilespmem:s5], [sflag:$0x5], $0x80, s4, s15, $0xb8;
	[tilespmem:$0x1E080] =	vst v63  }
0x189: {  	p0 =	por $0x1, $0x1;
	s5 =	simm.s32 $0x2;
	_ =	swait.ge @!p1 [sflag:s0], $0x4000  }
.LBB2_16:
0x18a: {  	s31 =	sadd.s32 $0xFFFFFFFF, s31;
	p3 =	sge.s32 s5, s26;
	[sflag:s0] =	ssyncset.done @!p1 $0x0  }
0x18b: {  	s4 =	simm.s32 @!p3 $0x1;
	p4 =	sge.s32 @!p3 s30, s26;
	[sflag:s0] =	ssyncadd.s32 @!p1 $0xFFFFC000  }
0x18c: {  	p2 =	sne.s32 s31, $0x0;
	_ =	swait.ge @!p3 [sflag:s4], $0x4000;
	p1 =	por p4, p3  }
0x18d: {  	[sflag:s4] =	ssyncset.done @!p3 $0x0;
	s0 =	simm.s32 @!p1 $0x80;
	s5 =	simm.s32 @!p1 $0x9800  }
0x18e: {  	[sflag:s4] =	ssyncadd.s32 @!p3 $0xFFFFC000  }
0x18f: {  	[tilespmem:s5], [sflag:$0x2] =	stream.indirect.gather @!p1 [hbm4b:s2+s0], $0x80, s29, s0, $0xb8;
	[tilespmem:$0x1E080] =	vst v63  }
0x190: {  	s4 =	simm.s32 @!p3 $0x5800;
	s0 =	simm.s32 @!p3 $0x80;
	s5 =	simm.s32 @!p3 $0x6  }
0x191: {  	[spmem:s3] =	stream.indirect.scatter.add.f32 @!p3 [tilespmem:s4], [sflag:$0x6], $0x80, s28, s0, $0xb8;
	[tilespmem:$0x1E080] =	vst v63  }
0x192: {  	_ =	swait.ge @!p3 [sflag:s5], $0x4000  }
0x193: {  	p1 =	sge.s32 s30, s26;
	[sflag:s5] =	ssyncset.done @!p3 $0x0  }
0x194: {  	s0 =	simm.s32 @!p1 $0x2;
	s4 =	sadd.s32 @!p1 $0x1, s30;
	[sflag:s5] =	ssyncadd.s32 @!p3 $0xFFFFC000  }
0x195: {  	s1 =	sadd.s32 @!p1 $0x80, s28;
	p3 =	sge.s32 @!p1 s4, s26;
	_ =	swait.ge @!p1 [sflag:s0], $0x4000  }
0x196: {  	s4 =	simm.s32 @!p1 $0x9800;
	p3 =	por p3, p1;
	[sflag:s0] =	ssyncset.done @!p1 $0x0  }
0x197: {  	s5 =	simm.s32 @!p3 $0x80;
	[sflag:s0] =	ssyncadd.s32 @!p1 $0xFFFFC000;
	s0 =	sadd.s32 @!p3 $0x80, s29  }
.Ltmp13:
0x198: {  	s19 =	simm.s32 @!p1 $0x80;
	s15 =	simm.s32 @!p3 $0x5800;
	(pc) =	sbr.rel @p2 .LBB2_16-.Ltmp13, $4  }
0x199: {  	[tilespmem:s15], [sflag:$0x1] =	stream.indirect.gather @!p3 [hbm4b:s2+s5], $0x80, s0, s5, $0xb8;
	[tilespmem:$0x1E080] =	vst v63  }
0x19a: {  	s30 =	sadd.s32 $0x2, s30;
	s29 =	sadd.s32 $0x100, s29;
	s0 =	simm.s32 @!p1 $0x5  }
0x19b: {  	[spmem:s3] =	stream.indirect.scatter.add.f32 @!p1 [tilespmem:s4], [sflag:$0x5], $0x80, s1, s19, $0xb8;
	[tilespmem:$0x1E080] =	vst v63  }
0x19c: {  	s28 =	sadd.s32 $0x100, s28;
	s5 =	sadd.s32 $0xFFFFFFFF, s30;
	_ =	swait.ge @!p1 [sflag:s0], $0x4000  }
.LBB2_17:
0x19d: {  	p0 =	por p1, !p0  }
0x19e: {  	p1 =	sge.s32 s5, s26;
	[sflag:s0] =	ssyncset.done @!p0 $0x0  }
0x19f: {  	s1 =	simm.s32 @!p1 $0x1;
	[sflag:s0] =	ssyncadd.s32 @!p0 $0xFFFFC000  }
0x1a0: {  	p0 =	sge.s32 @!p1 s30, s26;
	_ =	swait.ge @!p1 [sflag:s1], $0x4000  }
0x1a1: {  	p0 =	por p0, p1;
	[sflag:s1] =	ssyncset.done @!p1 $0x0  }
0x1a2: {  	s0 =	simm.s32 @!p0 $0x80;
	s4 =	simm.s32 @!p0 $0x9800;
	[sflag:s1] =	ssyncadd.s32 @!p1 $0xFFFFC000  }
0x1a3: {  	[tilespmem:s4], [sflag:$0x2] =	stream.indirect.gather @!p0 [hbm4b:s2+s0], $0x80, s29, s0, $0xb8;
	[tilespmem:$0x1E080] =	vst v63  }
0x1a4: {  	s1 =	simm.s32 @!p1 $0x5800;
	s0 =	simm.s32 @!p1 $0x80;
	s4 =	simm.s32 @!p1 $0x6  }
0x1a5: {  	[spmem:s3] =	stream.indirect.scatter.add.f32 @!p1 [tilespmem:s1], [sflag:$0x6], $0x80, s28, s0, $0xb8;
	[tilespmem:$0x1E080] =	vst v63  }
0x1a6: {  	p0 =	sge.s32 s30, s26;
	_ =	swait.ge @!p1 [sflag:s4], $0x4000  }
0x1a7: {  	s1 =	sadd.s32 @!p0 $0x1, s30;
	[sflag:s4] =	ssyncset.done @!p1 $0x0  }
0x1a8: {  	s0 =	simm.s32 @!p0 $0x2;
	[sflag:s4] =	ssyncadd.s32 @!p1 $0xFFFFC000;
	p1 =	sge.s32 @!p0 s1, s26  }
0x1a9: {  	_ =	swait.ge @!p0 [sflag:s0], $0x4000;
	p1 =	por p1, p0  }
0x1aa: {  	s1 =	simm.s32 @!p0 $0x9800;
	[sflag:s0] =	ssyncset.done @!p0 $0x0;
	s4 =	simm.s32 @!p1 $0x80  }
0x1ab: {  	s5 =	simm.s32 @!p1 $0x5800;
	[sflag:s0] =	ssyncadd.s32 @!p0 $0xFFFFC000;
	s0 =	sadd.s32 @!p1 $0x80, s29  }
0x1ac: {  	[tilespmem:s5], [sflag:$0x1] =	stream.indirect.gather @!p1 [hbm4b:s2+s4], $0x80, s0, s4, $0xb8;
	[tilespmem:$0x1E080] =	vst v63  }
0x1ad: {  	s0 =	sadd.s32 @!p0 $0x80, s28;
	s4 =	simm.s32 @!p0 $0x80;
	s5 =	simm.s32 @!p0 $0x5  }
0x1ae: {  	[spmem:s3] =	stream.indirect.scatter.add.f32 @!p0 [tilespmem:s1], [sflag:$0x5], $0x80, s0, s4, $0xb8;
	[tilespmem:$0x1E080] =	vst v63  }
0x1af: {  	_ =	swait.ge @!p0 [sflag:s5], $0x4000  }
0x1b0: {  	[sflag:s5] =	ssyncset.done @!p0 $0x0  }
0x1b1: {  	[sflag:s5] =	ssyncadd.s32 @!p0 $0xFFFFC000  }
.LBB2_18:
0x1b2: {  	s0 =	sadd.s32 s13, s24  }
0x1b3: {  	s0 =	sshrl.u32 s0, $0x3  }
0x1b4: {  	[bflag:$0x0] =	sbarrier.arrive $0xFFFF;
	s5 =	simm.s32 $0x1410;
	s0 =	sadd.s32 s7, s0  }
0x1b5: {  	[hbm:s0], [sflag:s25] =	dma.local [spmem:s16], $0x2100  }
0x1b6: {  	v7 =	vld [tilespmem:s5+$0xFFFFFFF0];
	_ =	sdelay $0x3  }
0x1b7: {  	s1 =	simm.s32 $0x0  }
0x1b8: {  	v8 =	vmov s1;
	v7 =	vsub.s32 v7, v3  }
0x1b9: {  	vm0 =	vlt.u32 v8, v4;
	vm1 =	vlt.u32 v7, $0x2100  }
0x1ba: {  	vm0 =	vmand vm0, vm1  }
0x1bb: {  	v8 =	vsel vm0, $0x1, v5  }
0x1bc: {  	(xrf0) =	vadd.scan.msk.s32 $0xffff, v8;
	_ =	sdelay $0x5  }
0x1bd: {  	v8, _, _ =	vpop (xrf0)  }
0x1be: {  	(v2sf) =	vpush v8, $0xF;
	_ =	sdelay $0x5  }
0x1bf: {  	v9 =	vld [tilespmem:s5+$0x0];
	_ =	sdelay $0x3  }
0x1c0: {  	s15 =	simm.s32 $0x10  }
0x1c1: {  	v10 =	vmov s15;
	v9 =	vsub.s32 v9, v3  }
0x1c2: {  	vm15 =	vlt.u32 v10, v4;
	vm2 =	vlt.u32 v9, $0x2100  }
0x1c3: {  	vm1 =	vmand vm15, vm2  }
0x1c4: {  	v10 =	vsel vm1, $0x1, v5  }
0x1c5: {  	s19 =	simm.s32 $0x0;
	(xrf0) =	vadd.scan.msk.s32 $0xffff, v10;
	s26 =	spop (v2sf)  }
0x1c6: {  	v10 =	vmov s19;
	s30 =	sadd.s32 $0x0, s26  }
0x1c7: {  	v10 =	vadd.s32 $0xFFFFFFFF, v10;
	v11 =	vmov s30  }
0x1c8: {  	v10 =	vbroadcast v10, $0x0;
	v11 =	vadd.s32 $0xFFFFFFFF, v11;
	_ =	sdelay $0x1  }
0x1c9: {  	v12 =	vld [tilespmem:s15+$0xFFFFFFF0];
	v8 =	vadd.s32 v8, v10;
	v10 =	vbroadcast v11, $0x0  }
0x1ca: {  	v11, _, _ =	vpop (xrf0)  }
0x1cb: {  	v13 =	vld [tilespmem:s15+$0x0];
	v10 =	vadd.s32 v11, v10;
	(v2sf) =	vpush v11, $0xF;
	_ =	sdelay $0x2  }
0x1cc: {  	[tilespmem:v8+s20+$0x0] =	vst.idx.msk vm0, v12  }
0x1cd: {  	[tilespmem:v8+s21+$0x0] =	vst.idx.msk vm0, v7  }
0x1ce: {  	[tilespmem:v10+s20+$0x0] =	vst.idx.msk vm1, v13  }
0x1cf: {  	s29 =	simm.s32 $0x1430;
	[tilespmem:v10+s21+$0x0] =	vst.idx.msk vm1, v9  }
0x1d0: {  	v8 =	vld [tilespmem:s29+$0xFFFFFFF0]  }
0x1d1: {  	s31 =	simm.s32 $0x50;
	s28 =	simm.s32 $0x30;
	s26 =	simm.s32 $0x30;
	v7 =	vld [tilespmem:s29+$0x0]  }
.LBB2_19:
0x1d2: {  	p0 =	sne.s32 s31, $0x1390;
	v9 =	vld [tilespmem:s26+$0x0]  }
0x1d3: {  	v10 =	vld [tilespmem:s26+$0xFFFFFFF0]  }
0x1d4: {  	s0 =	sadd.s32 $0xFFFFFFF0, s28  }
0x1d5: {  	v11 =	vmov s0;
	v8 =	vsub.s32 v8, v3  }
0x1d6: {  	vm0 =	vlt.u32 v11, v4;
	vm1 =	vlt.u32 v8, $0x2100  }
0x1d7: {  	vm0 =	vmand vm0, vm1  }
0x1d8: {  	v11 =	vsel vm0, $0x1, v5;
	s0 =	spop (v2sf)  }
0x1d9: {  	(xrf0) =	vadd.scan.msk.s32 $0xffff, v11;
	s0 =	sadd.s32 s30, s0;
	_ =	sdelay $0x5  }
0x1da: {  	v11, _, _ =	vpop (xrf0)  }
0x1db: {  	(v2sf) =	vpush v11, $0xF;
	_ =	sdelay $0x9  }
0x1dc: {  	v12 =	vmov s28;
	s28 =	smov.u32 s31;
	v7 =	vsub.s32 v7, v3  }
0x1dd: {  	vm1 =	vlt.u32 v12, v4;
	vm2 =	vlt.u32 v7, $0x2100  }
0x1de: {  	vm1 =	vmand vm1, vm2  }
0x1df: {  	v12 =	vsel vm1, $0x1, v5  }
0x1e0: {  	(xrf0) =	vadd.scan.msk.s32 $0xffff, v12  }
0x1e1: {  	v12 =	vmov s0;
	s1 =	spop (v2sf)  }
0x1e2: {  	v12 =	vadd.s32 $0xFFFFFFFF, v12;
	s30 =	sadd.s32 s0, s1  }
0x1e3: {  	v12 =	vbroadcast v12, $0x0;
	v13 =	vmov s30  }
0x1e4: {  	v14 =	vadd.s32 $0xFFFFFFFF, v13  }
0x1e5: {  	v11 =	vadd.s32 v11, v12;
	v12 =	vbroadcast v14, $0x0  }
0x1e6: {  	v13, _, _ =	vpop (xrf0)  }
0x1e7: {  	v12 =	vadd.s32 v13, v12;
	(v2sf) =	vpush v13, $0xF;
	_ =	sdelay $0x2  }
0x1e8: {  	[tilespmem:v11+s20+$0x0] =	vst.idx.msk vm0, v10  }
.Ltmp14:
0x1e9: {  	[tilespmem:v11+s21+$0x0] =	vst.idx.msk vm0, v8;
	(pc) =	sbr.rel @p0 .LBB2_19-.Ltmp14, $4  }
0x1ea: {  	[tilespmem:v12+s20+$0x0] =	vst.idx.msk vm1, v9  }
0x1eb: {  	s29 =	sadd.s32 $0x20, s29;
	[tilespmem:v12+s21+$0x0] =	vst.idx.msk vm1, v7  }
0x1ec: {  	v8 =	vld [tilespmem:s29+$0xFFFFFFF0]  }
0x1ed: {  	s31 =	sadd.s32 $0x20, s31;
	s26 =	sadd.s32 $0x20, s26;
	v7 =	vld [tilespmem:s29+$0x0]  }
0x1ee: {  	_ =	sdelay $0x1  }
0x1ef: {  	s0 =	sadd.s32 $0xFFFFFFF0, s28  }
0x1f0: {  	v9 =	vmov s0;
	v8 =	vsub.s32 v8, v3  }
0x1f1: {  	vm0 =	vlt.u32 v9, v4;
	vm1 =	vlt.u32 v8, $0x2100  }
0x1f2: {  	vm0 =	vmand vm0, vm1  }
0x1f3: {  	v56 =	vsel vm0, $0x1, v5  }
0x1f4: {  	(xrf0) =	vadd.scan.msk.s32 $0xffff, v56;
	_ =	sdelay $0x1  }
0x1f5: {  	v57 =	vmov s28;
	v7 =	vsub.s32 v7, v3  }
0x1f6: {  	vm15 =	vlt.u32 v57, v4;
	vm2 =	vlt.u32 v7, $0x2100  }
0x1f7: {  	vm1 =	vmand vm15, vm2  }
0x1f8: {  	v58 =	vsel vm1, $0x1, v5  }
0x1f9: {  	v10, _, _ =	vpop (xrf0);
	(xrf0) =	vadd.scan.msk.s32 $0xffff, v58  }
0x1fa: {  	(v2sf) =	vpush v10, $0xF;
	_ =	sdelay $0x4  }
0x1fb: {  	v9, _, _ =	vpop (xrf0)  }
0x1fc: {  	(v2sf) =	vpush v9, $0xF;
	_ =	sdelay $0x6  }
0x1fd: {  	s28 =	spop (v2sf)  }
0x1fe: {  	s0 =	sadd.s32 s30, s28  }
0x1ff: {  	v11 =	vmov s0;
	s1 =	spop (v2sf)  }
0x200: {  	v11 =	vadd.s32 $0xFFFFFFFF, v11;
	s0 =	sadd.s32 s0, s1  }
0x201: {  	v11 =	vbroadcast v11, $0x0;
	v12 =	vmov s0  }
0x202: {  	v12 =	vadd.s32 $0xFFFFFFFF, v12  }
0x203: {  	v13 =	vld [tilespmem:s26+$0xFFFFFFF0];
	v10 =	vadd.s32 v10, v11;
	v59 =	vbroadcast v12, $0x0;
	_ =	sdelay $0x1  }
0x204: {  	v60 =	vld [tilespmem:s26+$0x0];
	v9 =	vadd.s32 v9, v59;
	s29 =	spop (v2sf)  }
0x205: {  	s0 =	sadd.s32 s0, s29  }
0x206: {  	v61 =	vadd.s32 s0, v0  }
0x207: {  	[tilespmem:v10+s20+$0x0] =	vst.idx.msk vm0, v13;
	s1 =	sadd.s32 $0x10, s0  }
0x208: {  	[tilespmem:v10+s21+$0x0] =	vst.idx.msk vm0, v8;
	v8 =	vadd.s32 s1, v0  }
0x209: {  	s30 =	sadd.s32 $0x20, s0;
	[tilespmem:v9+s20+$0x0] =	vst.idx.msk vm1, v60  }
0x20a: {  	[tilespmem:v9+s21+$0x0] =	vst.idx.msk vm1, v7;
	v7 =	vadd.s32 s30, v0  }
0x20b: {  	s31 =	sadd.s32 $0x30, s0;
	[tilespmem:v61+s20+$0x0] =	vst.idx.msk $0xffff, v0  }
0x20c: {  	v62 =	vadd.s32 s31, v0;
	[tilespmem:v61+s21+$0x0] =	vst.idx.msk $0xffff, v6  }
0x20d: {  	s4 =	sadd.s32 $0x40, s0;
	[tilespmem:v8+s20+$0x0] =	vst.idx.msk $0xffff, v0  }
0x20e: {  	[tilespmem:v8+s21+$0x0] =	vst.idx.msk $0xffff, v6;
	v8 =	vadd.s32 s4, v0  }
0x20f: {  	s5 =	sadd.s32 $0x50, s0;
	[tilespmem:v7+s20+$0x0] =	vst.idx.msk $0xffff, v0  }
0x210: {  	[tilespmem:v7+s21+$0x0] =	vst.idx.msk $0xffff, v6;
	v7 =	vadd.s32 s5, v0  }
0x211: {  	s15 =	sadd.s32 $0x60, s0;
	[tilespmem:v62+s20+$0x0] =	vst.idx.msk $0xffff, v0  }
0x212: {  	v63 =	vadd.s32 s15, v0;
	[tilespmem:v62+s21+$0x0] =	vst.idx.msk $0xffff, v6  }
0x213: {  	s19 =	sadd.s32 $0x70, s0;
	[tilespmem:v8+s20+$0x0] =	vst.idx.msk $0xffff, v0  }
0x214: {  	[tilespmem:v8+s21+$0x0] =	vst.idx.msk $0xffff, v6;
	v8 =	vadd.s32 s19, v0  }
0x215: {  	[tilespmem:v7+s20+$0x0] =	vst.idx.msk $0xffff, v0  }
0x216: {  	[tilespmem:v7+s21+$0x0] =	vst.idx.msk $0xffff, v6  }
0x217: {  	s0 =	sadd.s32 $0x7F, s0;
	[tilespmem:v63+s20+$0x0] =	vst.idx.msk $0xffff, v0  }
0x218: {  	s26 =	sand.u32 $0x7F, s0;
	[tilespmem:v63+s21+$0x0] =	vst.idx.msk $0xffff, v6  }
0x219: {  	p0 =	slt.s32 s0, $0x1;
	p1 =	sne.s32 s26, $0x0;
	s4 =	sshra.s32 s0, $0x1F;
	[tilespmem:v8+s20+$0x0] =	vst.idx.msk $0xffff, v0  }
0x21a: {  	s1 =	simm.s32 $0x1;
	p0 =	por !p0, !p1;
	s28 =	sshrl.u32 s4, $0x19;
	[tilespmem:v8+s21+$0x0] =	vst.idx.msk $0xffff, v6  }
0x21b: {  	p0 =	por !p0, !p0;
	s0 =	sadd.s32 s28, s0;
	_ =	swait.ge [sflag:s22], $0x2100  }
0x21c: {  	s1 =	simm.s32 @!p0 $0x0;
	s0 =	sshra.s32 s0, $0x7;
	[sflag:s22] =	ssyncset.done $0x0  }
0x21d: {  	s26 =	ssub.s32 s0, s1;
	[sflag:s22] =	ssyncadd.s32 $0xFFFFDF00  }
0x21e: {  	[spmem:s16], [sflag:s11] =	dma.local [hbm:s10], $0x2100  }
0x21f: {  	p0 =	slt.s32 s26, $0x1;
	s29 =	sadd.s32 $0x1, s26;
	_ =	swait.ge [sflag:s17], $0x2100  }
0x220: {  	p5 =	slt.s32 s26, $0x0;
	s0 =	simm.s32 @!p0 $0x80;
	[sflag:s17] =	ssyncset.done $0x0  }
0x221: {  	s1 =	simm.s32 @!p0 $0x2800;
	s30 =	sand.u32 $0x1, s29;
	[sflag:s17] =	ssyncadd.s32 $0xFFFFDF00  }
0x222: {  	s4 =	simm.s32 @!p0 $0x5800;
	p6 =	seq.s32 s30, $0x1;
	[bflag:$0x0] =	sbarrier.arrive $0xFFFF  }
0x223: {  	[tilespmem:s4], [sflag:$0x1] =	stream.indirect.gather @!p0 [hbm4b:s2+s0], $0x80, s1, s0, $0xb8;
	[tilespmem:$0x1E080] =	vst v63  }
0x224: {  	s31 =	sshrl.u32 s29, $0x1F;
	p0 =	por !p5, !p6  }
0x225: {  	s0 =	sadd.s32 s31, s29;
	s1 =	simm.s32 $0x1;
	p0 =	por !p0, !p0  }
0x226: {  	s0 =	sshra.s32 s0, $0x1;
	s1 =	simm.s32 @!p0 $0x0  }
0x227: {  	s0 =	ssub.s32 s0, s1  }
0x228: {  	p0 =	slt.s32 s0, $0x1  }
.Ltmp15:
0x229: {  	_ = 	snop;
	(pc) =	sbr.rel @p0 .LBB2_26-.Ltmp15, $1  }
0x22a: {  	_ =	sdelay $0x3  }
0x22b: {  	s0 =	sadd.s32 $0xFFFFFFFF, s0  }
0x22c: {  	p1 =	sne.s32 s0, $0x0  }
.Ltmp16:
0x22d: {  	_ = 	snop;
	(pc) =	sbr.rel @!p1 .LBB2_22-.Ltmp16, $3  }
0x22e: {  	_ =	sdelay $0x1  }
0x22f: {  	s28 =	simm.s32 $0x4000;
	s30 =	simm.s32 $0x1  }
0x230: {  	s29 =	simm.s32 $0x2880;
	s5 =	simm.s32 $0x0;
	p0 =	por $0x0, $0x0  }
0x231: {  	p0 =	sle.s32 s26, $0x0  }
0x232: {  	s1 =	simm.s32 @!p0 $0x1  }
0x233: {  	s31 =	sadd.s32 $0xFFFFFFFF, s0;
	p1 =	sle.s32 @!p0 s26, $0x1;
	_ =	swait.ge @!p0 [sflag:s1], $0x4000  }
0x234: {  	s30 =	simm.s32 $0x3;
	p1 =	por p1, p0;
	[sflag:s1] =	ssyncset.done @!p0 $0x0  }
0x235: {  	s4 =	simm.s32 @!p1 $0x80;
	s5 =	simm.s32 @!p1 $0x9800;
	[sflag:s1] =	ssyncadd.s32 @!p0 $0xFFFFC000  }
0x236: {  	[tilespmem:s5], [sflag:$0x2] =	stream.indirect.gather @!p1 [hbm4b:s2+s4], $0x80, s29, s4, $0xb8;
	[tilespmem:$0x1E080] =	vst v63  }
0x237: {  	s1 =	simm.s32 @!p0 $0x80;
	s4 =	simm.s32 @!p0 $0x5800;
	s5 =	simm.s32 @!p0 $0x6  }
0x238: {  	[spmem:s3] =	stream.indirect.scatter.add.f32 @!p0 [tilespmem:s4], [sflag:$0x6], $0x80, s28, s1, $0xb8;
	[tilespmem:$0x1E080] =	vst v63  }
0x239: {  	p2 =	sne.s32 s31, $0x0;
	p1 =	sle.s32 s26, $0x1;
	_ =	swait.ge @!p0 [sflag:s5], $0x4000  }
0x23a: {  	s29 =	simm.s32 $0x2980;
	s1 =	simm.s32 @!p1 $0x2;
	[sflag:s5] =	ssyncset.done @!p0 $0x0  }
0x23b: {  	s4 =	simm.s32 @!p1 $0x9800;
	[sflag:s5] =	ssyncadd.s32 @!p0 $0xFFFFC000;
	p0 =	sle.s32 @!p1 s26, $0x2  }
0x23c: {  	s28 =	simm.s32 $0x4100;
	_ =	swait.ge @!p1 [sflag:s1], $0x4000;
	p0 =	por p0, p1  }
0x23d: {  	[sflag:s1] =	ssyncset.done @!p1 $0x0;
	s0 =	simm.s32 @!p0 $0x2900;
	s5 =	simm.s32 @!p0 $0x5800  }
.Ltmp17:
0x23e: {  	[sflag:s1] =	ssyncadd.s32 @!p1 $0xFFFFC000;
	s1 =	simm.s32 @!p0 $0x80;
	(pc) =	sbr.rel @!p2 .LBB2_25-.Ltmp17, $4  }
0x23f: {  	[tilespmem:s5], [sflag:$0x1] =	stream.indirect.gather @!p0 [hbm4b:s2+s1], $0x80, s0, s1, $0xb8;
	[tilespmem:$0x1E080] =	vst v63  }
0x240: {  	s1 =	simm.s32 @!p1 $0x4080;
	s5 =	simm.s32 @!p1 $0x80;
	s0 =	simm.s32 @!p1 $0x5  }
0x241: {  	[spmem:s3] =	stream.indirect.scatter.add.f32 @!p1 [tilespmem:s4], [sflag:$0x5], $0x80, s1, s5, $0xb8;
	[tilespmem:$0x1E080] =	vst v63  }
0x242: {  	p0 =	por $0x1, $0x1;
	s5 =	simm.s32 $0x2;
	_ =	swait.ge @!p1 [sflag:s0], $0x4000  }
.LBB2_24:
0x243: {  	s31 =	sadd.s32 $0xFFFFFFFF, s31;
	p3 =	sge.s32 s5, s26;
	[sflag:s0] =	ssyncset.done @!p1 $0x0  }
0x244: {  	s1 =	simm.s32 @!p3 $0x1;
	p4 =	sge.s32 @!p3 s30, s26;
	[sflag:s0] =	ssyncadd.s32 @!p1 $0xFFFFC000  }
0x245: {  	p2 =	sne.s32 s31, $0x0;
	_ =	swait.ge @!p3 [sflag:s1], $0x4000;
	p1 =	por p4, p3  }
0x246: {  	[sflag:s1] =	ssyncset.done @!p3 $0x0;
	s0 =	simm.s32 @!p1 $0x80;
	s4 =	simm.s32 @!p1 $0x9800  }
0x247: {  	[sflag:s1] =	ssyncadd.s32 @!p3 $0xFFFFC000  }
0x248: {  	[tilespmem:s4], [sflag:$0x2] =	stream.indirect.gather @!p1 [hbm4b:s2+s0], $0x80, s29, s0, $0xb8;
	[tilespmem:$0x1E080] =	vst v63  }
0x249: {  	s1 =	simm.s32 @!p3 $0x5800;
	s0 =	simm.s32 @!p3 $0x80;
	s4 =	simm.s32 @!p3 $0x6  }
0x24a: {  	[spmem:s3] =	stream.indirect.scatter.add.f32 @!p3 [tilespmem:s1], [sflag:$0x6], $0x80, s28, s0, $0xb8;
	[tilespmem:$0x1E080] =	vst v63  }
0x24b: {  	_ =	swait.ge @!p3 [sflag:s4], $0x4000  }
0x24c: {  	p1 =	sge.s32 s30, s26;
	[sflag:s4] =	ssyncset.done @!p3 $0x0  }
0x24d: {  	s0 =	simm.s32 @!p1 $0x2;
	s1 =	sadd.s32 @!p1 $0x1, s30;
	[sflag:s4] =	ssyncadd.s32 @!p3 $0xFFFFC000  }
0x24e: {  	s15 =	sadd.s32 @!p1 $0x80, s28;
	p3 =	sge.s32 @!p1 s1, s26;
	_ =	swait.ge @!p1 [sflag:s0], $0x4000  }
0x24f: {  	s1 =	simm.s32 @!p1 $0x9800;
	p3 =	por p3, p1;
	[sflag:s0] =	ssyncset.done @!p1 $0x0  }
0x250: {  	s4 =	simm.s32 @!p3 $0x80;
	[sflag:s0] =	ssyncadd.s32 @!p1 $0xFFFFC000;
	s0 =	sadd.s32 @!p3 $0x80, s29  }
.Ltmp18:
0x251: {  	s19 =	simm.s32 @!p1 $0x80;
	s5 =	simm.s32 @!p3 $0x5800;
	(pc) =	sbr.rel @p2 .LBB2_24-.Ltmp18, $4  }
0x252: {  	[tilespmem:s5], [sflag:$0x1] =	stream.indirect.gather @!p3 [hbm4b:s2+s4], $0x80, s0, s4, $0xb8;
	[tilespmem:$0x1E080] =	vst v63  }
0x253: {  	s30 =	sadd.s32 $0x2, s30;
	s29 =	sadd.s32 $0x100, s29;
	s0 =	simm.s32 @!p1 $0x5  }
0x254: {  	[spmem:s3] =	stream.indirect.scatter.add.f32 @!p1 [tilespmem:s1], [sflag:$0x5], $0x80, s15, s19, $0xb8;
	[tilespmem:$0x1E080] =	vst v63  }
0x255: {  	s28 =	sadd.s32 $0x100, s28;
	s5 =	sadd.s32 $0xFFFFFFFF, s30;
	_ =	swait.ge @!p1 [sflag:s0], $0x4000  }
.Ltmp19:
0x256: {  	_ = 	snop;
	(pc) =	sbr.rel .LBB2_25-.Ltmp19, $1  }
0x257: {  	_ =	sdelay $0x3  }
.LBB2_6:
.Ltmp20:
0x258: {  	(pc) =	sbr.rel .LBB2_9-.Ltmp20, $2  }
0x259: {  	_ =	sdelay $0x2  }
0x25a: {  	_ = 	snop  }
.LBB2_14:
.Ltmp21:
0x25b: {  	(pc) =	sbr.rel .LBB2_17-.Ltmp21, $2  }
0x25c: {  	_ =	sdelay $0x2  }
0x25d: {  	_ = 	snop  }
.LBB2_28:
0x25e: {  	_ =	sfence.sel $0x180000  }
0x25f: {  	[bflag:$0x0] =	sbarrier.arrive $0xFFFF  }
0x260: {  	_ =	strace $0x90000047  }
0x261: {  	s0 =	stileid.u32;
	[bflag:$0x2] =	sbarrier.arrive $0xFFFF  }
0x262: {  	p0 =	sne.s32 s0, $0x0;
	s0 =	rddreg [dreg:$0x4]  }
0x263: {  	s0 =	sadd.s32 @!p0 $0x100000, s0  }
0x264: {  	[sflag:s0] =	ssyncadd.tile.s32 @!p0 $0x1;
	_ =	shalt  }
.Lfunc_end2:
_tile_overlayer_lowered:
.L_overlay_start_2:
0x265: {  	(tag) =	ssettag $0x2  }
0x266: {  	s0 =	rddreg [dreg:$0x0];
	s2 =	stileid.u32  }
0x267: {  	s1 =	rddreg [dreg:$0x1];
	p0 =	sne.s32 s2, $0x0  }
0x268: {  	s3 =	rddreg [dreg:$0x2];
	[bflag:$0x3] =	sbarrier.arrive $0xFFFF;
	s2 =	simm.s32 @!p0 $0x1C05  }
0x269: {  	[timem:s3], [sflag:s2] =	dma.local @!p0 [hbm:s0], s1  }
0x26a: {  	s0 =	simm.s32 @!p0 $0x5  }
0x26b: {  	_ =	swait.ge @!p0 [sflag:s0], s1  }
0x26c: {  	s1 =	ssub.s32 @!p0 $0x0, s1;
	[sflag:s0] =	ssyncset.done @!p0 $0x0  }
0x26d: {  	[sflag:s0] =	ssyncadd.s32 @!p0 s1  }
0x26e: {  	[bflag:$0x3] =	sbarrier.arrive $0xFFFF  }
0x26f: {  	_ =	shalt  }

</sc_bundles>
